<compile_context>
chip_gen: v7x
topology: tpu7x:2x2x1
jax: 0.10.2.dev20260603
libtpu: 0.0.44.dev20260713+nightly
codegen_flags: <defaults>
</compile_context>

<pallas_src>
import functools

import jax
import jax.numpy as jnp
from jax import lax
from jax.experimental import pallas as pl
from jax.experimental.pallas import tpu as pltpu
from jax.experimental.pallas import tpu_sc as plsc

N = 10000
P = 10240
E = 320000
D = 128
G = 64
NW = 32
CHUNK = 128
NCH0 = 150
NCH1 = 10
TOTCH = 16 * (NCH0 + NCH1)
RPT = P // 16


@functools.lru_cache(maxsize=None)
def _sc_kernels():
    mesh = plsc.VectorSubcoreMesh(core_axis_name="c", subcore_axis_name="s")

    @functools.partial(
        pl.kernel,
        out_type=jax.ShapeDtypeStruct((2, P, D), jnp.float32),
        mesh=mesh,
        scratch_types=[
            pltpu.VMEM((4, CHUNK), jnp.int32),
            pltpu.VMEM((4, CHUNK), jnp.int32),
            pltpu.VMEM((CHUNK, D), jnp.float32),
            pltpu.VMEM((CHUNK, D), jnp.float32),
            pltpu.VMEM_SHARED((P, D), jnp.float32),
            pltpu.SemaphoreType.DMA,
            pltpu.SemaphoreType.DMA,
            pltpu.SemaphoreType.DMA,
            pltpu.SemaphoreType.DMA,
        ],
    )
    def _agg_kernel(h_hbm, src_hbm, dst_hbm, zeros_hbm, out_hbm,
                    sring, dring, rows_a, rows_b, acc,
                    gsem_a, gsem_b, isem_s, isem_d):
        cid = lax.axis_index("c")
        sid = lax.axis_index("s")
        base = jnp.where(cid == 0, sid * NCH0, 16 * NCH0 + sid * NCH1)
        npair = jnp.where(cid == 0, NCH0 // 2, NCH1 // 2)
        pltpu.sync_copy(zeros_hbm, acc.at[pl.ds(sid * RPT, RPT)])
        pltpu.sync_copy(src_hbm.at[pl.ds(base, 2)], sring.at[pl.ds(0, 2)])
        pltpu.sync_copy(dst_hbm.at[pl.ds(base, 2)], dring.at[pl.ds(0, 2)])
        plsc.subcore_barrier()

        @pl.when(npair > 0)
        def _():
            pltpu.async_copy(h_hbm.at[sring.at[0]], rows_a, gsem_a)

        @pl.loop(0, npair)
        def _(k):
            j = base + k * 2
            p = (k % 2) * 2
            q = 2 - p
            more = k + 1 < npair

            @pl.when(more)
            def _():
                pltpu.async_copy(src_hbm.at[pl.ds(j + 2, 2)],
                                 sring.at[pl.ds(q, 2)], isem_s)
                pltpu.async_copy(dst_hbm.at[pl.ds(j + 2, 2)],
                                 dring.at[pl.ds(q, 2)], isem_d)

            pltpu.async_copy(h_hbm.at[sring.at[p + 1]], rows_b, gsem_b)
            pltpu.make_async_copy(h_hbm.at[sring.at[p]], rows_a,
                                  gsem_a).wait()
            pltpu.sync_copy(rows_a, acc.at[dring.at[p]], add=True)

            @pl.when(more)
            def _():
                pltpu.make_async_copy(src_hbm.at[pl.ds(j + 2, 2)],
                                      sring.at[pl.ds(q, 2)], isem_s).wait()
                pltpu.async_copy(h_hbm.at[sring.at[q]], rows_a, gsem_a)

            pltpu.make_async_copy(h_hbm.at[sring.at[p + 1]], rows_b,
                                  gsem_b).wait()
            pltpu.sync_copy(rows_b, acc.at[dring.at[p + 1]], add=True)

            @pl.when(more)
            def _():
                pltpu.make_async_copy(dst_hbm.at[pl.ds(j + 2, 2)],
                                      dring.at[pl.ds(q, 2)], isem_d).wait()

        plsc.subcore_barrier()
        pltpu.sync_copy(acc.at[pl.ds(sid * RPT, RPT)],
                        out_hbm.at[cid, pl.ds(sid * RPT, RPT)])

    @functools.partial(
        pl.kernel,
        out_type=jax.ShapeDtypeStruct((2, P, D), jnp.float32),
        mesh=mesh,
        scratch_types=[
            pltpu.VMEM((4, CHUNK), jnp.int32),
            pltpu.VMEM((CHUNK, D), jnp.float32),
            pltpu.VMEM_SHARED((P, D), jnp.float32),
            pltpu.SemaphoreType.DMA,
        ],
    )
    def _deg_kernel(dst_hbm, erow_hbm, zeros_hbm, out_hbm,
                    dring, rows_c, acc, isem):
        cid = lax.axis_index("c")
        sid = lax.axis_index("s")
        base = jnp.where(cid == 0, sid * NCH0, 16 * NCH0 + sid * NCH1)
        nchk = jnp.where(cid == 0, NCH0, NCH1)
        pltpu.sync_copy(zeros_hbm, acc.at[pl.ds(sid * RPT, RPT)])
        pltpu.sync_copy(erow_hbm, rows_c)
        pltpu.sync_copy(dst_hbm.at[pl.ds(base, 1)], dring.at[pl.ds(0, 1)])
        plsc.subcore_barrier()

        @pl.loop(0, nchk)
        def _(k):
            p = k % 2
            q = 1 - p
            more = k + 1 < nchk

            @pl.when(more)
            def _():
                pltpu.async_copy(dst_hbm.at[pl.ds(base + k + 1, 1)],
                                 dring.at[pl.ds(q, 1)], isem)

            pltpu.sync_copy(rows_c, acc.at[dring.at[p]], add=True)

            @pl.when(more)
            def _():
                pltpu.make_async_copy(dst_hbm.at[pl.ds(base + k + 1, 1)],
                                      dring.at[pl.ds(q, 1)], isem).wait()

        plsc.subcore_barrier()
        pltpu.sync_copy(acc.at[pl.ds(sid * RPT, RPT)],
                        out_hbm.at[cid, pl.ds(sid * RPT, RPT)])

    return _agg_kernel, _deg_kernel



def _tc1_body(x_ref, w_ref, degs_ref, h_ref, dinv_ref):
    deg = degs_ref[0, :, 0:1] + degs_ref[1, :, 0:1] + 1.0
    rows = lax.broadcasted_iota(jnp.int32, (P, 1), 0)
    dinv = jnp.where(rows < N, lax.rsqrt(deg), 0.0)
    h = jnp.dot(x_ref[...], w_ref[...], preferred_element_type=jnp.float32)
    h_ref[...] = h * dinv
    dinv_ref[...] = dinv


def _tc2_body(agg_ref, hp_ref, dinv_ref, b_ref, w_ref, out_ref):
    dinv = dinv_ref[...]
    s = (agg_ref[0] + agg_ref[1] + hp_ref[...]) * dinv + b_ref[...]
    h = jnp.maximum(s, 0.0)
    out_ref[...] = jnp.dot(h, w_ref[...],
                           preferred_element_type=jnp.float32) * dinv


def _tc3_body(agg_ref, hp_ref, dinv_ref, b_ref, batch_ref,
              wp1_ref, bp1_ref, wp2_ref, bp2_ref, out_ref):
    dinv = dinv_ref[...]
    h3 = jnp.maximum(
        (agg_ref[0] + agg_ref[1] + hp_ref[...]) * dinv + b_ref[...], 0.0)
    gids = lax.broadcasted_iota(jnp.int32, (G, P), 0)
    pm = (batch_ref[...] == gids).astype(jnp.float32)
    counts = jnp.sum(pm, axis=1, keepdims=True)
    summed = jnp.dot(pm, h3, preferred_element_type=jnp.float32)
    pooled = summed / jnp.maximum(counts, 1.0)
    t = jnp.maximum(
        jnp.dot(pooled, wp1_ref[...], preferred_element_type=jnp.float32)
        + bp1_ref[...], 0.0)
    out_ref[...] = jnp.dot(t, wp2_ref[...],
                           preferred_element_type=jnp.float32) + bp2_ref[...]


def _tc1(xp, W0, degs):
    return pl.pallas_call(
        _tc1_body,
        out_shape=[jax.ShapeDtypeStruct((P, D), jnp.float32),
                   jax.ShapeDtypeStruct((P, 1), jnp.float32)],
    )(xp, W0, degs)


def _tc2(agg, hp, dinv, b, Wn):
    return pl.pallas_call(
        _tc2_body,
        out_shape=jax.ShapeDtypeStruct((P, D), jnp.float32),
    )(agg, hp, dinv, b, Wn)


def _tc3(agg, hp, dinv, b, batch_p, Wp1, bp1, Wp2, bp2):
    return pl.pallas_call(
        _tc3_body,
        out_shape=jax.ShapeDtypeStruct((G, 5), jnp.float32),
    )(agg, hp, dinv, b, batch_p, Wp1, bp1, Wp2, bp2)



def kernel(x, edge_index, batch, W0, b0, W1, b1, W2, b2, Wp1, bp1, Wp2, bp2):
    ei = edge_index.astype(jnp.int32)
    npad = TOTCH * CHUNK - E
    src = jnp.concatenate([ei[0], jnp.zeros((npad,), jnp.int32)])
    dst = jnp.concatenate([ei[1], jnp.full((npad,), P - 1, jnp.int32)])
    src3 = src.reshape(TOTCH, CHUNK)
    dst3 = dst.reshape(TOTCH, CHUNK)

    erow = jnp.zeros((CHUNK, D), jnp.float32).at[:, 0].set(1.0)
    zrows = jnp.zeros((RPT, D), jnp.float32)
    xp = jnp.pad(x, ((0, P - N), (0, 0)))
    batch_p = jnp.pad(batch.astype(jnp.int32), (0, P - N),
                      constant_values=G).reshape(1, P)

    _agg_kernel, _deg_kernel = _sc_kernels()
    degs = _deg_kernel(dst3, erow, zrows)
    h0p, dinv = _tc1(xp, W0, degs)
    a0 = _agg_kernel(h0p, src3, dst3, zrows)
    h1p = _tc2(a0, h0p, dinv, b0.reshape(1, D), W1)
    a1 = _agg_kernel(h1p, src3, dst3, zrows)
    h2p = _tc2(a1, h1p, dinv, b1.reshape(1, D), W2)
    a2 = _agg_kernel(h2p, src3, dst3, zrows)
    out = _tc3(a2, h2p, dinv, b2.reshape(1, D), batch_p,
               Wp1, bp1.reshape(1, D), Wp2, bp2.reshape(1, 5))
    return out

# --- scband reference (transcript-rebuilt; emitter-appended) ---
"""Pipeline reference for scband-dnagraph-network-62783831933588 (READ-ONLY COPY).

The authoritative reference and input builder live on the scoring server;
editing this copy changes nothing except your own understanding.
"""

import jax, jax.numpy as jnp
import numpy as np

N_NODES = 10000
N_EDGES = 320000
D_IN = 128
D_H = 128
NUM_GRAPHS = 64


def _init_linear(key, fan_in, fan_out):
    k1, k2 = jax.random.split(key)
    bound = 1.0 / np.sqrt(fan_in)
    W = jax.random.uniform(k1, (fan_in, fan_out), minval=-bound, maxval=bound, dtype=jnp.float32)
    b = jax.random.uniform(k2, (fan_out,), minval=-bound, maxval=bound, dtype=jnp.float32)
    return W, b


def setup_inputs(seed: int = 0) -> dict:
    key = jax.random.key(seed)
    ks = jax.random.split(key, 10)
    x = jax.random.normal(ks[0], (N_NODES, D_IN), dtype=jnp.float32)
    edge_index = jax.random.randint(ks[1], (2, N_EDGES), 0, N_NODES)
    batch = jnp.sort(jax.random.randint(ks[2], (N_NODES,), 0, NUM_GRAPHS))
    W0, b0 = _init_linear(ks[3], D_IN, D_H)
    W1, b1 = _init_linear(ks[4], D_H, D_H)
    W2, b2 = _init_linear(ks[5], D_H, D_H)
    Wp1, bp1 = _init_linear(ks[6], D_H, D_H)
    Wp2, bp2 = _init_linear(ks[7], D_H, 5)
    return {"x": x, "edge_index": edge_index, "batch": batch,
            "W0": W0, "b0": b0, "W1": W1, "b1": b1, "W2": W2, "b2": b2,
            "Wp1": Wp1, "bp1": bp1, "Wp2": Wp2, "bp2": bp2}


def _gcn_conv(x, src, dst, norm, W, b):
    # PyG GCNConv: linear transform, then normalized sum aggregation, then bias
    h = x @ W
    msg = h[src] * norm[:, None]
    out = jax.ops.segment_sum(msg, dst, num_segments=N_NODES)
    return out + b


def reference(x, edge_index, batch, W0, b0, W1, b1, W2, b2, Wp1, bp1, Wp2, bp2):
    # gcn_norm with self-loops (edge weights all ones)
    loop = jnp.arange(N_NODES)
    src = jnp.concatenate([edge_index[0], loop])
    dst = jnp.concatenate([edge_index[1], loop])
    deg = jax.ops.segment_sum(jnp.ones(src.shape[0], dtype=jnp.float32), dst, num_segments=N_NODES)
    dinv = jnp.where(deg > 0, deg ** -0.5, 0.0)
    norm = dinv[src] * dinv[dst]

    h = _gcn_conv(x, src, dst, norm, W0, b0)
    h = jax.nn.relu(h)  # dropout = identity in eval
    h = _gcn_conv(h, src, dst, norm, W1, b1)
    h = jax.nn.relu(h)
    h = _gcn_conv(h, src, dst, norm, W2, b2)
    h = jax.nn.relu(h)

    # global_mean_pool
    summed = jax.ops.segment_sum(h, batch, num_segments=NUM_GRAPHS)
    counts = jax.ops.segment_sum(jnp.ones((N_NODES,), dtype=jnp.float32), batch, num_segments=NUM_GRAPHS)
    pooled = summed / jnp.clip(counts, 1.0)[:, None]

    out = jax.nn.relu(pooled @ Wp1 + bp1) @ Wp2 + bp2
    return out

if __name__ == "__main__":
    import jax
    _d = setup_inputs()
    print(jax.jit(kernel)(*tuple(_d.values())))

</pallas_src>

<mosaic_0001>
#map = affine_map<(d0, d1) -> (0, 0)>
#map1 = affine_map<(d0, d1) -> (0, 0, 0)>
module attributes {stable_mosaic.version = 14 : i64} {
  func.func @_agg_kernel(%arg0: i32, %arg1: i32, %arg2: memref<10240x128xf32, #tpu.memory_space<hbm>>, %arg3: memref<2560x128xi32, #tpu.memory_space<hbm>>, %arg4: memref<2560x128xi32, #tpu.memory_space<hbm>>, %arg5: memref<640x128xf32, #tpu.memory_space<hbm>>, %arg6: memref<2x10240x128xf32, #tpu.memory_space<hbm>>, %arg7: memref<4x128xi32, #tpu.memory_space<vmem>>, %arg8: memref<4x128xi32, #tpu.memory_space<vmem>>, %arg9: memref<128x128xf32, #tpu.memory_space<vmem>>, %arg10: memref<128x128xf32, #tpu.memory_space<vmem>>, %arg11: memref<10240x128xf32, #tpu.memory_space<vmem_shared>>, %arg12: memref<!tpu.dma_semaphore, #tpu.memory_space<semaphore_mem>>, %arg13: memref<!tpu.dma_semaphore, #tpu.memory_space<semaphore_mem>>, %arg14: memref<!tpu.dma_semaphore, #tpu.memory_space<semaphore_mem>>, %arg15: memref<!tpu.dma_semaphore, #tpu.memory_space<semaphore_mem>>) attributes {dimension_semantics = [#tpu.dimension_semantics<core_parallel>, #tpu.dimension_semantics<subcore_parallel>], iteration_bounds = array<i64: 2, 16>, scalar_prefetch = 0 : i64, scratch_operands = 9 : i64, tpu.core_type = #tpu.core_type<sc_vector_subcore>, window_params = [{transform_indices = #map}, {transform_indices = #map}, {transform_indices = #map}, {transform_indices = #map}, {transform_indices = #map1}]} {
    %eq3A = arith.constant 0 : i32
    %eq3A_0 = arith.cmpi eq, %arg0, %eq3A : i32
    %mul3A = arith.constant 150 : i32
    %mul3A_1 = arith.muli %arg1, %mul3A : i32
    %mul3A_2 = arith.constant 10 : i32
    %mul3A_3 = arith.muli %arg1, %mul3A_2 : i32
    %add3A = arith.constant 2400 : i32
    %add3A_4 = arith.addi %add3A, %mul3A_3 : i32
    %select_n3A = arith.select %eq3A_0, %mul3A_1, %add3A_4 : i32
    %eq3A_5 = arith.constant 0 : i32
    %eq3A_6 = arith.cmpi eq, %arg0, %eq3A_5 : i32
    %jit3A = arith.constant 75 : i32
    %jit3A_7 = arith.constant 5 : i32
    %select_n3A_8 = arith.select %eq3A_6, %jit3A, %jit3A_7 : i32
    %mul3A_9 = arith.constant 640 : i32
    %mul3A_10 = arith.muli %arg1, %mul3A_9 : i32
    "tpu.region"() ({
      %run_scoped3A = tpu.sem_alloc : memref<!tpu.dma_semaphore, #tpu.memory_space<semaphore_mem>>
      %dma_start3A = arith.constant 0 : i32
      %dma_start3A_34 = tpu.memref_slice %arg11[%mul3A_10, %dma_start3A] : memref<10240x128xf32, #tpu.memory_space<vmem_shared>> -> memref<640x128xf32, #tpu.memory_space<vmem_shared>>
      tpu.enqueue_dma source(%arg5 : memref<640x128xf32, #tpu.memory_space<hbm>>) target(%dma_start3A_34 : memref<640x128xf32, #tpu.memory_space<vmem_shared>>) target_semaphore(%run_scoped3A : memref<!tpu.dma_semaphore, #tpu.memory_space<semaphore_mem>>)
      %dma_wait3A = arith.constant 0 : i32
      %dma_wait3A_35 = tpu.memref_slice %arg11[%mul3A_10, %dma_wait3A] : memref<10240x128xf32, #tpu.memory_space<vmem_shared>> -> memref<640x128xf32, #tpu.memory_space<vmem_shared>>
      tpu.wait_dma2 semaphore(%run_scoped3A : memref<!tpu.dma_semaphore, #tpu.memory_space<semaphore_mem>>) src(%arg5 : memref<640x128xf32, #tpu.memory_space<hbm>>) dst(%dma_wait3A_35 : memref<640x128xf32, #tpu.memory_space<vmem_shared>>)
      tpu.yield
    }) : () -> ()
    "tpu.region"() ({
      %run_scoped3A = tpu.sem_alloc : memref<!tpu.dma_semaphore, #tpu.memory_space<semaphore_mem>>
      %dma_start3A = arith.constant 0 : i32
      %dma_start3A_34 = arith.constant 0 : i32
      %dma_start3A_35 = tpu.memref_slice %arg7[%dma_start3A, %dma_start3A_34] : memref<4x128xi32, #tpu.memory_space<vmem>> -> memref<2x128xi32, #tpu.memory_space<vmem>>
      %dma_start3A_36 = arith.constant 0 : i32
      %dma_start3A_37 = tpu.memref_slice %arg3[%select_n3A, %dma_start3A_36] : memref<2560x128xi32, #tpu.memory_space<hbm>> -> memref<2x128xi32, #tpu.memory_space<hbm>>
      %dma_start3A_38 = arith.constant 0 : i32
      %dma_start3A_39 = arith.constant 0 : i32
      %dma_start3A_40 = tpu.memref_slice %arg7[%dma_start3A_38, %dma_start3A_39] : memref<4x128xi32, #tpu.memory_space<vmem>> -> memref<2x128xi32, #tpu.memory_space<vmem>>
      %dma_start3A_41 = arith.constant 0 : i32
      %dma_start3A_42 = tpu.memref_slice %arg3[%select_n3A, %dma_start3A_41] : memref<2560x128xi32, #tpu.memory_space<hbm>> -> memref<2x128xi32, #tpu.memory_space<hbm>>
      tpu.enqueue_dma source(%dma_start3A_42 : memref<2x128xi32, #tpu.memory_space<hbm>>) target(%dma_start3A_40 : memref<2x128xi32, #tpu.memory_space<vmem>>) target_semaphore(%run_scoped3A : memref<!tpu.dma_semaphore, #tpu.memory_space<semaphore_mem>>)
      %dma_wait3A = arith.constant 0 : i32
      %dma_wait3A_43 = arith.constant 0 : i32
      %dma_wait3A_44 = tpu.memref_slice %arg7[%dma_wait3A, %dma_wait3A_43] : memref<4x128xi32, #tpu.memory_space<vmem>> -> memref<2x128xi32, #tpu.memory_space<vmem>>
      %dma_wait3A_45 = arith.constant 0 : i32
      %dma_wait3A_46 = tpu.memref_slice %arg3[%select_n3A, %dma_wait3A_45] : memref<2560x128xi32, #tpu.memory_space<hbm>> -> memref<2x128xi32, #tpu.memory_space<hbm>>
      %dma_wait3A_47 = arith.constant 0 : i32
      %dma_wait3A_48 = arith.constant 0 : i32
      %dma_wait3A_49 = tpu.memref_slice %arg7[%dma_wait3A_47, %dma_wait3A_48] : memref<4x128xi32, #tpu.memory_space<vmem>> -> memref<2x128xi32, #tpu.memory_space<vmem>>
      %dma_wait3A_50 = arith.constant 0 : i32
      %dma_wait3A_51 = tpu.memref_slice %arg3[%select_n3A, %dma_wait3A_50] : memref<2560x128xi32, #tpu.memory_space<hbm>> -> memref<2x128xi32, #tpu.memory_space<hbm>>
      tpu.wait_dma2 semaphore(%run_scoped3A : memref<!tpu.dma_semaphore, #tpu.memory_space<semaphore_mem>>) src(%dma_wait3A_51 : memref<2x128xi32, #tpu.memory_space<hbm>>) dst(%dma_wait3A_49 : memref<2x128xi32, #tpu.memory_space<vmem>>)
      tpu.yield
    }) : () -> ()
    "tpu.region"() ({
      %run_scoped3A = tpu.sem_alloc : memref<!tpu.dma_semaphore, #tpu.memory_space<semaphore_mem>>
      %dma_start3A = arith.constant 0 : i32
      %dma_start3A_34 = arith.constant 0 : i32
      %dma_start3A_35 = tpu.memref_slice %arg8[%dma_start3A, %dma_start3A_34] : memref<4x128xi32, #tpu.memory_space<vmem>> -> memref<2x128xi32, #tpu.memory_space<vmem>>
      %dma_start3A_36 = arith.constant 0 : i32
      %dma_start3A_37 = tpu.memref_slice %arg4[%select_n3A, %dma_start3A_36] : memref<2560x128xi32, #tpu.memory_space<hbm>> -> memref<2x128xi32, #tpu.memory_space<hbm>>
      %dma_start3A_38 = arith.constant 0 : i32
      %dma_start3A_39 = arith.constant 0 : i32
      %dma_start3A_40 = tpu.memref_slice %arg8[%dma_start3A_38, %dma_start3A_39] : memref<4x128xi32, #tpu.memory_space<vmem>> -> memref<2x128xi32, #tpu.memory_space<vmem>>
      %dma_start3A_41 = arith.constant 0 : i32
      %dma_start3A_42 = tpu.memref_slice %arg4[%select_n3A, %dma_start3A_41] : memref<2560x128xi32, #tpu.memory_space<hbm>> -> memref<2x128xi32, #tpu.memory_space<hbm>>
      tpu.enqueue_dma source(%dma_start3A_42 : memref<2x128xi32, #tpu.memory_space<hbm>>) target(%dma_start3A_40 : memref<2x128xi32, #tpu.memory_space<vmem>>) target_semaphore(%run_scoped3A : memref<!tpu.dma_semaphore, #tpu.memory_space<semaphore_mem>>)
      %dma_wait3A = arith.constant 0 : i32
      %dma_wait3A_43 = arith.constant 0 : i32
      %dma_wait3A_44 = tpu.memref_slice %arg8[%dma_wait3A, %dma_wait3A_43] : memref<4x128xi32, #tpu.memory_space<vmem>> -> memref<2x128xi32, #tpu.memory_space<vmem>>
      %dma_wait3A_45 = arith.constant 0 : i32
      %dma_wait3A_46 = tpu.memref_slice %arg4[%select_n3A, %dma_wait3A_45] : memref<2560x128xi32, #tpu.memory_space<hbm>> -> memref<2x128xi32, #tpu.memory_space<hbm>>
      %dma_wait3A_47 = arith.constant 0 : i32
      %dma_wait3A_48 = arith.constant 0 : i32
      %dma_wait3A_49 = tpu.memref_slice %arg8[%dma_wait3A_47, %dma_wait3A_48] : memref<4x128xi32, #tpu.memory_space<vmem>> -> memref<2x128xi32, #tpu.memory_space<vmem>>
      %dma_wait3A_50 = arith.constant 0 : i32
      %dma_wait3A_51 = tpu.memref_slice %arg4[%select_n3A, %dma_wait3A_50] : memref<2560x128xi32, #tpu.memory_space<hbm>> -> memref<2x128xi32, #tpu.memory_space<hbm>>
      tpu.wait_dma2 semaphore(%run_scoped3A : memref<!tpu.dma_semaphore, #tpu.memory_space<semaphore_mem>>) src(%dma_wait3A_51 : memref<2x128xi32, #tpu.memory_space<hbm>>) dst(%dma_wait3A_49 : memref<2x128xi32, #tpu.memory_space<vmem>>)
      tpu.yield
    }) : () -> ()
    %barrier3A = arith.constant 0 : index
    tpu.barrier barrier_id(%barrier3A)
    %gt3A = arith.constant 0 : i32
    %gt3A_11 = arith.cmpi sgt, %select_n3A_8, %gt3A : i32
    %convert_element_type3A = arith.extui %gt3A_11 : i1 to i32
    %cond3A = arith.constant 0 : i32
    %cond3A_12 = arith.cmpi ne, %convert_element_type3A, %cond3A : i32
    scf.if %cond3A_12 {
      %dma_start3A = arith.constant 0 : i32
      %dma_start3A_34 = arith.constant 0 : i32
      %dma_start3A_35 = tpu.memref_slice %arg7[%dma_start3A, %dma_start3A_34] : memref<4x128xi32, #tpu.memory_space<vmem>> -> memref<1x128xi32, #tpu.memory_space<vmem>>
      %dma_start3A_36 = tpu.memref_squeeze %dma_start3A_35 : memref<1x128xi32, #tpu.memory_space<vmem>> -> memref<128xi32, #tpu.memory_space<vmem>>
      %dma_start3A_37 = arith.constant 0 : i32
      %dma_start3A_38 = arith.constant 0 : i32
      %dma_start3A_39 = tpu.memref_slice %arg2[%dma_start3A_37, %dma_start3A_38] : memref<10240x128xf32, #tpu.memory_space<hbm>> -> memref<10240x128xf32, #tpu.memory_space<hbm>>
      tpu.enqueue_indirect_dma source(%dma_start3A_39 : memref<10240x128xf32, #tpu.memory_space<hbm>>) target(%arg9 : memref<128x128xf32, #tpu.memory_space<vmem>>) offsets(%dma_start3A_36 : memref<128xi32, #tpu.memory_space<vmem>>) semaphore(%arg12 : memref<!tpu.dma_semaphore, #tpu.memory_space<semaphore_mem>>)
    } else {
    }
    %sub3A = arith.constant 0 : i32
    %sub3A_13 = arith.subi %select_n3A_8, %sub3A : i32
    %sub3A_14 = arith.constant 1 : i32
    %sub3A_15 = arith.constant 1 : i32
    %sub3A_16 = arith.subi %sub3A_14, %sub3A_15 : i32
    %add3A_17 = arith.addi %sub3A_13, %sub3A_16 : i32
    %div3A = arith.constant 1 : i32
    %div3A_18 = arith.divsi %add3A_17, %div3A : i32
    %while3A = arith.constant 1 : i32
    %while3A_19 = arith.constant 0 : i32
    %while3A_20 = arith.constant 0 : i32
    %while3A_21 = arith.subi %div3A_18, %while3A_20 : i32
    %while3A_22 = arith.addi %while3A_20, %while3A_21 : i32
    %while3A_23 = arith.constant 1 : i32
    %while3A_24 = arith.divsi %while3A_21, %while3A_23 : i32
    %while3A_25 = arith.muli %while3A_24, %while3A_23 : i32
    %while3A_26 = arith.addi %while3A_20, %while3A_25 : i32
    %while3A_27 = arith.constant 1 : i32
    scf.for %while3A_34 = %while3A_20 to %while3A_26 step %while3A_27  : i32 {
      %mul3A_35 = arith.muli %while3A_34, %while3A : i32
      %add3A_36 = arith.addi %while3A_19, %mul3A_35 : i32
      %mul3A_37 = arith.constant 2 : i32
      %mul3A_38 = arith.muli %add3A_36, %mul3A_37 : i32
      %add3A_39 = arith.addi %select_n3A, %mul3A_38 : i32
      %jit3A_40 = arith.constant 2 : i32
      %eq3A_41 = arith.constant 0 : i32
      %eq3A_42 = arith.cmpi eq, %jit3A_40, %eq3A_41 : i32
      %jit3A_43 = arith.constant 1 : i32
      %select_n3A_44 = arith.select %eq3A_42, %jit3A_43, %jit3A_40 : i32
      %rem3A = arith.remsi %add3A_36, %select_n3A_44 : i32
      %ne3A = arith.constant 0 : i32
      %ne3A_45 = arith.cmpi ne, %rem3A, %ne3A : i32
      %lt3A = arith.constant 0 : i32
      %lt3A_46 = arith.cmpi slt, %rem3A, %lt3A : i32
      %lt3A_47 = arith.constant 0 : i32
      %lt3A_48 = arith.cmpi slt, %select_n3A_44, %lt3A_47 : i32
      %ne3A_49 = arith.xori %lt3A_46, %lt3A_48 : i1
      %and3A = arith.andi %ne3A_49, %ne3A_45 : i1
      %add3A_50 = arith.addi %rem3A, %select_n3A_44 : i32
      %select_n3A_51 = arith.select %and3A, %add3A_50, %rem3A : i32
      %mul3A_52 = arith.constant 2 : i32
      %mul3A_53 = arith.muli %select_n3A_51, %mul3A_52 : i32
      %sub3A_54 = arith.constant 2 : i32
      %sub3A_55 = arith.subi %sub3A_54, %mul3A_53 : i32
      %add3A_56 = arith.constant 1 : i32
      %add3A_57 = arith.addi %add3A_36, %add3A_56 : i32
      %lt3A_58 = arith.cmpi slt, %add3A_57, %select_n3A_8 : i32
      %convert_element_type3A_59 = arith.extui %lt3A_58 : i1 to i32
      %cond3A_60 = arith.constant 0 : i32
      %cond3A_61 = arith.cmpi ne, %convert_element_type3A_59, %cond3A_60 : i32
      scf.if %cond3A_61 {
        %add3A_90 = arith.constant 2 : i32
        %add3A_91 = arith.addi %add3A_39, %add3A_90 : i32
        %dma_start3A_92 = arith.constant 0 : i32
        %dma_start3A_93 = tpu.memref_slice %arg7[%sub3A_55, %dma_start3A_92] : memref<4x128xi32, #tpu.memory_space<vmem>> -> memref<2x128xi32, #tpu.memory_space<vmem>>
        %dma_start3A_94 = arith.constant 0 : i32
        %dma_start3A_95 = tpu.memref_slice %arg3[%add3A_91, %dma_start3A_94] : memref<2560x128xi32, #tpu.memory_space<hbm>> -> memref<2x128xi32, #tpu.memory_space<hbm>>
        %dma_start3A_96 = arith.constant 0 : i32
        %dma_start3A_97 = tpu.memref_slice %arg7[%sub3A_55, %dma_start3A_96] : memref<4x128xi32, #tpu.memory_space<vmem>> -> memref<2x128xi32, #tpu.memory_space<vmem>>
        %dma_start3A_98 = arith.constant 0 : i32
        %dma_start3A_99 = tpu.memref_slice %arg3[%add3A_91, %dma_start3A_98] : memref<2560x128xi32, #tpu.memory_space<hbm>> -> memref<2x128xi32, #tpu.memory_space<hbm>>
        tpu.enqueue_dma source(%dma_start3A_99 : memref<2x128xi32, #tpu.memory_space<hbm>>) target(%dma_start3A_97 : memref<2x128xi32, #tpu.memory_space<vmem>>) target_semaphore(%arg14 : memref<!tpu.dma_semaphore, #tpu.memory_space<semaphore_mem>>)
        %add3A_100 = arith.constant 2 : i32
        %add3A_101 = arith.addi %add3A_39, %add3A_100 : i32
        %dma_start3A_102 = arith.constant 0 : i32
        %dma_start3A_103 = tpu.memref_slice %arg8[%sub3A_55, %dma_start3A_102] : memref<4x128xi32, #tpu.memory_space<vmem>> -> memref<2x128xi32, #tpu.memory_space<vmem>>
        %dma_start3A_104 = arith.constant 0 : i32
        %dma_start3A_105 = tpu.memref_slice %arg4[%add3A_101, %dma_start3A_104] : memref<2560x128xi32, #tpu.memory_space<hbm>> -> memref<2x128xi32, #tpu.memory_space<hbm>>
        %dma_start3A_106 = arith.constant 0 : i32
        %dma_start3A_107 = tpu.memref_slice %arg8[%sub3A_55, %dma_start3A_106] : memref<4x128xi32, #tpu.memory_space<vmem>> -> memref<2x128xi32, #tpu.memory_space<vmem>>
        %dma_start3A_108 = arith.constant 0 : i32
        %dma_start3A_109 = tpu.memref_slice %arg4[%add3A_101, %dma_start3A_108] : memref<2560x128xi32, #tpu.memory_space<hbm>> -> memref<2x128xi32, #tpu.memory_space<hbm>>
        tpu.enqueue_dma source(%dma_start3A_109 : memref<2x128xi32, #tpu.memory_space<hbm>>) target(%dma_start3A_107 : memref<2x128xi32, #tpu.memory_space<vmem>>) target_semaphore(%arg15 : memref<!tpu.dma_semaphore, #tpu.memory_space<semaphore_mem>>)
      } else {
      }
      %add3A_62 = arith.constant 1 : i32
      %add3A_63 = arith.addi %mul3A_53, %add3A_62 : i32
      %dma_start3A = arith.constant 0 : i32
      %dma_start3A_64 = tpu.memref_slice %arg7[%add3A_63, %dma_start3A] : memref<4x128xi32, #tpu.memory_space<vmem>> -> memref<1x128xi32, #tpu.memory_space<vmem>>
      %dma_start3A_65 = tpu.memref_squeeze %dma_start3A_64 : memref<1x128xi32, #tpu.memory_space<vmem>> -> memref<128xi32, #tpu.memory_space<vmem>>
      %dma_start3A_66 = arith.constant 0 : i32
      %dma_start3A_67 = arith.constant 0 : i32
      %dma_start3A_68 = tpu.memref_slice %arg2[%dma_start3A_66, %dma_start3A_67] : memref<10240x128xf32, #tpu.memory_space<hbm>> -> memref<10240x128xf32, #tpu.memory_space<hbm>>
      tpu.enqueue_indirect_dma source(%dma_start3A_68 : memref<10240x128xf32, #tpu.memory_space<hbm>>) target(%arg10 : memref<128x128xf32, #tpu.memory_space<vmem>>) offsets(%dma_start3A_65 : memref<128xi32, #tpu.memory_space<vmem>>) semaphore(%arg13 : memref<!tpu.dma_semaphore, #tpu.memory_space<semaphore_mem>>)
      %dma_wait3A = arith.constant 0 : i32
      %dma_wait3A_69 = tpu.memref_slice %arg7[%mul3A_53, %dma_wait3A] : memref<4x128xi32, #tpu.memory_space<vmem>> -> memref<1x128xi32, #tpu.memory_space<vmem>>
      %dma_wait3A_70 = tpu.memref_squeeze %dma_wait3A_69 : memref<1x128xi32, #tpu.memory_space<vmem>> -> memref<128xi32, #tpu.memory_space<vmem>>
      %dma_wait3A_71 = arith.constant 0 : i32
      %dma_wait3A_72 = arith.constant 0 : i32
      %dma_wait3A_73 = tpu.memref_slice %arg2[%dma_wait3A_71, %dma_wait3A_72] : memref<10240x128xf32, #tpu.memory_space<hbm>> -> memref<10240x128xf32, #tpu.memory_space<hbm>>
      tpu.wait_indirect_dma semaphore(%arg12 : memref<!tpu.dma_semaphore, #tpu.memory_space<semaphore_mem>>) src(%dma_wait3A_73 : memref<10240x128xf32, #tpu.memory_space<hbm>>) dst(%arg9 : memref<128x128xf32, #tpu.memory_space<vmem>>)
      "tpu.region"() ({
        %run_scoped3A = tpu.sem_alloc : memref<!tpu.dma_semaphore, #tpu.memory_space<semaphore_mem>>
        %dma_start3A_90 = arith.constant 0 : i32
        %dma_start3A_91 = tpu.memref_slice %arg8[%mul3A_53, %dma_start3A_90] : memref<4x128xi32, #tpu.memory_space<vmem>> -> memref<1x128xi32, #tpu.memory_space<vmem>>
        %dma_start3A_92 = tpu.memref_squeeze %dma_start3A_91 : memref<1x128xi32, #tpu.memory_space<vmem>> -> memref<128xi32, #tpu.memory_space<vmem>>
        %dma_start3A_93 = arith.constant 0 : i32
        %dma_start3A_94 = arith.constant 0 : i32
        %dma_start3A_95 = tpu.memref_slice %arg11[%dma_start3A_93, %dma_start3A_94] : memref<10240x128xf32, #tpu.memory_space<vmem_shared>> -> memref<10240x128xf32, #tpu.memory_space<vmem_shared>>
        tpu.enqueue_indirect_dma source(%arg9 : memref<128x128xf32, #tpu.memory_space<vmem>>) target(%dma_start3A_95 : memref<10240x128xf32, #tpu.memory_space<vmem_shared>>) offsets(%dma_start3A_92 : memref<128xi32, #tpu.memory_space<vmem>>) semaphore(%run_scoped3A : memref<!tpu.dma_semaphore, #tpu.memory_space<semaphore_mem>>) {add = true}
        %dma_wait3A_96 = arith.constant 0 : i32
        %dma_wait3A_97 = tpu.memref_slice %arg8[%mul3A_53, %dma_wait3A_96] : memref<4x128xi32, #tpu.memory_space<vmem>> -> memref<1x128xi32, #tpu.memory_space<vmem>>
        %dma_wait3A_98 = tpu.memref_squeeze %dma_wait3A_97 : memref<1x128xi32, #tpu.memory_space<vmem>> -> memref<128xi32, #tpu.memory_space<vmem>>
        %dma_wait3A_99 = arith.constant 0 : i32
        %dma_wait3A_100 = arith.constant 0 : i32
        %dma_wait3A_101 = tpu.memref_slice %arg11[%dma_wait3A_99, %dma_wait3A_100] : memref<10240x128xf32, #tpu.memory_space<vmem_shared>> -> memref<10240x128xf32, #tpu.memory_space<vmem_shared>>
        tpu.wait_indirect_dma semaphore(%run_scoped3A : memref<!tpu.dma_semaphore, #tpu.memory_space<semaphore_mem>>) src(%arg9 : memref<128x128xf32, #tpu.memory_space<vmem>>) dst(%dma_wait3A_101 : memref<10240x128xf32, #tpu.memory_space<vmem_shared>>)
        tpu.yield
      }) : () -> ()
      %convert_element_type3A_74 = arith.extui %lt3A_58 : i1 to i32
      %cond3A_75 = arith.constant 0 : i32
      %cond3A_76 = arith.cmpi ne, %convert_element_type3A_74, %cond3A_75 : i32
      scf.if %cond3A_76 {
        %add3A_90 = arith.constant 2 : i32
        %add3A_91 = arith.addi %add3A_39, %add3A_90 : i32
        %dma_wait3A_92 = arith.constant 0 : i32
        %dma_wait3A_93 = tpu.memref_slice %arg7[%sub3A_55, %dma_wait3A_92] : memref<4x128xi32, #tpu.memory_space<vmem>> -> memref<2x128xi32, #tpu.memory_space<vmem>>
        %dma_wait3A_94 = arith.constant 0 : i32
        %dma_wait3A_95 = tpu.memref_slice %arg3[%add3A_91, %dma_wait3A_94] : memref<2560x128xi32, #tpu.memory_space<hbm>> -> memref<2x128xi32, #tpu.memory_space<hbm>>
        %dma_wait3A_96 = arith.constant 0 : i32
        %dma_wait3A_97 = tpu.memref_slice %arg7[%sub3A_55, %dma_wait3A_96] : memref<4x128xi32, #tpu.memory_space<vmem>> -> memref<2x128xi32, #tpu.memory_space<vmem>>
        %dma_wait3A_98 = arith.constant 0 : i32
        %dma_wait3A_99 = tpu.memref_slice %arg3[%add3A_91, %dma_wait3A_98] : memref<2560x128xi32, #tpu.memory_space<hbm>> -> memref<2x128xi32, #tpu.memory_space<hbm>>
        tpu.wait_dma2 semaphore(%arg14 : memref<!tpu.dma_semaphore, #tpu.memory_space<semaphore_mem>>) src(%dma_wait3A_99 : memref<2x128xi32, #tpu.memory_space<hbm>>) dst(%dma_wait3A_97 : memref<2x128xi32, #tpu.memory_space<vmem>>)
        %dma_start3A_100 = arith.constant 0 : i32
        %dma_start3A_101 = tpu.memref_slice %arg7[%sub3A_55, %dma_start3A_100] : memref<4x128xi32, #tpu.memory_space<vmem>> -> memref<1x128xi32, #tpu.memory_space<vmem>>
        %dma_start3A_102 = tpu.memref_squeeze %dma_start3A_101 : memref<1x128xi32, #tpu.memory_space<vmem>> -> memref<128xi32, #tpu.memory_space<vmem>>
        %dma_start3A_103 = arith.constant 0 : i32
        %dma_start3A_104 = arith.constant 0 : i32
        %dma_start3A_105 = tpu.memref_slice %arg2[%dma_start3A_103, %dma_start3A_104] : memref<10240x128xf32, #tpu.memory_space<hbm>> -> memref<10240x128xf32, #tpu.memory_space<hbm>>
        tpu.enqueue_indirect_dma source(%dma_start3A_105 : memref<10240x128xf32, #tpu.memory_space<hbm>>) target(%arg9 : memref<128x128xf32, #tpu.memory_space<vmem>>) offsets(%dma_start3A_102 : memref<128xi32, #tpu.memory_space<vmem>>) semaphore(%arg12 : memref<!tpu.dma_semaphore, #tpu.memory_space<semaphore_mem>>)
      } else {
      }
      %add3A_77 = arith.constant 1 : i32
      %add3A_78 = arith.addi %mul3A_53, %add3A_77 : i32
      %dma_wait3A_79 = arith.constant 0 : i32
      %dma_wait3A_80 = tpu.memref_slice %arg7[%add3A_78, %dma_wait3A_79] : memref<4x128xi32, #tpu.memory_space<vmem>> -> memref<1x128xi32, #tpu.memory_space<vmem>>
      %dma_wait3A_81 = tpu.memref_squeeze %dma_wait3A_80 : memref<1x128xi32, #tpu.memory_space<vmem>> -> memref<128xi32, #tpu.memory_space<vmem>>
      %dma_wait3A_82 = arith.constant 0 : i32
      %dma_wait3A_83 = arith.constant 0 : i32
      %dma_wait3A_84 = tpu.memref_slice %arg2[%dma_wait3A_82, %dma_wait3A_83] : memref<10240x128xf32, #tpu.memory_space<hbm>> -> memref<10240x128xf32, #tpu.memory_space<hbm>>
      tpu.wait_indirect_dma semaphore(%arg13 : memref<!tpu.dma_semaphore, #tpu.memory_space<semaphore_mem>>) src(%dma_wait3A_84 : memref<10240x128xf32, #tpu.memory_space<hbm>>) dst(%arg10 : memref<128x128xf32, #tpu.memory_space<vmem>>)
      %add3A_85 = arith.constant 1 : i32
      %add3A_86 = arith.addi %mul3A_53, %add3A_85 : i32
      "tpu.region"() ({
        %run_scoped3A = tpu.sem_alloc : memref<!tpu.dma_semaphore, #tpu.memory_space<semaphore_mem>>
        %dma_start3A_90 = arith.constant 0 : i32
        %dma_start3A_91 = tpu.memref_slice %arg8[%add3A_86, %dma_start3A_90] : memref<4x128xi32, #tpu.memory_space<vmem>> -> memref<1x128xi32, #tpu.memory_space<vmem>>
        %dma_start3A_92 = tpu.memref_squeeze %dma_start3A_91 : memref<1x128xi32, #tpu.memory_space<vmem>> -> memref<128xi32, #tpu.memory_space<vmem>>
        %dma_start3A_93 = arith.constant 0 : i32
        %dma_start3A_94 = arith.constant 0 : i32
        %dma_start3A_95 = tpu.memref_slice %arg11[%dma_start3A_93, %dma_start3A_94] : memref<10240x128xf32, #tpu.memory_space<vmem_shared>> -> memref<10240x128xf32, #tpu.memory_space<vmem_shared>>
        tpu.enqueue_indirect_dma source(%arg10 : memref<128x128xf32, #tpu.memory_space<vmem>>) target(%dma_start3A_95 : memref<10240x128xf32, #tpu.memory_space<vmem_shared>>) offsets(%dma_start3A_92 : memref<128xi32, #tpu.memory_space<vmem>>) semaphore(%run_scoped3A : memref<!tpu.dma_semaphore, #tpu.memory_space<semaphore_mem>>) {add = true}
        %dma_wait3A_96 = arith.constant 0 : i32
        %dma_wait3A_97 = tpu.memref_slice %arg8[%add3A_86, %dma_wait3A_96] : memref<4x128xi32, #tpu.memory_space<vmem>> -> memref<1x128xi32, #tpu.memory_space<vmem>>
        %dma_wait3A_98 = tpu.memref_squeeze %dma_wait3A_97 : memref<1x128xi32, #tpu.memory_space<vmem>> -> memref<128xi32, #tpu.memory_space<vmem>>
        %dma_wait3A_99 = arith.constant 0 : i32
        %dma_wait3A_100 = arith.constant 0 : i32
        %dma_wait3A_101 = tpu.memref_slice %arg11[%dma_wait3A_99, %dma_wait3A_100] : memref<10240x128xf32, #tpu.memory_space<vmem_shared>> -> memref<10240x128xf32, #tpu.memory_space<vmem_shared>>
        tpu.wait_indirect_dma semaphore(%run_scoped3A : memref<!tpu.dma_semaphore, #tpu.memory_space<semaphore_mem>>) src(%arg10 : memref<128x128xf32, #tpu.memory_space<vmem>>) dst(%dma_wait3A_101 : memref<10240x128xf32, #tpu.memory_space<vmem_shared>>)
        tpu.yield
      }) : () -> ()
      %convert_element_type3A_87 = arith.extui %lt3A_58 : i1 to i32
      %cond3A_88 = arith.constant 0 : i32
      %cond3A_89 = arith.cmpi ne, %convert_element_type3A_87, %cond3A_88 : i32
      scf.if %cond3A_89 {
        %add3A_90 = arith.constant 2 : i32
        %add3A_91 = arith.addi %add3A_39, %add3A_90 : i32
        %dma_wait3A_92 = arith.constant 0 : i32
        %dma_wait3A_93 = tpu.memref_slice %arg8[%sub3A_55, %dma_wait3A_92] : memref<4x128xi32, #tpu.memory_space<vmem>> -> memref<2x128xi32, #tpu.memory_space<vmem>>
        %dma_wait3A_94 = arith.constant 0 : i32
        %dma_wait3A_95 = tpu.memref_slice %arg4[%add3A_91, %dma_wait3A_94] : memref<2560x128xi32, #tpu.memory_space<hbm>> -> memref<2x128xi32, #tpu.memory_space<hbm>>
        %dma_wait3A_96 = arith.constant 0 : i32
        %dma_wait3A_97 = tpu.memref_slice %arg8[%sub3A_55, %dma_wait3A_96] : memref<4x128xi32, #tpu.memory_space<vmem>> -> memref<2x128xi32, #tpu.memory_space<vmem>>
        %dma_wait3A_98 = arith.constant 0 : i32
        %dma_wait3A_99 = tpu.memref_slice %arg4[%add3A_91, %dma_wait3A_98] : memref<2560x128xi32, #tpu.memory_space<hbm>> -> memref<2x128xi32, #tpu.memory_space<hbm>>
        tpu.wait_dma2 semaphore(%arg15 : memref<!tpu.dma_semaphore, #tpu.memory_space<semaphore_mem>>) src(%dma_wait3A_99 : memref<2x128xi32, #tpu.memory_space<hbm>>) dst(%dma_wait3A_97 : memref<2x128xi32, #tpu.memory_space<vmem>>)
      } else {
      }
    }
    %while3A_28 = arith.constant 1 : i32
    scf.for %while3A_34 = %while3A_26 to %while3A_22 step %while3A_28  : i32 {
      %mul3A_35 = arith.muli %while3A_34, %while3A : i32
      %add3A_36 = arith.addi %while3A_19, %mul3A_35 : i32
      %mul3A_37 = arith.constant 2 : i32
      %mul3A_38 = arith.muli %add3A_36, %mul3A_37 : i32
      %add3A_39 = arith.addi %select_n3A, %mul3A_38 : i32
      %jit3A_40 = arith.constant 2 : i32
      %eq3A_41 = arith.constant 0 : i32
      %eq3A_42 = arith.cmpi eq, %jit3A_40, %eq3A_41 : i32
      %jit3A_43 = arith.constant 1 : i32
      %select_n3A_44 = arith.select %eq3A_42, %jit3A_43, %jit3A_40 : i32
      %rem3A = arith.remsi %add3A_36, %select_n3A_44 : i32
      %ne3A = arith.constant 0 : i32
      %ne3A_45 = arith.cmpi ne, %rem3A, %ne3A : i32
      %lt3A = arith.constant 0 : i32
      %lt3A_46 = arith.cmpi slt, %rem3A, %lt3A : i32
      %lt3A_47 = arith.constant 0 : i32
      %lt3A_48 = arith.cmpi slt, %select_n3A_44, %lt3A_47 : i32
      %ne3A_49 = arith.xori %lt3A_46, %lt3A_48 : i1
      %and3A = arith.andi %ne3A_49, %ne3A_45 : i1
      %add3A_50 = arith.addi %rem3A, %select_n3A_44 : i32
      %select_n3A_51 = arith.select %and3A, %add3A_50, %rem3A : i32
      %mul3A_52 = arith.constant 2 : i32
      %mul3A_53 = arith.muli %select_n3A_51, %mul3A_52 : i32
      %sub3A_54 = arith.constant 2 : i32
      %sub3A_55 = arith.subi %sub3A_54, %mul3A_53 : i32
      %add3A_56 = arith.constant 1 : i32
      %add3A_57 = arith.addi %add3A_36, %add3A_56 : i32
      %lt3A_58 = arith.cmpi slt, %add3A_57, %select_n3A_8 : i32
      %convert_element_type3A_59 = arith.extui %lt3A_58 : i1 to i32
      %cond3A_60 = arith.constant 0 : i32
      %cond3A_61 = arith.cmpi ne, %convert_element_type3A_59, %cond3A_60 : i32
      scf.if %cond3A_61 {
        %add3A_90 = arith.constant 2 : i32
        %add3A_91 = arith.addi %add3A_39, %add3A_90 : i32
        %dma_start3A_92 = arith.constant 0 : i32
        %dma_start3A_93 = tpu.memref_slice %arg7[%sub3A_55, %dma_start3A_92] : memref<4x128xi32, #tpu.memory_space<vmem>> -> memref<2x128xi32, #tpu.memory_space<vmem>>
        %dma_start3A_94 = arith.constant 0 : i32
        %dma_start3A_95 = tpu.memref_slice %arg3[%add3A_91, %dma_start3A_94] : memref<2560x128xi32, #tpu.memory_space<hbm>> -> memref<2x128xi32, #tpu.memory_space<hbm>>
        %dma_start3A_96 = arith.constant 0 : i32
        %dma_start3A_97 = tpu.memref_slice %arg7[%sub3A_55, %dma_start3A_96] : memref<4x128xi32, #tpu.memory_space<vmem>> -> memref<2x128xi32, #tpu.memory_space<vmem>>
        %dma_start3A_98 = arith.constant 0 : i32
        %dma_start3A_99 = tpu.memref_slice %arg3[%add3A_91, %dma_start3A_98] : memref<2560x128xi32, #tpu.memory_space<hbm>> -> memref<2x128xi32, #tpu.memory_space<hbm>>
        tpu.enqueue_dma source(%dma_start3A_99 : memref<2x128xi32, #tpu.memory_space<hbm>>) target(%dma_start3A_97 : memref<2x128xi32, #tpu.memory_space<vmem>>) target_semaphore(%arg14 : memref<!tpu.dma_semaphore, #tpu.memory_space<semaphore_mem>>)
        %add3A_100 = arith.constant 2 : i32
        %add3A_101 = arith.addi %add3A_39, %add3A_100 : i32
        %dma_start3A_102 = arith.constant 0 : i32
        %dma_start3A_103 = tpu.memref_slice %arg8[%sub3A_55, %dma_start3A_102] : memref<4x128xi32, #tpu.memory_space<vmem>> -> memref<2x128xi32, #tpu.memory_space<vmem>>
        %dma_start3A_104 = arith.constant 0 : i32
        %dma_start3A_105 = tpu.memref_slice %arg4[%add3A_101, %dma_start3A_104] : memref<2560x128xi32, #tpu.memory_space<hbm>> -> memref<2x128xi32, #tpu.memory_space<hbm>>
        %dma_start3A_106 = arith.constant 0 : i32
        %dma_start3A_107 = tpu.memref_slice %arg8[%sub3A_55, %dma_start3A_106] : memref<4x128xi32, #tpu.memory_space<vmem>> -> memref<2x128xi32, #tpu.memory_space<vmem>>
        %dma_start3A_108 = arith.constant 0 : i32
        %dma_start3A_109 = tpu.memref_slice %arg4[%add3A_101, %dma_start3A_108] : memref<2560x128xi32, #tpu.memory_space<hbm>> -> memref<2x128xi32, #tpu.memory_space<hbm>>
        tpu.enqueue_dma source(%dma_start3A_109 : memref<2x128xi32, #tpu.memory_space<hbm>>) target(%dma_start3A_107 : memref<2x128xi32, #tpu.memory_space<vmem>>) target_semaphore(%arg15 : memref<!tpu.dma_semaphore, #tpu.memory_space<semaphore_mem>>)
      } else {
      }
      %add3A_62 = arith.constant 1 : i32
      %add3A_63 = arith.addi %mul3A_53, %add3A_62 : i32
      %dma_start3A = arith.constant 0 : i32
      %dma_start3A_64 = tpu.memref_slice %arg7[%add3A_63, %dma_start3A] : memref<4x128xi32, #tpu.memory_space<vmem>> -> memref<1x128xi32, #tpu.memory_space<vmem>>
      %dma_start3A_65 = tpu.memref_squeeze %dma_start3A_64 : memref<1x128xi32, #tpu.memory_space<vmem>> -> memref<128xi32, #tpu.memory_space<vmem>>
      %dma_start3A_66 = arith.constant 0 : i32
      %dma_start3A_67 = arith.constant 0 : i32
      %dma_start3A_68 = tpu.memref_slice %arg2[%dma_start3A_66, %dma_start3A_67] : memref<10240x128xf32, #tpu.memory_space<hbm>> -> memref<10240x128xf32, #tpu.memory_space<hbm>>
      tpu.enqueue_indirect_dma source(%dma_start3A_68 : memref<10240x128xf32, #tpu.memory_space<hbm>>) target(%arg10 : memref<128x128xf32, #tpu.memory_space<vmem>>) offsets(%dma_start3A_65 : memref<128xi32, #tpu.memory_space<vmem>>) semaphore(%arg13 : memref<!tpu.dma_semaphore, #tpu.memory_space<semaphore_mem>>)
      %dma_wait3A = arith.constant 0 : i32
      %dma_wait3A_69 = tpu.memref_slice %arg7[%mul3A_53, %dma_wait3A] : memref<4x128xi32, #tpu.memory_space<vmem>> -> memref<1x128xi32, #tpu.memory_space<vmem>>
      %dma_wait3A_70 = tpu.memref_squeeze %dma_wait3A_69 : memref<1x128xi32, #tpu.memory_space<vmem>> -> memref<128xi32, #tpu.memory_space<vmem>>
      %dma_wait3A_71 = arith.constant 0 : i32
      %dma_wait3A_72 = arith.constant 0 : i32
      %dma_wait3A_73 = tpu.memref_slice %arg2[%dma_wait3A_71, %dma_wait3A_72] : memref<10240x128xf32, #tpu.memory_space<hbm>> -> memref<10240x128xf32, #tpu.memory_space<hbm>>
      tpu.wait_indirect_dma semaphore(%arg12 : memref<!tpu.dma_semaphore, #tpu.memory_space<semaphore_mem>>) src(%dma_wait3A_73 : memref<10240x128xf32, #tpu.memory_space<hbm>>) dst(%arg9 : memref<128x128xf32, #tpu.memory_space<vmem>>)
      "tpu.region"() ({
        %run_scoped3A = tpu.sem_alloc : memref<!tpu.dma_semaphore, #tpu.memory_space<semaphore_mem>>
        %dma_start3A_90 = arith.constant 0 : i32
        %dma_start3A_91 = tpu.memref_slice %arg8[%mul3A_53, %dma_start3A_90] : memref<4x128xi32, #tpu.memory_space<vmem>> -> memref<1x128xi32, #tpu.memory_space<vmem>>
        %dma_start3A_92 = tpu.memref_squeeze %dma_start3A_91 : memref<1x128xi32, #tpu.memory_space<vmem>> -> memref<128xi32, #tpu.memory_space<vmem>>
        %dma_start3A_93 = arith.constant 0 : i32
        %dma_start3A_94 = arith.constant 0 : i32
        %dma_start3A_95 = tpu.memref_slice %arg11[%dma_start3A_93, %dma_start3A_94] : memref<10240x128xf32, #tpu.memory_space<vmem_shared>> -> memref<10240x128xf32, #tpu.memory_space<vmem_shared>>
        tpu.enqueue_indirect_dma source(%arg9 : memref<128x128xf32, #tpu.memory_space<vmem>>) target(%dma_start3A_95 : memref<10240x128xf32, #tpu.memory_space<vmem_shared>>) offsets(%dma_start3A_92 : memref<128xi32, #tpu.memory_space<vmem>>) semaphore(%run_scoped3A : memref<!tpu.dma_semaphore, #tpu.memory_space<semaphore_mem>>) {add = true}
        %dma_wait3A_96 = arith.constant 0 : i32
        %dma_wait3A_97 = tpu.memref_slice %arg8[%mul3A_53, %dma_wait3A_96] : memref<4x128xi32, #tpu.memory_space<vmem>> -> memref<1x128xi32, #tpu.memory_space<vmem>>
        %dma_wait3A_98 = tpu.memref_squeeze %dma_wait3A_97 : memref<1x128xi32, #tpu.memory_space<vmem>> -> memref<128xi32, #tpu.memory_space<vmem>>
        %dma_wait3A_99 = arith.constant 0 : i32
        %dma_wait3A_100 = arith.constant 0 : i32
        %dma_wait3A_101 = tpu.memref_slice %arg11[%dma_wait3A_99, %dma_wait3A_100] : memref<10240x128xf32, #tpu.memory_space<vmem_shared>> -> memref<10240x128xf32, #tpu.memory_space<vmem_shared>>
        tpu.wait_indirect_dma semaphore(%run_scoped3A : memref<!tpu.dma_semaphore, #tpu.memory_space<semaphore_mem>>) src(%arg9 : memref<128x128xf32, #tpu.memory_space<vmem>>) dst(%dma_wait3A_101 : memref<10240x128xf32, #tpu.memory_space<vmem_shared>>)
        tpu.yield
      }) : () -> ()
      %convert_element_type3A_74 = arith.extui %lt3A_58 : i1 to i32
      %cond3A_75 = arith.constant 0 : i32
      %cond3A_76 = arith.cmpi ne, %convert_element_type3A_74, %cond3A_75 : i32
      scf.if %cond3A_76 {
        %add3A_90 = arith.constant 2 : i32
        %add3A_91 = arith.addi %add3A_39, %add3A_90 : i32
        %dma_wait3A_92 = arith.constant 0 : i32
        %dma_wait3A_93 = tpu.memref_slice %arg7[%sub3A_55, %dma_wait3A_92] : memref<4x128xi32, #tpu.memory_space<vmem>> -> memref<2x128xi32, #tpu.memory_space<vmem>>
        %dma_wait3A_94 = arith.constant 0 : i32
        %dma_wait3A_95 = tpu.memref_slice %arg3[%add3A_91, %dma_wait3A_94] : memref<2560x128xi32, #tpu.memory_space<hbm>> -> memref<2x128xi32, #tpu.memory_space<hbm>>
        %dma_wait3A_96 = arith.constant 0 : i32
        %dma_wait3A_97 = tpu.memref_slice %arg7[%sub3A_55, %dma_wait3A_96] : memref<4x128xi32, #tpu.memory_space<vmem>> -> memref<2x128xi32, #tpu.memory_space<vmem>>
        %dma_wait3A_98 = arith.constant 0 : i32
        %dma_wait3A_99 = tpu.memref_slice %arg3[%add3A_91, %dma_wait3A_98] : memref<2560x128xi32, #tpu.memory_space<hbm>> -> memref<2x128xi32, #tpu.memory_space<hbm>>
        tpu.wait_dma2 semaphore(%arg14 : memref<!tpu.dma_semaphore, #tpu.memory_space<semaphore_mem>>) src(%dma_wait3A_99 : memref<2x128xi32, #tpu.memory_space<hbm>>) dst(%dma_wait3A_97 : memref<2x128xi32, #tpu.memory_space<vmem>>)
        %dma_start3A_100 = arith.constant 0 : i32
        %dma_start3A_101 = tpu.memref_slice %arg7[%sub3A_55, %dma_start3A_100] : memref<4x128xi32, #tpu.memory_space<vmem>> -> memref<1x128xi32, #tpu.memory_space<vmem>>
        %dma_start3A_102 = tpu.memref_squeeze %dma_start3A_101 : memref<1x128xi32, #tpu.memory_space<vmem>> -> memref<128xi32, #tpu.memory_space<vmem>>
        %dma_start3A_103 = arith.constant 0 : i32
        %dma_start3A_104 = arith.constant 0 : i32
        %dma_start3A_105 = tpu.memref_slice %arg2[%dma_start3A_103, %dma_start3A_104] : memref<10240x128xf32, #tpu.memory_space<hbm>> -> memref<10240x128xf32, #tpu.memory_space<hbm>>
        tpu.enqueue_indirect_dma source(%dma_start3A_105 : memref<10240x128xf32, #tpu.memory_space<hbm>>) target(%arg9 : memref<128x128xf32, #tpu.memory_space<vmem>>) offsets(%dma_start3A_102 : memref<128xi32, #tpu.memory_space<vmem>>) semaphore(%arg12 : memref<!tpu.dma_semaphore, #tpu.memory_space<semaphore_mem>>)
      } else {
      }
      %add3A_77 = arith.constant 1 : i32
      %add3A_78 = arith.addi %mul3A_53, %add3A_77 : i32
      %dma_wait3A_79 = arith.constant 0 : i32
      %dma_wait3A_80 = tpu.memref_slice %arg7[%add3A_78, %dma_wait3A_79] : memref<4x128xi32, #tpu.memory_space<vmem>> -> memref<1x128xi32, #tpu.memory_space<vmem>>
      %dma_wait3A_81 = tpu.memref_squeeze %dma_wait3A_80 : memref<1x128xi32, #tpu.memory_space<vmem>> -> memref<128xi32, #tpu.memory_space<vmem>>
      %dma_wait3A_82 = arith.constant 0 : i32
      %dma_wait3A_83 = arith.constant 0 : i32
      %dma_wait3A_84 = tpu.memref_slice %arg2[%dma_wait3A_82, %dma_wait3A_83] : memref<10240x128xf32, #tpu.memory_space<hbm>> -> memref<10240x128xf32, #tpu.memory_space<hbm>>
      tpu.wait_indirect_dma semaphore(%arg13 : memref<!tpu.dma_semaphore, #tpu.memory_space<semaphore_mem>>) src(%dma_wait3A_84 : memref<10240x128xf32, #tpu.memory_space<hbm>>) dst(%arg10 : memref<128x128xf32, #tpu.memory_space<vmem>>)
      %add3A_85 = arith.constant 1 : i32
      %add3A_86 = arith.addi %mul3A_53, %add3A_85 : i32
      "tpu.region"() ({
        %run_scoped3A = tpu.sem_alloc : memref<!tpu.dma_semaphore, #tpu.memory_space<semaphore_mem>>
        %dma_start3A_90 = arith.constant 0 : i32
        %dma_start3A_91 = tpu.memref_slice %arg8[%add3A_86, %dma_start3A_90] : memref<4x128xi32, #tpu.memory_space<vmem>> -> memref<1x128xi32, #tpu.memory_space<vmem>>
        %dma_start3A_92 = tpu.memref_squeeze %dma_start3A_91 : memref<1x128xi32, #tpu.memory_space<vmem>> -> memref<128xi32, #tpu.memory_space<vmem>>
        %dma_start3A_93 = arith.constant 0 : i32
        %dma_start3A_94 = arith.constant 0 : i32
        %dma_start3A_95 = tpu.memref_slice %arg11[%dma_start3A_93, %dma_start3A_94] : memref<10240x128xf32, #tpu.memory_space<vmem_shared>> -> memref<10240x128xf32, #tpu.memory_space<vmem_shared>>
        tpu.enqueue_indirect_dma source(%arg10 : memref<128x128xf32, #tpu.memory_space<vmem>>) target(%dma_start3A_95 : memref<10240x128xf32, #tpu.memory_space<vmem_shared>>) offsets(%dma_start3A_92 : memref<128xi32, #tpu.memory_space<vmem>>) semaphore(%run_scoped3A : memref<!tpu.dma_semaphore, #tpu.memory_space<semaphore_mem>>) {add = true}
        %dma_wait3A_96 = arith.constant 0 : i32
        %dma_wait3A_97 = tpu.memref_slice %arg8[%add3A_86, %dma_wait3A_96] : memref<4x128xi32, #tpu.memory_space<vmem>> -> memref<1x128xi32, #tpu.memory_space<vmem>>
        %dma_wait3A_98 = tpu.memref_squeeze %dma_wait3A_97 : memref<1x128xi32, #tpu.memory_space<vmem>> -> memref<128xi32, #tpu.memory_space<vmem>>
        %dma_wait3A_99 = arith.constant 0 : i32
        %dma_wait3A_100 = arith.constant 0 : i32
        %dma_wait3A_101 = tpu.memref_slice %arg11[%dma_wait3A_99, %dma_wait3A_100] : memref<10240x128xf32, #tpu.memory_space<vmem_shared>> -> memref<10240x128xf32, #tpu.memory_space<vmem_shared>>
        tpu.wait_indirect_dma semaphore(%run_scoped3A : memref<!tpu.dma_semaphore, #tpu.memory_space<semaphore_mem>>) src(%arg10 : memref<128x128xf32, #tpu.memory_space<vmem>>) dst(%dma_wait3A_101 : memref<10240x128xf32, #tpu.memory_space<vmem_shared>>)
        tpu.yield
      }) : () -> ()
      %convert_element_type3A_87 = arith.extui %lt3A_58 : i1 to i32
      %cond3A_88 = arith.constant 0 : i32
      %cond3A_89 = arith.cmpi ne, %convert_element_type3A_87, %cond3A_88 : i32
      scf.if %cond3A_89 {
        %add3A_90 = arith.constant 2 : i32
        %add3A_91 = arith.addi %add3A_39, %add3A_90 : i32
        %dma_wait3A_92 = arith.constant 0 : i32
        %dma_wait3A_93 = tpu.memref_slice %arg8[%sub3A_55, %dma_wait3A_92] : memref<4x128xi32, #tpu.memory_space<vmem>> -> memref<2x128xi32, #tpu.memory_space<vmem>>
        %dma_wait3A_94 = arith.constant 0 : i32
        %dma_wait3A_95 = tpu.memref_slice %arg4[%add3A_91, %dma_wait3A_94] : memref<2560x128xi32, #tpu.memory_space<hbm>> -> memref<2x128xi32, #tpu.memory_space<hbm>>
        %dma_wait3A_96 = arith.constant 0 : i32
        %dma_wait3A_97 = tpu.memref_slice %arg8[%sub3A_55, %dma_wait3A_96] : memref<4x128xi32, #tpu.memory_space<vmem>> -> memref<2x128xi32, #tpu.memory_space<vmem>>
        %dma_wait3A_98 = arith.constant 0 : i32
        %dma_wait3A_99 = tpu.memref_slice %arg4[%add3A_91, %dma_wait3A_98] : memref<2560x128xi32, #tpu.memory_space<hbm>> -> memref<2x128xi32, #tpu.memory_space<hbm>>
        tpu.wait_dma2 semaphore(%arg15 : memref<!tpu.dma_semaphore, #tpu.memory_space<semaphore_mem>>) src(%dma_wait3A_99 : memref<2x128xi32, #tpu.memory_space<hbm>>) dst(%dma_wait3A_97 : memref<2x128xi32, #tpu.memory_space<vmem>>)
      } else {
      }
    }
    %barrier3A_29 = arith.constant 0 : index
    tpu.barrier barrier_id(%barrier3A_29)
    %mul3A_30 = arith.constant 640 : i32
    %mul3A_31 = arith.muli %arg1, %mul3A_30 : i32
    %mul3A_32 = arith.constant 640 : i32
    %mul3A_33 = arith.muli %arg1, %mul3A_32 : i32
    "tpu.region"() ({
      %run_scoped3A = tpu.sem_alloc : memref<!tpu.dma_semaphore, #tpu.memory_space<semaphore_mem>>
      %dma_start3A = arith.constant 0 : i32
      %dma_start3A_34 = tpu.memref_slice %arg6[%arg0, %mul3A_33, %dma_start3A] : memref<2x10240x128xf32, #tpu.memory_space<hbm>> -> memref<1x640x128xf32, #tpu.memory_space<hbm>>
      %dma_start3A_35 = tpu.memref_squeeze %dma_start3A_34 : memref<1x640x128xf32, #tpu.memory_space<hbm>> -> memref<640x128xf32, #tpu.memory_space<hbm>>
      %dma_start3A_36 = arith.constant 0 : i32
      %dma_start3A_37 = tpu.memref_slice %arg11[%mul3A_31, %dma_start3A_36] : memref<10240x128xf32, #tpu.memory_space<vmem_shared>> -> memref<640x128xf32, #tpu.memory_space<vmem_shared>>
      tpu.enqueue_dma source(%dma_start3A_37 : memref<640x128xf32, #tpu.memory_space<vmem_shared>>) target(%dma_start3A_35 : memref<640x128xf32, #tpu.memory_space<hbm>>) target_semaphore(%run_scoped3A : memref<!tpu.dma_semaphore, #tpu.memory_space<semaphore_mem>>)
      %dma_wait3A = arith.constant 0 : i32
      %dma_wait3A_38 = tpu.memref_slice %arg6[%arg0, %mul3A_33, %dma_wait3A] : memref<2x10240x128xf32, #tpu.memory_space<hbm>> -> memref<1x640x128xf32, #tpu.memory_space<hbm>>
      %dma_wait3A_39 = tpu.memref_squeeze %dma_wait3A_38 : memref<1x640x128xf32, #tpu.memory_space<hbm>> -> memref<640x128xf32, #tpu.memory_space<hbm>>
      %dma_wait3A_40 = arith.constant 0 : i32
      %dma_wait3A_41 = tpu.memref_slice %arg11[%mul3A_31, %dma_wait3A_40] : memref<10240x128xf32, #tpu.memory_space<vmem_shared>> -> memref<640x128xf32, #tpu.memory_space<vmem_shared>>
      tpu.wait_dma2 semaphore(%run_scoped3A : memref<!tpu.dma_semaphore, #tpu.memory_space<semaphore_mem>>) src(%dma_wait3A_41 : memref<640x128xf32, #tpu.memory_space<vmem_shared>>) dst(%dma_wait3A_39 : memref<640x128xf32, #tpu.memory_space<hbm>>)
      tpu.yield
    }) : () -> ()
    return
  }
}

#map = affine_map<(d0, d1) -> (0, 0)>
#map1 = affine_map<(d0, d1) -> (0, 0, 0)>
module attributes {stable_mosaic.version = 14 : i64} {
  func.func @_agg_kernel(%arg0: i32, %arg1: i32, %arg2: memref<10240x128xf32, #tpu.memory_space<hbm>>, %arg3: memref<2560x128xi32, #tpu.memory_space<hbm>>, %arg4: memref<2560x128xi32, #tpu.memory_space<hbm>>, %arg5: memref<640x128xf32, #tpu.memory_space<hbm>>, %arg6: memref<2x10240x128xf32, #tpu.memory_space<hbm>>, %arg7: memref<4x128xi32, #tpu.memory_space<vmem>>, %arg8: memref<4x128xi32, #tpu.memory_space<vmem>>, %arg9: memref<128x128xf32, #tpu.memory_space<vmem>>, %arg10: memref<128x128xf32, #tpu.memory_space<vmem>>, %arg11: memref<10240x128xf32, #tpu.memory_space<vmem_shared>>, %arg12: memref<!tpu.dma_semaphore, #tpu.memory_space<semaphore_mem>>, %arg13: memref<!tpu.dma_semaphore, #tpu.memory_space<semaphore_mem>>, %arg14: memref<!tpu.dma_semaphore, #tpu.memory_space<semaphore_mem>>, %arg15: memref<!tpu.dma_semaphore, #tpu.memory_space<semaphore_mem>>) attributes {dimension_semantics = [#tpu.dimension_semantics<core_parallel>, #tpu.dimension_semantics<subcore_parallel>], iteration_bounds = array<i64: 2, 16>, scalar_prefetch = 0 : i64, scratch_operands = 9 : i64, tpu.core_type = #tpu.core_type<sc_vector_subcore>, window_params = [{transform_indices = #map}, {transform_indices = #map}, {transform_indices = #map}, {transform_indices = #map}, {transform_indices = #map1}]} {
    %eq3A = arith.constant 0 : i32
    %eq3A_0 = arith.cmpi eq, %arg0, %eq3A : i32
    %mul3A = arith.constant 150 : i32
    %mul3A_1 = arith.muli %arg1, %mul3A : i32
    %mul3A_2 = arith.constant 10 : i32
    %mul3A_3 = arith.muli %arg1, %mul3A_2 : i32
    %add3A = arith.constant 2400 : i32
    %add3A_4 = arith.addi %add3A, %mul3A_3 : i32
    %select_n3A = arith.select %eq3A_0, %mul3A_1, %add3A_4 : i32
    %eq3A_5 = arith.constant 0 : i32
    %eq3A_6 = arith.cmpi eq, %arg0, %eq3A_5 : i32
    %jit3A = arith.constant 75 : i32
    %jit3A_7 = arith.constant 5 : i32
    %select_n3A_8 = arith.select %eq3A_6, %jit3A, %jit3A_7 : i32
    %mul3A_9 = arith.constant 640 : i32
    %mul3A_10 = arith.muli %arg1, %mul3A_9 : i32
    "tpu.region"() ({
      %run_scoped3A = tpu.sem_alloc : memref<!tpu.dma_semaphore, #tpu.memory_space<semaphore_mem>>
      %dma_start3A = arith.constant 0 : i32
      %dma_start3A_34 = tpu.memref_slice %arg11[%mul3A_10, %dma_start3A] : memref<10240x128xf32, #tpu.memory_space<vmem_shared>> -> memref<640x128xf32, #tpu.memory_space<vmem_shared>>
      tpu.enqueue_dma source(%arg5 : memref<640x128xf32, #tpu.memory_space<hbm>>) target(%dma_start3A_34 : memref<640x128xf32, #tpu.memory_space<vmem_shared>>) target_semaphore(%run_scoped3A : memref<!tpu.dma_semaphore, #tpu.memory_space<semaphore_mem>>)
      %dma_wait3A = arith.constant 0 : i32
      %dma_wait3A_35 = tpu.memref_slice %arg11[%mul3A_10, %dma_wait3A] : memref<10240x128xf32, #tpu.memory_space<vmem_shared>> -> memref<640x128xf32, #tpu.memory_space<vmem_shared>>
      tpu.wait_dma2 semaphore(%run_scoped3A : memref<!tpu.dma_semaphore, #tpu.memory_space<semaphore_mem>>) src(%arg5 : memref<640x128xf32, #tpu.memory_space<hbm>>) dst(%dma_wait3A_35 : memref<640x128xf32, #tpu.memory_space<vmem_shared>>)
      tpu.yield
    }) : () -> ()
    "tpu.region"() ({
      %run_scoped3A = tpu.sem_alloc : memref<!tpu.dma_semaphore, #tpu.memory_space<semaphore_mem>>
      %dma_start3A = arith.constant 0 : i32
      %dma_start3A_34 = arith.constant 0 : i32
      %dma_start3A_35 = tpu.memref_slice %arg7[%dma_start3A, %dma_start3A_34] : memref<4x128xi32, #tpu.memory_space<vmem>> -> memref<2x128xi32, #tpu.memory_space<vmem>>
      %dma_start3A_36 = arith.constant 0 : i32
      %dma_start3A_37 = tpu.memref_slice %arg3[%select_n3A, %dma_start3A_36] : memref<2560x128xi32, #tpu.memory_space<hbm>> -> memref<2x128xi32, #tpu.memory_space<hbm>>
      %dma_start3A_38 = arith.constant 0 : i32
      %dma_start3A_39 = arith.constant 0 : i32
      %dma_start3A_40 = tpu.memref_slice %arg7[%dma_start3A_38, %dma_start3A_39] : memref<4x128xi32, #tpu.memory_space<vmem>> -> memref<2x128xi32, #tpu.memory_space<vmem>>
      %dma_start3A_41 = arith.constant 0 : i32
      %dma_start3A_42 = tpu.memref_slice %arg3[%select_n3A, %dma_start3A_41] : memref<2560x128xi32, #tpu.memory_space<hbm>> -> memref<2x128xi32, #tpu.memory_space<hbm>>
      tpu.enqueue_dma source(%dma_start3A_42 : memref<2x128xi32, #tpu.memory_space<hbm>>) target(%dma_start3A_40 : memref<2x128xi32, #tpu.memory_space<vmem>>) target_semaphore(%run_scoped3A : memref<!tpu.dma_semaphore, #tpu.memory_space<semaphore_mem>>)
      %dma_wait3A = arith.constant 0 : i32
      %dma_wait3A_43 = arith.constant 0 : i32
      %dma_wait3A_44 = tpu.memref_slice %arg7[%dma_wait3A, %dma_wait3A_43] : memref<4x128xi32, #tpu.memory_space<vmem>> -> memref<2x128xi32, #tpu.memory_space<vmem>>
      %dma_wait3A_45 = arith.constant 0 : i32
      %dma_wait3A_46 = tpu.memref_slice %arg3[%select_n3A, %dma_wait3A_45] : memref<2560x128xi32, #tpu.memory_space<hbm>> -> memref<2x128xi32, #tpu.memory_space<hbm>>
      %dma_wait3A_47 = arith.constant 0 : i32
      %dma_wait3A_48 = arith.constant 0 : i32
      %dma_wait3A_49 = tpu.memref_slice %arg7[%dma_wait3A_47, %dma_wait3A_48] : memref<4x128xi32, #tpu.memory_space<vmem>> -> memref<2x128xi32, #tpu.memory_space<vmem>>
      %dma_wait3A_50 = arith.constant 0 : i32
      %dma_wait3A_51 = tpu.memref_slice %arg3[%select_n3A, %dma_wait3A_50] : memref<2560x128xi32, #tpu.memory_space<hbm>> -> memref<2x128xi32, #tpu.memory_space<hbm>>
      tpu.wait_dma2 semaphore(%run_scoped3A : memref<!tpu.dma_semaphore, #tpu.memory_space<semaphore_mem>>) src(%dma_wait3A_51 : memref<2x128xi32, #tpu.memory_space<hbm>>) dst(%dma_wait3A_49 : memref<2x128xi32, #tpu.memory_space<vmem>>)
      tpu.yield
    }) : () -> ()
    "tpu.region"() ({
      %run_scoped3A = tpu.sem_alloc : memref<!tpu.dma_semaphore, #tpu.memory_space<semaphore_mem>>
      %dma_start3A = arith.constant 0 : i32
      %dma_start3A_34 = arith.constant 0 : i32
      %dma_start3A_35 = tpu.memref_slice %arg8[%dma_start3A, %dma_start3A_34] : memref<4x128xi32, #tpu.memory_space<vmem>> -> memref<2x128xi32, #tpu.memory_space<vmem>>
      %dma_start3A_36 = arith.constant 0 : i32
      %dma_start3A_37 = tpu.memref_slice %arg4[%select_n3A, %dma_start3A_36] : memref<2560x128xi32, #tpu.memory_space<hbm>> -> memref<2x128xi32, #tpu.memory_space<hbm>>
      %dma_start3A_38 = arith.constant 0 : i32
      %dma_start3A_39 = arith.constant 0 : i32
      %dma_start3A_40 = tpu.memref_slice %arg8[%dma_start3A_38, %dma_start3A_39] : memref<4x128xi32, #tpu.memory_space<vmem>> -> memref<2x128xi32, #tpu.memory_space<vmem>>
      %dma_start3A_41 = arith.constant 0 : i32
      %dma_start3A_42 = tpu.memref_slice %arg4[%select_n3A, %dma_start3A_41] : memref<2560x128xi32, #tpu.memory_space<hbm>> -> memref<2x128xi32, #tpu.memory_space<hbm>>
      tpu.enqueue_dma source(%dma_start3A_42 : memref<2x128xi32, #tpu.memory_space<hbm>>) target(%dma_start3A_40 : memref<2x128xi32, #tpu.memory_space<vmem>>) target_semaphore(%run_scoped3A : memref<!tpu.dma_semaphore, #tpu.memory_space<semaphore_mem>>)
      %dma_wait3A = arith.constant 0 : i32
      %dma_wait3A_43 = arith.constant 0 : i32
      %dma_wait3A_44 = tpu.memref_slice %arg8[%dma_wait3A, %dma_wait3A_43] : memref<4x128xi32, #tpu.memory_space<vmem>> -> memref<2x128xi32, #tpu.memory_space<vmem>>
      %dma_wait3A_45 = arith.constant 0 : i32
      %dma_wait3A_46 = tpu.memref_slice %arg4[%select_n3A, %dma_wait3A_45] : memref<2560x128xi32, #tpu.memory_space<hbm>> -> memref<2x128xi32, #tpu.memory_space<hbm>>
      %dma_wait3A_47 = arith.constant 0 : i32
      %dma_wait3A_48 = arith.constant 0 : i32
      %dma_wait3A_49 = tpu.memref_slice %arg8[%dma_wait3A_47, %dma_wait3A_48] : memref<4x128xi32, #tpu.memory_space<vmem>> -> memref<2x128xi32, #tpu.memory_space<vmem>>
      %dma_wait3A_50 = arith.constant 0 : i32
      %dma_wait3A_51 = tpu.memref_slice %arg4[%select_n3A, %dma_wait3A_50] : memref<2560x128xi32, #tpu.memory_space<hbm>> -> memref<2x128xi32, #tpu.memory_space<hbm>>
      tpu.wait_dma2 semaphore(%run_scoped3A : memref<!tpu.dma_semaphore, #tpu.memory_space<semaphore_mem>>) src(%dma_wait3A_51 : memref<2x128xi32, #tpu.memory_space<hbm>>) dst(%dma_wait3A_49 : memref<2x128xi32, #tpu.memory_space<vmem>>)
      tpu.yield
    }) : () -> ()
    %barrier3A = arith.constant 0 : index
    tpu.barrier barrier_id(%barrier3A)
    %gt3A = arith.constant 0 : i32
    %gt3A_11 = arith.cmpi sgt, %select_n3A_8, %gt3A : i32
    %convert_element_type3A = arith.extui %gt3A_11 : i1 to i32
    %cond3A = arith.constant 0 : i32
    %cond3A_12 = arith.cmpi ne, %convert_element_type3A, %cond3A : i32
    scf.if %cond3A_12 {
      %dma_start3A = arith.constant 0 : i32
      %dma_start3A_34 = arith.constant 0 : i32
      %dma_start3A_35 = tpu.memref_slice %arg7[%dma_start3A, %dma_start3A_34] : memref<4x128xi32, #tpu.memory_space<vmem>> -> memref<1x128xi32, #tpu.memory_space<vmem>>
      %dma_start3A_36 = tpu.memref_squeeze %dma_start3A_35 : memref<1x128xi32, #tpu.memory_space<vmem>> -> memref<128xi32, #tpu.memory_space<vmem>>
      %dma_start3A_37 = arith.constant 0 : i32
      %dma_start3A_38 = arith.constant 0 : i32
      %dma_start3A_39 = tpu.memref_slice %arg2[%dma_start3A_37, %dma_start3A_38] : memref<10240x128xf32, #tpu.memory_space<hbm>> -> memref<10240x128xf32, #tpu.memory_space<hbm>>
      tpu.enqueue_indirect_dma source(%dma_start3A_39 : memref<10240x128xf32, #tpu.memory_space<hbm>>) target(%arg9 : memref<128x128xf32, #tpu.memory_space<vmem>>) offsets(%dma_start3A_36 : memref<128xi32, #tpu.memory_space<vmem>>) semaphore(%arg12 : memref<!tpu.dma_semaphore, #tpu.memory_space<semaphore_mem>>)
    } else {
    }
    %sub3A = arith.constant 0 : i32
    %sub3A_13 = arith.subi %select_n3A_8, %sub3A : i32
    %sub3A_14 = arith.constant 1 : i32
    %sub3A_15 = arith.constant 1 : i32
    %sub3A_16 = arith.subi %sub3A_14, %sub3A_15 : i32
    %add3A_17 = arith.addi %sub3A_13, %sub3A_16 : i32
    %div3A = arith.constant 1 : i32
    %div3A_18 = arith.divsi %add3A_17, %div3A : i32
    %while3A = arith.constant 1 : i32
    %while3A_19 = arith.constant 0 : i32
    %while3A_20 = arith.constant 0 : i32
    %while3A_21 = arith.subi %div3A_18, %while3A_20 : i32
    %while3A_22 = arith.addi %while3A_20, %while3A_21 : i32
    %while3A_23 = arith.constant 1 : i32
    %while3A_24 = arith.divsi %while3A_21, %while3A_23 : i32
    %while3A_25 = arith.muli %while3A_24, %while3A_23 : i32
    %while3A_26 = arith.addi %while3A_20, %while3A_25 : i32
    %while3A_27 = arith.constant 1 : i32
    scf.for %while3A_34 = %while3A_20 to %while3A_26 step %while3A_27  : i32 {
      %mul3A_35 = arith.muli %while3A_34, %while3A : i32
      %add3A_36 = arith.addi %while3A_19, %mul3A_35 : i32
      %mul3A_37 = arith.constant 2 : i32
      %mul3A_38 = arith.muli %add3A_36, %mul3A_37 : i32
      %add3A_39 = arith.addi %select_n3A, %mul3A_38 : i32
      %jit3A_40 = arith.constant 2 : i32
      %eq3A_41 = arith.constant 0 : i32
      %eq3A_42 = arith.cmpi eq, %jit3A_40, %eq3A_41 : i32
      %jit3A_43 = arith.constant 1 : i32
      %select_n3A_44 = arith.select %eq3A_42, %jit3A_43, %jit3A_40 : i32
      %rem3A = arith.remsi %add3A_36, %select_n3A_44 : i32
      %ne3A = arith.constant 0 : i32
      %ne3A_45 = arith.cmpi ne, %rem3A, %ne3A : i32
      %lt3A = arith.constant 0 : i32
      %lt3A_46 = arith.cmpi slt, %rem3A, %lt3A : i32
      %lt3A_47 = arith.constant 0 : i32
      %lt3A_48 = arith.cmpi slt, %select_n3A_44, %lt3A_47 : i32
      %ne3A_49 = arith.xori %lt3A_46, %lt3A_48 : i1
      %and3A = arith.andi %ne3A_49, %ne3A_45 : i1
      %add3A_50 = arith.addi %rem3A, %select_n3A_44 : i32
      %select_n3A_51 = arith.select %and3A, %add3A_50, %rem3A : i32
      %mul3A_52 = arith.constant 2 : i32
      %mul3A_53 = arith.muli %select_n3A_51, %mul3A_52 : i32
      %sub3A_54 = arith.constant 2 : i32
      %sub3A_55 = arith.subi %sub3A_54, %mul3A_53 : i32
      %add3A_56 = arith.constant 1 : i32
      %add3A_57 = arith.addi %add3A_36, %add3A_56 : i32
      %lt3A_58 = arith.cmpi slt, %add3A_57, %select_n3A_8 : i32
      %convert_element_type3A_59 = arith.extui %lt3A_58 : i1 to i32
      %cond3A_60 = arith.constant 0 : i32
      %cond3A_61 = arith.cmpi ne, %convert_element_type3A_59, %cond3A_60 : i32
      scf.if %cond3A_61 {
        %add3A_90 = arith.constant 2 : i32
        %add3A_91 = arith.addi %add3A_39, %add3A_90 : i32
        %dma_start3A_92 = arith.constant 0 : i32
        %dma_start3A_93 = tpu.memref_slice %arg7[%sub3A_55, %dma_start3A_92] : memref<4x128xi32, #tpu.memory_space<vmem>> -> memref<2x128xi32, #tpu.memory_space<vmem>>
        %dma_start3A_94 = arith.constant 0 : i32
        %dma_start3A_95 = tpu.memref_slice %arg3[%add3A_91, %dma_start3A_94] : memref<2560x128xi32, #tpu.memory_space<hbm>> -> memref<2x128xi32, #tpu.memory_space<hbm>>
        %dma_start3A_96 = arith.constant 0 : i32
        %dma_start3A_97 = tpu.memref_slice %arg7[%sub3A_55, %dma_start3A_96] : memref<4x128xi32, #tpu.memory_space<vmem>> -> memref<2x128xi32, #tpu.memory_space<vmem>>
        %dma_start3A_98 = arith.constant 0 : i32
        %dma_start3A_99 = tpu.memref_slice %arg3[%add3A_91, %dma_start3A_98] : memref<2560x128xi32, #tpu.memory_space<hbm>> -> memref<2x128xi32, #tpu.memory_space<hbm>>
        tpu.enqueue_dma source(%dma_start3A_99 : memref<2x128xi32, #tpu.memory_space<hbm>>) target(%dma_start3A_97 : memref<2x128xi32, #tpu.memory_space<vmem>>) target_semaphore(%arg14 : memref<!tpu.dma_semaphore, #tpu.memory_space<semaphore_mem>>)
        %add3A_100 = arith.constant 2 : i32
        %add3A_101 = arith.addi %add3A_39, %add3A_100 : i32
        %dma_start3A_102 = arith.constant 0 : i32
        %dma_start3A_103 = tpu.memref_slice %arg8[%sub3A_55, %dma_start3A_102] : memref<4x128xi32, #tpu.memory_space<vmem>> -> memref<2x128xi32, #tpu.memory_space<vmem>>
        %dma_start3A_104 = arith.constant 0 : i32
        %dma_start3A_105 = tpu.memref_slice %arg4[%add3A_101, %dma_start3A_104] : memref<2560x128xi32, #tpu.memory_space<hbm>> -> memref<2x128xi32, #tpu.memory_space<hbm>>
        %dma_start3A_106 = arith.constant 0 : i32
        %dma_start3A_107 = tpu.memref_slice %arg8[%sub3A_55, %dma_start3A_106] : memref<4x128xi32, #tpu.memory_space<vmem>> -> memref<2x128xi32, #tpu.memory_space<vmem>>
        %dma_start3A_108 = arith.constant 0 : i32
        %dma_start3A_109 = tpu.memref_slice %arg4[%add3A_101, %dma_start3A_108] : memref<2560x128xi32, #tpu.memory_space<hbm>> -> memref<2x128xi32, #tpu.memory_space<hbm>>
        tpu.enqueue_dma source(%dma_start3A_109 : memref<2x128xi32, #tpu.memory_space<hbm>>) target(%dma_start3A_107 : memref<2x128xi32, #tpu.memory_space<vmem>>) target_semaphore(%arg15 : memref<!tpu.dma_semaphore, #tpu.memory_space<semaphore_mem>>)
      } else {
      }
      %add3A_62 = arith.constant 1 : i32
      %add3A_63 = arith.addi %mul3A_53, %add3A_62 : i32
      %dma_start3A = arith.constant 0 : i32
      %dma_start3A_64 = tpu.memref_slice %arg7[%add3A_63, %dma_start3A] : memref<4x128xi32, #tpu.memory_space<vmem>> -> memref<1x128xi32, #tpu.memory_space<vmem>>
      %dma_start3A_65 = tpu.memref_squeeze %dma_start3A_64 : memref<1x128xi32, #tpu.memory_space<vmem>> -> memref<128xi32, #tpu.memory_space<vmem>>
      %dma_start3A_66 = arith.constant 0 : i32
      %dma_start3A_67 = arith.constant 0 : i32
      %dma_start3A_68 = tpu.memref_slice %arg2[%dma_start3A_66, %dma_start3A_67] : memref<10240x128xf32, #tpu.memory_space<hbm>> -> memref<10240x128xf32, #tpu.memory_space<hbm>>
      tpu.enqueue_indirect_dma source(%dma_start3A_68 : memref<10240x128xf32, #tpu.memory_space<hbm>>) target(%arg10 : memref<128x128xf32, #tpu.memory_space<vmem>>) offsets(%dma_start3A_65 : memref<128xi32, #tpu.memory_space<vmem>>) semaphore(%arg13 : memref<!tpu.dma_semaphore, #tpu.memory_space<semaphore_mem>>)
      %dma_wait3A = arith.constant 0 : i32
      %dma_wait3A_69 = tpu.memref_slice %arg7[%mul3A_53, %dma_wait3A] : memref<4x128xi32, #tpu.memory_space<vmem>> -> memref<1x128xi32, #tpu.memory_space<vmem>>
      %dma_wait3A_70 = tpu.memref_squeeze %dma_wait3A_69 : memref<1x128xi32, #tpu.memory_space<vmem>> -> memref<128xi32, #tpu.memory_space<vmem>>
      %dma_wait3A_71 = arith.constant 0 : i32
      %dma_wait3A_72 = arith.constant 0 : i32
      %dma_wait3A_73 = tpu.memref_slice %arg2[%dma_wait3A_71, %dma_wait3A_72] : memref<10240x128xf32, #tpu.memory_space<hbm>> -> memref<10240x128xf32, #tpu.memory_space<hbm>>
      tpu.wait_indirect_dma semaphore(%arg12 : memref<!tpu.dma_semaphore, #tpu.memory_space<semaphore_mem>>) src(%dma_wait3A_73 : memref<10240x128xf32, #tpu.memory_space<hbm>>) dst(%arg9 : memref<128x128xf32, #tpu.memory_space<vmem>>)
      "tpu.region"() ({
        %run_scoped3A = tpu.sem_alloc : memref<!tpu.dma_semaphore, #tpu.memory_space<semaphore_mem>>
        %dma_start3A_90 = arith.constant 0 : i32
        %dma_start3A_91 = tpu.memref_slice %arg8[%mul3A_53, %dma_start3A_90] : memref<4x128xi32, #tpu.memory_space<vmem>> -> memref<1x128xi32, #tpu.memory_space<vmem>>
        %dma_start3A_92 = tpu.memref_squeeze %dma_start3A_91 : memref<1x128xi32, #tpu.memory_space<vmem>> -> memref<128xi32, #tpu.memory_space<vmem>>
        %dma_start3A_93 = arith.constant 0 : i32
        %dma_start3A_94 = arith.constant 0 : i32
        %dma_start3A_95 = tpu.memref_slice %arg11[%dma_start3A_93, %dma_start3A_94] : memref<10240x128xf32, #tpu.memory_space<vmem_shared>> -> memref<10240x128xf32, #tpu.memory_space<vmem_shared>>
        tpu.enqueue_indirect_dma source(%arg9 : memref<128x128xf32, #tpu.memory_space<vmem>>) target(%dma_start3A_95 : memref<10240x128xf32, #tpu.memory_space<vmem_shared>>) offsets(%dma_start3A_92 : memref<128xi32, #tpu.memory_space<vmem>>) semaphore(%run_scoped3A : memref<!tpu.dma_semaphore, #tpu.memory_space<semaphore_mem>>) {add = true}
        %dma_wait3A_96 = arith.constant 0 : i32
        %dma_wait3A_97 = tpu.memref_slice %arg8[%mul3A_53, %dma_wait3A_96] : memref<4x128xi32, #tpu.memory_space<vmem>> -> memref<1x128xi32, #tpu.memory_space<vmem>>
        %dma_wait3A_98 = tpu.memref_squeeze %dma_wait3A_97 : memref<1x128xi32, #tpu.memory_space<vmem>> -> memref<128xi32, #tpu.memory_space<vmem>>
        %dma_wait3A_99 = arith.constant 0 : i32
        %dma_wait3A_100 = arith.constant 0 : i32
        %dma_wait3A_101 = tpu.memref_slice %arg11[%dma_wait3A_99, %dma_wait3A_100] : memref<10240x128xf32, #tpu.memory_space<vmem_shared>> -> memref<10240x128xf32, #tpu.memory_space<vmem_shared>>
        tpu.wait_indirect_dma semaphore(%run_scoped3A : memref<!tpu.dma_semaphore, #tpu.memory_space<semaphore_mem>>) src(%arg9 : memref<128x128xf32, #tpu.memory_space<vmem>>) dst(%dma_wait3A_101 : memref<10240x128xf32, #tpu.memory_space<vmem_shared>>)
        tpu.yield
      }) : () -> ()
      %convert_element_type3A_74 = arith.extui %lt3A_58 : i1 to i32
      %cond3A_75 = arith.constant 0 : i32
      %cond3A_76 = arith.cmpi ne, %convert_element_type3A_74, %cond3A_75 : i32
      scf.if %cond3A_76 {
        %add3A_90 = arith.constant 2 : i32
        %add3A_91 = arith.addi %add3A_39, %add3A_90 : i32
        %dma_wait3A_92 = arith.constant 0 : i32
        %dma_wait3A_93 = tpu.memref_slice %arg7[%sub3A_55, %dma_wait3A_92] : memref<4x128xi32, #tpu.memory_space<vmem>> -> memref<2x128xi32, #tpu.memory_space<vmem>>
        %dma_wait3A_94 = arith.constant 0 : i32
        %dma_wait3A_95 = tpu.memref_slice %arg3[%add3A_91, %dma_wait3A_94] : memref<2560x128xi32, #tpu.memory_space<hbm>> -> memref<2x128xi32, #tpu.memory_space<hbm>>
        %dma_wait3A_96 = arith.constant 0 : i32
        %dma_wait3A_97 = tpu.memref_slice %arg7[%sub3A_55, %dma_wait3A_96] : memref<4x128xi32, #tpu.memory_space<vmem>> -> memref<2x128xi32, #tpu.memory_space<vmem>>
        %dma_wait3A_98 = arith.constant 0 : i32
        %dma_wait3A_99 = tpu.memref_slice %arg3[%add3A_91, %dma_wait3A_98] : memref<2560x128xi32, #tpu.memory_space<hbm>> -> memref<2x128xi32, #tpu.memory_space<hbm>>
        tpu.wait_dma2 semaphore(%arg14 : memref<!tpu.dma_semaphore, #tpu.memory_space<semaphore_mem>>) src(%dma_wait3A_99 : memref<2x128xi32, #tpu.memory_space<hbm>>) dst(%dma_wait3A_97 : memref<2x128xi32, #tpu.memory_space<vmem>>)
        %dma_start3A_100 = arith.constant 0 : i32
        %dma_start3A_101 = tpu.memref_slice %arg7[%sub3A_55, %dma_start3A_100] : memref<4x128xi32, #tpu.memory_space<vmem>> -> memref<1x128xi32, #tpu.memory_space<vmem>>
        %dma_start3A_102 = tpu.memref_squeeze %dma_start3A_101 : memref<1x128xi32, #tpu.memory_space<vmem>> -> memref<128xi32, #tpu.memory_space<vmem>>
        %dma_start3A_103 = arith.constant 0 : i32
        %dma_start3A_104 = arith.constant 0 : i32
        %dma_start3A_105 = tpu.memref_slice %arg2[%dma_start3A_103, %dma_start3A_104] : memref<10240x128xf32, #tpu.memory_space<hbm>> -> memref<10240x128xf32, #tpu.memory_space<hbm>>
        tpu.enqueue_indirect_dma source(%dma_start3A_105 : memref<10240x128xf32, #tpu.memory_space<hbm>>) target(%arg9 : memref<128x128xf32, #tpu.memory_space<vmem>>) offsets(%dma_start3A_102 : memref<128xi32, #tpu.memory_space<vmem>>) semaphore(%arg12 : memref<!tpu.dma_semaphore, #tpu.memory_space<semaphore_mem>>)
      } else {
      }
      %add3A_77 = arith.constant 1 : i32
      %add3A_78 = arith.addi %mul3A_53, %add3A_77 : i32
      %dma_wait3A_79 = arith.constant 0 : i32
      %dma_wait3A_80 = tpu.memref_slice %arg7[%add3A_78, %dma_wait3A_79] : memref<4x128xi32, #tpu.memory_space<vmem>> -> memref<1x128xi32, #tpu.memory_space<vmem>>
      %dma_wait3A_81 = tpu.memref_squeeze %dma_wait3A_80 : memref<1x128xi32, #tpu.memory_space<vmem>> -> memref<128xi32, #tpu.memory_space<vmem>>
      %dma_wait3A_82 = arith.constant 0 : i32
      %dma_wait3A_83 = arith.constant 0 : i32
      %dma_wait3A_84 = tpu.memref_slice %arg2[%dma_wait3A_82, %dma_wait3A_83] : memref<10240x128xf32, #tpu.memory_space<hbm>> -> memref<10240x128xf32, #tpu.memory_space<hbm>>
      tpu.wait_indirect_dma semaphore(%arg13 : memref<!tpu.dma_semaphore, #tpu.memory_space<semaphore_mem>>) src(%dma_wait3A_84 : memref<10240x128xf32, #tpu.memory_space<hbm>>) dst(%arg10 : memref<128x128xf32, #tpu.memory_space<vmem>>)
      %add3A_85 = arith.constant 1 : i32
      %add3A_86 = arith.addi %mul3A_53, %add3A_85 : i32
      "tpu.region"() ({
        %run_scoped3A = tpu.sem_alloc : memref<!tpu.dma_semaphore, #tpu.memory_space<semaphore_mem>>
        %dma_start3A_90 = arith.constant 0 : i32
        %dma_start3A_91 = tpu.memref_slice %arg8[%add3A_86, %dma_start3A_90] : memref<4x128xi32, #tpu.memory_space<vmem>> -> memref<1x128xi32, #tpu.memory_space<vmem>>
        %dma_start3A_92 = tpu.memref_squeeze %dma_start3A_91 : memref<1x128xi32, #tpu.memory_space<vmem>> -> memref<128xi32, #tpu.memory_space<vmem>>
        %dma_start3A_93 = arith.constant 0 : i32
        %dma_start3A_94 = arith.constant 0 : i32
        %dma_start3A_95 = tpu.memref_slice %arg11[%dma_start3A_93, %dma_start3A_94] : memref<10240x128xf32, #tpu.memory_space<vmem_shared>> -> memref<10240x128xf32, #tpu.memory_space<vmem_shared>>
        tpu.enqueue_indirect_dma source(%arg10 : memref<128x128xf32, #tpu.memory_space<vmem>>) target(%dma_start3A_95 : memref<10240x128xf32, #tpu.memory_space<vmem_shared>>) offsets(%dma_start3A_92 : memref<128xi32, #tpu.memory_space<vmem>>) semaphore(%run_scoped3A : memref<!tpu.dma_semaphore, #tpu.memory_space<semaphore_mem>>) {add = true}
        %dma_wait3A_96 = arith.constant 0 : i32
        %dma_wait3A_97 = tpu.memref_slice %arg8[%add3A_86, %dma_wait3A_96] : memref<4x128xi32, #tpu.memory_space<vmem>> -> memref<1x128xi32, #tpu.memory_space<vmem>>
        %dma_wait3A_98 = tpu.memref_squeeze %dma_wait3A_97 : memref<1x128xi32, #tpu.memory_space<vmem>> -> memref<128xi32, #tpu.memory_space<vmem>>
        %dma_wait3A_99 = arith.constant 0 : i32
        %dma_wait3A_100 = arith.constant 0 : i32
        %dma_wait3A_101 = tpu.memref_slice %arg11[%dma_wait3A_99, %dma_wait3A_100] : memref<10240x128xf32, #tpu.memory_space<vmem_shared>> -> memref<10240x128xf32, #tpu.memory_space<vmem_shared>>
        tpu.wait_indirect_dma semaphore(%run_scoped3A : memref<!tpu.dma_semaphore, #tpu.memory_space<semaphore_mem>>) src(%arg10 : memref<128x128xf32, #tpu.memory_space<vmem>>) dst(%dma_wait3A_101 : memref<10240x128xf32, #tpu.memory_space<vmem_shared>>)
        tpu.yield
      }) : () -> ()
      %convert_element_type3A_87 = arith.extui %lt3A_58 : i1 to i32
      %cond3A_88 = arith.constant 0 : i32
      %cond3A_89 = arith.cmpi ne, %convert_element_type3A_87, %cond3A_88 : i32
      scf.if %cond3A_89 {
        %add3A_90 = arith.constant 2 : i32
        %add3A_91 = arith.addi %add3A_39, %add3A_90 : i32
        %dma_wait3A_92 = arith.constant 0 : i32
        %dma_wait3A_93 = tpu.memref_slice %arg8[%sub3A_55, %dma_wait3A_92] : memref<4x128xi32, #tpu.memory_space<vmem>> -> memref<2x128xi32, #tpu.memory_space<vmem>>
        %dma_wait3A_94 = arith.constant 0 : i32
        %dma_wait3A_95 = tpu.memref_slice %arg4[%add3A_91, %dma_wait3A_94] : memref<2560x128xi32, #tpu.memory_space<hbm>> -> memref<2x128xi32, #tpu.memory_space<hbm>>
        %dma_wait3A_96 = arith.constant 0 : i32
        %dma_wait3A_97 = tpu.memref_slice %arg8[%sub3A_55, %dma_wait3A_96] : memref<4x128xi32, #tpu.memory_space<vmem>> -> memref<2x128xi32, #tpu.memory_space<vmem>>
        %dma_wait3A_98 = arith.constant 0 : i32
        %dma_wait3A_99 = tpu.memref_slice %arg4[%add3A_91, %dma_wait3A_98] : memref<2560x128xi32, #tpu.memory_space<hbm>> -> memref<2x128xi32, #tpu.memory_space<hbm>>
        tpu.wait_dma2 semaphore(%arg15 : memref<!tpu.dma_semaphore, #tpu.memory_space<semaphore_mem>>) src(%dma_wait3A_99 : memref<2x128xi32, #tpu.memory_space<hbm>>) dst(%dma_wait3A_97 : memref<2x128xi32, #tpu.memory_space<vmem>>)
      } else {
      }
    }
    %while3A_28 = arith.constant 1 : i32
    scf.for %while3A_34 = %while3A_26 to %while3A_22 step %while3A_28  : i32 {
      %mul3A_35 = arith.muli %while3A_34, %while3A : i32
      %add3A_36 = arith.addi %while3A_19, %mul3A_35 : i32
      %mul3A_37 = arith.constant 2 : i32
      %mul3A_38 = arith.muli %add3A_36, %mul3A_37 : i32
      %add3A_39 = arith.addi %select_n3A, %mul3A_38 : i32
      %jit3A_40 = arith.constant 2 : i32
      %eq3A_41 = arith.constant 0 : i32
      %eq3A_42 = arith.cmpi eq, %jit3A_40, %eq3A_41 : i32
      %jit3A_43 = arith.constant 1 : i32
      %select_n3A_44 = arith.select %eq3A_42, %jit3A_43, %jit3A_40 : i32
      %rem3A = arith.remsi %add3A_36, %select_n3A_44 : i32
      %ne3A = arith.constant 0 : i32
      %ne3A_45 = arith.cmpi ne, %rem3A, %ne3A : i32
      %lt3A = arith.constant 0 : i32
      %lt3A_46 = arith.cmpi slt, %rem3A, %lt3A : i32
      %lt3A_47 = arith.constant 0 : i32
      %lt3A_48 = arith.cmpi slt, %select_n3A_44, %lt3A_47 : i32
      %ne3A_49 = arith.xori %lt3A_46, %lt3A_48 : i1
      %and3A = arith.andi %ne3A_49, %ne3A_45 : i1
      %add3A_50 = arith.addi %rem3A, %select_n3A_44 : i32
      %select_n3A_51 = arith.select %and3A, %add3A_50, %rem3A : i32
      %mul3A_52 = arith.constant 2 : i32
      %mul3A_53 = arith.muli %select_n3A_51, %mul3A_52 : i32
      %sub3A_54 = arith.constant 2 : i32
      %sub3A_55 = arith.subi %sub3A_54, %mul3A_53 : i32
      %add3A_56 = arith.constant 1 : i32
      %add3A_57 = arith.addi %add3A_36, %add3A_56 : i32
      %lt3A_58 = arith.cmpi slt, %add3A_57, %select_n3A_8 : i32
      %convert_element_type3A_59 = arith.extui %lt3A_58 : i1 to i32
      %cond3A_60 = arith.constant 0 : i32
      %cond3A_61 = arith.cmpi ne, %convert_element_type3A_59, %cond3A_60 : i32
      scf.if %cond3A_61 {
        %add3A_90 = arith.constant 2 : i32
        %add3A_91 = arith.addi %add3A_39, %add3A_90 : i32
        %dma_start3A_92 = arith.constant 0 : i32
        %dma_start3A_93 = tpu.memref_slice %arg7[%sub3A_55, %dma_start3A_92] : memref<4x128xi32, #tpu.memory_space<vmem>> -> memref<2x128xi32, #tpu.memory_space<vmem>>
        %dma_start3A_94 = arith.constant 0 : i32
        %dma_start3A_95 = tpu.memref_slice %arg3[%add3A_91, %dma_start3A_94] : memref<2560x128xi32, #tpu.memory_space<hbm>> -> memref<2x128xi32, #tpu.memory_space<hbm>>
        %dma_start3A_96 = arith.constant 0 : i32
        %dma_start3A_97 = tpu.memref_slice %arg7[%sub3A_55, %dma_start3A_96] : memref<4x128xi32, #tpu.memory_space<vmem>> -> memref<2x128xi32, #tpu.memory_space<vmem>>
        %dma_start3A_98 = arith.constant 0 : i32
        %dma_start3A_99 = tpu.memref_slice %arg3[%add3A_91, %dma_start3A_98] : memref<2560x128xi32, #tpu.memory_space<hbm>> -> memref<2x128xi32, #tpu.memory_space<hbm>>
        tpu.enqueue_dma source(%dma_start3A_99 : memref<2x128xi32, #tpu.memory_space<hbm>>) target(%dma_start3A_97 : memref<2x128xi32, #tpu.memory_space<vmem>>) target_semaphore(%arg14 : memref<!tpu.dma_semaphore, #tpu.memory_space<semaphore_mem>>)
        %add3A_100 = arith.constant 2 : i32
        %add3A_101 = arith.addi %add3A_39, %add3A_100 : i32
        %dma_start3A_102 = arith.constant 0 : i32
        %dma_start3A_103 = tpu.memref_slice %arg8[%sub3A_55, %dma_start3A_102] : memref<4x128xi32, #tpu.memory_space<vmem>> -> memref<2x128xi32, #tpu.memory_space<vmem>>
        %dma_start3A_104 = arith.constant 0 : i32
        %dma_start3A_105 = tpu.memref_slice %arg4[%add3A_101, %dma_start3A_104] : memref<2560x128xi32, #tpu.memory_space<hbm>> -> memref<2x128xi32, #tpu.memory_space<hbm>>
        %dma_start3A_106 = arith.constant 0 : i32
        %dma_start3A_107 = tpu.memref_slice %arg8[%sub3A_55, %dma_start3A_106] : memref<4x128xi32, #tpu.memory_space<vmem>> -> memref<2x128xi32, #tpu.memory_space<vmem>>
        %dma_start3A_108 = arith.constant 0 : i32
        %dma_start3A_109 = tpu.memref_slice %arg4[%add3A_101, %dma_start3A_108] : memref<2560x128xi32, #tpu.memory_space<hbm>> -> memref<2x128xi32, #tpu.memory_space<hbm>>
        tpu.enqueue_dma source(%dma_start3A_109 : memref<2x128xi32, #tpu.memory_space<hbm>>) target(%dma_start3A_107 : memref<2x128xi32, #tpu.memory_space<vmem>>) target_semaphore(%arg15 : memref<!tpu.dma_semaphore, #tpu.memory_space<semaphore_mem>>)
      } else {
      }
      %add3A_62 = arith.constant 1 : i32
      %add3A_63 = arith.addi %mul3A_53, %add3A_62 : i32
      %dma_start3A = arith.constant 0 : i32
      %dma_start3A_64 = tpu.memref_slice %arg7[%add3A_63, %dma_start3A] : memref<4x128xi32, #tpu.memory_space<vmem>> -> memref<1x128xi32, #tpu.memory_space<vmem>>
      %dma_start3A_65 = tpu.memref_squeeze %dma_start3A_64 : memref<1x128xi32, #tpu.memory_space<vmem>> -> memref<128xi32, #tpu.memory_space<vmem>>
      %dma_start3A_66 = arith.constant 0 : i32
      %dma_start3A_67 = arith.constant 0 : i32
      %dma_start3A_68 = tpu.memref_slice %arg2[%dma_start3A_66, %dma_start3A_67] : memref<10240x128xf32, #tpu.memory_space<hbm>> -> memref<10240x128xf32, #tpu.memory_space<hbm>>
      tpu.enqueue_indirect_dma source(%dma_start3A_68 : memref<10240x128xf32, #tpu.memory_space<hbm>>) target(%arg10 : memref<128x128xf32, #tpu.memory_space<vmem>>) offsets(%dma_start3A_65 : memref<128xi32, #tpu.memory_space<vmem>>) semaphore(%arg13 : memref<!tpu.dma_semaphore, #tpu.memory_space<semaphore_mem>>)
      %dma_wait3A = arith.constant 0 : i32
      %dma_wait3A_69 = tpu.memref_slice %arg7[%mul3A_53, %dma_wait3A] : memref<4x128xi32, #tpu.memory_space<vmem>> -> memref<1x128xi32, #tpu.memory_space<vmem>>
      %dma_wait3A_70 = tpu.memref_squeeze %dma_wait3A_69 : memref<1x128xi32, #tpu.memory_space<vmem>> -> memref<128xi32, #tpu.memory_space<vmem>>
      %dma_wait3A_71 = arith.constant 0 : i32
      %dma_wait3A_72 = arith.constant 0 : i32
      %dma_wait3A_73 = tpu.memref_slice %arg2[%dma_wait3A_71, %dma_wait3A_72] : memref<10240x128xf32, #tpu.memory_space<hbm>> -> memref<10240x128xf32, #tpu.memory_space<hbm>>
      tpu.wait_indirect_dma semaphore(%arg12 : memref<!tpu.dma_semaphore, #tpu.memory_space<semaphore_mem>>) src(%dma_wait3A_73 : memref<10240x128xf32, #tpu.memory_space<hbm>>) dst(%arg9 : memref<128x128xf32, #tpu.memory_space<vmem>>)
      "tpu.region"() ({
        %run_scoped3A = tpu.sem_alloc : memref<!tpu.dma_semaphore, #tpu.memory_space<semaphore_mem>>
        %dma_start3A_90 = arith.constant 0 : i32
        %dma_start3A_91 = tpu.memref_slice %arg8[%mul3A_53, %dma_start3A_90] : memref<4x128xi32, #tpu.memory_space<vmem>> -> memref<1x128xi32, #tpu.memory_space<vmem>>
        %dma_start3A_92 = tpu.memref_squeeze %dma_start3A_91 : memref<1x128xi32, #tpu.memory_space<vmem>> -> memref<128xi32, #tpu.memory_space<vmem>>
        %dma_start3A_93 = arith.constant 0 : i32
        %dma_start3A_94 = arith.constant 0 : i32
        %dma_start3A_95 = tpu.memref_slice %arg11[%dma_start3A_93, %dma_start3A_94] : memref<10240x128xf32, #tpu.memory_space<vmem_shared>> -> memref<10240x128xf32, #tpu.memory_space<vmem_shared>>
        tpu.enqueue_indirect_dma source(%arg9 : memref<128x128xf32, #tpu.memory_space<vmem>>) target(%dma_start3A_95 : memref<10240x128xf32, #tpu.memory_space<vmem_shared>>) offsets(%dma_start3A_92 : memref<128xi32, #tpu.memory_space<vmem>>) semaphore(%run_scoped3A : memref<!tpu.dma_semaphore, #tpu.memory_space<semaphore_mem>>) {add = true}
        %dma_wait3A_96 = arith.constant 0 : i32
        %dma_wait3A_97 = tpu.memref_slice %arg8[%mul3A_53, %dma_wait3A_96] : memref<4x128xi32, #tpu.memory_space<vmem>> -> memref<1x128xi32, #tpu.memory_space<vmem>>
        %dma_wait3A_98 = tpu.memref_squeeze %dma_wait3A_97 : memref<1x128xi32, #tpu.memory_space<vmem>> -> memref<128xi32, #tpu.memory_space<vmem>>
        %dma_wait3A_99 = arith.constant 0 : i32
        %dma_wait3A_100 = arith.constant 0 : i32
        %dma_wait3A_101 = tpu.memref_slice %arg11[%dma_wait3A_99, %dma_wait3A_100] : memref<10240x128xf32, #tpu.memory_space<vmem_shared>> -> memref<10240x128xf32, #tpu.memory_space<vmem_shared>>
        tpu.wait_indirect_dma semaphore(%run_scoped3A : memref<!tpu.dma_semaphore, #tpu.memory_space<semaphore_mem>>) src(%arg9 : memref<128x128xf32, #tpu.memory_space<vmem>>) dst(%dma_wait3A_101 : memref<10240x128xf32, #tpu.memory_space<vmem_shared>>)
        tpu.yield
      }) : () -> ()
      %convert_element_type3A_74 = arith.extui %lt3A_58 : i1 to i32
      %cond3A_75 = arith.constant 0 : i32
      %cond3A_76 = arith.cmpi ne, %convert_element_type3A_74, %cond3A_75 : i32
      scf.if %cond3A_76 {
        %add3A_90 = arith.constant 2 : i32
        %add3A_91 = arith.addi %add3A_39, %add3A_90 : i32
        %dma_wait3A_92 = arith.constant 0 : i32
        %dma_wait3A_93 = tpu.memref_slice %arg7[%sub3A_55, %dma_wait3A_92] : memref<4x128xi32, #tpu.memory_space<vmem>> -> memref<2x128xi32, #tpu.memory_space<vmem>>
        %dma_wait3A_94 = arith.constant 0 : i32
        %dma_wait3A_95 = tpu.memref_slice %arg3[%add3A_91, %dma_wait3A_94] : memref<2560x128xi32, #tpu.memory_space<hbm>> -> memref<2x128xi32, #tpu.memory_space<hbm>>
        %dma_wait3A_96 = arith.constant 0 : i32
        %dma_wait3A_97 = tpu.memref_slice %arg7[%sub3A_55, %dma_wait3A_96] : memref<4x128xi32, #tpu.memory_space<vmem>> -> memref<2x128xi32, #tpu.memory_space<vmem>>
        %dma_wait3A_98 = arith.constant 0 : i32
        %dma_wait3A_99 = tpu.memref_slice %arg3[%add3A_91, %dma_wait3A_98] : memref<2560x128xi32, #tpu.memory_space<hbm>> -> memref<2x128xi32, #tpu.memory_space<hbm>>
        tpu.wait_dma2 semaphore(%arg14 : memref<!tpu.dma_semaphore, #tpu.memory_space<semaphore_mem>>) src(%dma_wait3A_99 : memref<2x128xi32, #tpu.memory_space<hbm>>) dst(%dma_wait3A_97 : memref<2x128xi32, #tpu.memory_space<vmem>>)
        %dma_start3A_100 = arith.constant 0 : i32
        %dma_start3A_101 = tpu.memref_slice %arg7[%sub3A_55, %dma_start3A_100] : memref<4x128xi32, #tpu.memory_space<vmem>> -> memref<1x128xi32, #tpu.memory_space<vmem>>
        %dma_start3A_102 = tpu.memref_squeeze %dma_start3A_101 : memref<1x128xi32, #tpu.memory_space<vmem>> -> memref<128xi32, #tpu.memory_space<vmem>>
        %dma_start3A_103 = arith.constant 0 : i32
        %dma_start3A_104 = arith.constant 0 : i32
        %dma_start3A_105 = tpu.memref_slice %arg2[%dma_start3A_103, %dma_start3A_104] : memref<10240x128xf32, #tpu.memory_space<hbm>> -> memref<10240x128xf32, #tpu.memory_space<hbm>>
        tpu.enqueue_indirect_dma source(%dma_start3A_105 : memref<10240x128xf32, #tpu.memory_space<hbm>>) target(%arg9 : memref<128x128xf32, #tpu.memory_space<vmem>>) offsets(%dma_start3A_102 : memref<128xi32, #tpu.memory_space<vmem>>) semaphore(%arg12 : memref<!tpu.dma_semaphore, #tpu.memory_space<semaphore_mem>>)
      } else {
      }
      %add3A_77 = arith.constant 1 : i32
      %add3A_78 = arith.addi %mul3A_53, %add3A_77 : i32
      %dma_wait3A_79 = arith.constant 0 : i32
      %dma_wait3A_80 = tpu.memref_slice %arg7[%add3A_78, %dma_wait3A_79] : memref<4x128xi32, #tpu.memory_space<vmem>> -> memref<1x128xi32, #tpu.memory_space<vmem>>
      %dma_wait3A_81 = tpu.memref_squeeze %dma_wait3A_80 : memref<1x128xi32, #tpu.memory_space<vmem>> -> memref<128xi32, #tpu.memory_space<vmem>>
      %dma_wait3A_82 = arith.constant 0 : i32
      %dma_wait3A_83 = arith.constant 0 : i32
      %dma_wait3A_84 = tpu.memref_slice %arg2[%dma_wait3A_82, %dma_wait3A_83] : memref<10240x128xf32, #tpu.memory_space<hbm>> -> memref<10240x128xf32, #tpu.memory_space<hbm>>
      tpu.wait_indirect_dma semaphore(%arg13 : memref<!tpu.dma_semaphore, #tpu.memory_space<semaphore_mem>>) src(%dma_wait3A_84 : memref<10240x128xf32, #tpu.memory_space<hbm>>) dst(%arg10 : memref<128x128xf32, #tpu.memory_space<vmem>>)
      %add3A_85 = arith.constant 1 : i32
      %add3A_86 = arith.addi %mul3A_53, %add3A_85 : i32
      "tpu.region"() ({
        %run_scoped3A = tpu.sem_alloc : memref<!tpu.dma_semaphore, #tpu.memory_space<semaphore_mem>>
        %dma_start3A_90 = arith.constant 0 : i32
        %dma_start3A_91 = tpu.memref_slice %arg8[%add3A_86, %dma_start3A_90] : memref<4x128xi32, #tpu.memory_space<vmem>> -> memref<1x128xi32, #tpu.memory_space<vmem>>
        %dma_start3A_92 = tpu.memref_squeeze %dma_start3A_91 : memref<1x128xi32, #tpu.memory_space<vmem>> -> memref<128xi32, #tpu.memory_space<vmem>>
        %dma_start3A_93 = arith.constant 0 : i32
        %dma_start3A_94 = arith.constant 0 : i32
        %dma_start3A_95 = tpu.memref_slice %arg11[%dma_start3A_93, %dma_start3A_94] : memref<10240x128xf32, #tpu.memory_space<vmem_shared>> -> memref<10240x128xf32, #tpu.memory_space<vmem_shared>>
        tpu.enqueue_indirect_dma source(%arg10 : memref<128x128xf32, #tpu.memory_space<vmem>>) target(%dma_start3A_95 : memref<10240x128xf32, #tpu.memory_space<vmem_shared>>) offsets(%dma_start3A_92 : memref<128xi32, #tpu.memory_space<vmem>>) semaphore(%run_scoped3A : memref<!tpu.dma_semaphore, #tpu.memory_space<semaphore_mem>>) {add = true}
        %dma_wait3A_96 = arith.constant 0 : i32
        %dma_wait3A_97 = tpu.memref_slice %arg8[%add3A_86, %dma_wait3A_96] : memref<4x128xi32, #tpu.memory_space<vmem>> -> memref<1x128xi32, #tpu.memory_space<vmem>>
        %dma_wait3A_98 = tpu.memref_squeeze %dma_wait3A_97 : memref<1x128xi32, #tpu.memory_space<vmem>> -> memref<128xi32, #tpu.memory_space<vmem>>
        %dma_wait3A_99 = arith.constant 0 : i32
        %dma_wait3A_100 = arith.constant 0 : i32
        %dma_wait3A_101 = tpu.memref_slice %arg11[%dma_wait3A_99, %dma_wait3A_100] : memref<10240x128xf32, #tpu.memory_space<vmem_shared>> -> memref<10240x128xf32, #tpu.memory_space<vmem_shared>>
        tpu.wait_indirect_dma semaphore(%run_scoped3A : memref<!tpu.dma_semaphore, #tpu.memory_space<semaphore_mem>>) src(%arg10 : memref<128x128xf32, #tpu.memory_space<vmem>>) dst(%dma_wait3A_101 : memref<10240x128xf32, #tpu.memory_space<vmem_shared>>)
        tpu.yield
      }) : () -> ()
      %convert_element_type3A_87 = arith.extui %lt3A_58 : i1 to i32
      %cond3A_88 = arith.constant 0 : i32
      %cond3A_89 = arith.cmpi ne, %convert_element_type3A_87, %cond3A_88 : i32
      scf.if %cond3A_89 {
        %add3A_90 = arith.constant 2 : i32
        %add3A_91 = arith.addi %add3A_39, %add3A_90 : i32
        %dma_wait3A_92 = arith.constant 0 : i32
        %dma_wait3A_93 = tpu.memref_slice %arg8[%sub3A_55, %dma_wait3A_92] : memref<4x128xi32, #tpu.memory_space<vmem>> -> memref<2x128xi32, #tpu.memory_space<vmem>>
        %dma_wait3A_94 = arith.constant 0 : i32
        %dma_wait3A_95 = tpu.memref_slice %arg4[%add3A_91, %dma_wait3A_94] : memref<2560x128xi32, #tpu.memory_space<hbm>> -> memref<2x128xi32, #tpu.memory_space<hbm>>
        %dma_wait3A_96 = arith.constant 0 : i32
        %dma_wait3A_97 = tpu.memref_slice %arg8[%sub3A_55, %dma_wait3A_96] : memref<4x128xi32, #tpu.memory_space<vmem>> -> memref<2x128xi32, #tpu.memory_space<vmem>>
        %dma_wait3A_98 = arith.constant 0 : i32
        %dma_wait3A_99 = tpu.memref_slice %arg4[%add3A_91, %dma_wait3A_98] : memref<2560x128xi32, #tpu.memory_space<hbm>> -> memref<2x128xi32, #tpu.memory_space<hbm>>
        tpu.wait_dma2 semaphore(%arg15 : memref<!tpu.dma_semaphore, #tpu.memory_space<semaphore_mem>>) src(%dma_wait3A_99 : memref<2x128xi32, #tpu.memory_space<hbm>>) dst(%dma_wait3A_97 : memref<2x128xi32, #tpu.memory_space<vmem>>)
      } else {
      }
    }
    %barrier3A_29 = arith.constant 0 : index
    tpu.barrier barrier_id(%barrier3A_29)
    %mul3A_30 = arith.constant 640 : i32
    %mul3A_31 = arith.muli %arg1, %mul3A_30 : i32
    %mul3A_32 = arith.constant 640 : i32
    %mul3A_33 = arith.muli %arg1, %mul3A_32 : i32
    "tpu.region"() ({
      %run_scoped3A = tpu.sem_alloc : memref<!tpu.dma_semaphore, #tpu.memory_space<semaphore_mem>>
      %dma_start3A = arith.constant 0 : i32
      %dma_start3A_34 = tpu.memref_slice %arg6[%arg0, %mul3A_33, %dma_start3A] : memref<2x10240x128xf32, #tpu.memory_space<hbm>> -> memref<1x640x128xf32, #tpu.memory_space<hbm>>
      %dma_start3A_35 = tpu.memref_squeeze %dma_start3A_34 : memref<1x640x128xf32, #tpu.memory_space<hbm>> -> memref<640x128xf32, #tpu.memory_space<hbm>>
      %dma_start3A_36 = arith.constant 0 : i32
      %dma_start3A_37 = tpu.memref_slice %arg11[%mul3A_31, %dma_start3A_36] : memref<10240x128xf32, #tpu.memory_space<vmem_shared>> -> memref<640x128xf32, #tpu.memory_space<vmem_shared>>
      tpu.enqueue_dma source(%dma_start3A_37 : memref<640x128xf32, #tpu.memory_space<vmem_shared>>) target(%dma_start3A_35 : memref<640x128xf32, #tpu.memory_space<hbm>>) target_semaphore(%run_scoped3A : memref<!tpu.dma_semaphore, #tpu.memory_space<semaphore_mem>>)
      %dma_wait3A = arith.constant 0 : i32
      %dma_wait3A_38 = tpu.memref_slice %arg6[%arg0, %mul3A_33, %dma_wait3A] : memref<2x10240x128xf32, #tpu.memory_space<hbm>> -> memref<1x640x128xf32, #tpu.memory_space<hbm>>
      %dma_wait3A_39 = tpu.memref_squeeze %dma_wait3A_38 : memref<1x640x128xf32, #tpu.memory_space<hbm>> -> memref<640x128xf32, #tpu.memory_space<hbm>>
      %dma_wait3A_40 = arith.constant 0 : i32
      %dma_wait3A_41 = tpu.memref_slice %arg11[%mul3A_31, %dma_wait3A_40] : memref<10240x128xf32, #tpu.memory_space<vmem_shared>> -> memref<640x128xf32, #tpu.memory_space<vmem_shared>>
      tpu.wait_dma2 semaphore(%run_scoped3A : memref<!tpu.dma_semaphore, #tpu.memory_space<semaphore_mem>>) src(%dma_wait3A_41 : memref<640x128xf32, #tpu.memory_space<vmem_shared>>) dst(%dma_wait3A_39 : memref<640x128xf32, #tpu.memory_space<hbm>>)
      tpu.yield
    }) : () -> ()
    return
  }
}

#map = affine_map<(d0, d1) -> (0, 0)>
#map1 = affine_map<(d0, d1) -> (0, 0, 0)>
module attributes {stable_mosaic.version = 14 : i64} {
  func.func @_agg_kernel(%arg0: i32, %arg1: i32, %arg2: memref<10240x128xf32, #tpu.memory_space<hbm>>, %arg3: memref<2560x128xi32, #tpu.memory_space<hbm>>, %arg4: memref<2560x128xi32, #tpu.memory_space<hbm>>, %arg5: memref<640x128xf32, #tpu.memory_space<hbm>>, %arg6: memref<2x10240x128xf32, #tpu.memory_space<hbm>>, %arg7: memref<4x128xi32, #tpu.memory_space<vmem>>, %arg8: memref<4x128xi32, #tpu.memory_space<vmem>>, %arg9: memref<128x128xf32, #tpu.memory_space<vmem>>, %arg10: memref<128x128xf32, #tpu.memory_space<vmem>>, %arg11: memref<10240x128xf32, #tpu.memory_space<vmem_shared>>, %arg12: memref<!tpu.dma_semaphore, #tpu.memory_space<semaphore_mem>>, %arg13: memref<!tpu.dma_semaphore, #tpu.memory_space<semaphore_mem>>, %arg14: memref<!tpu.dma_semaphore, #tpu.memory_space<semaphore_mem>>, %arg15: memref<!tpu.dma_semaphore, #tpu.memory_space<semaphore_mem>>) attributes {dimension_semantics = [#tpu.dimension_semantics<core_parallel>, #tpu.dimension_semantics<subcore_parallel>], iteration_bounds = array<i64: 2, 16>, scalar_prefetch = 0 : i64, scratch_operands = 9 : i64, tpu.core_type = #tpu.core_type<sc_vector_subcore>, window_params = [{transform_indices = #map}, {transform_indices = #map}, {transform_indices = #map}, {transform_indices = #map}, {transform_indices = #map1}]} {
    %eq3A = arith.constant 0 : i32
    %eq3A_0 = arith.cmpi eq, %arg0, %eq3A : i32
    %mul3A = arith.constant 150 : i32
    %mul3A_1 = arith.muli %arg1, %mul3A : i32
    %mul3A_2 = arith.constant 10 : i32
    %mul3A_3 = arith.muli %arg1, %mul3A_2 : i32
    %add3A = arith.constant 2400 : i32
    %add3A_4 = arith.addi %add3A, %mul3A_3 : i32
    %select_n3A = arith.select %eq3A_0, %mul3A_1, %add3A_4 : i32
    %eq3A_5 = arith.constant 0 : i32
    %eq3A_6 = arith.cmpi eq, %arg0, %eq3A_5 : i32
    %jit3A = arith.constant 75 : i32
    %jit3A_7 = arith.constant 5 : i32
    %select_n3A_8 = arith.select %eq3A_6, %jit3A, %jit3A_7 : i32
    %mul3A_9 = arith.constant 640 : i32
    %mul3A_10 = arith.muli %arg1, %mul3A_9 : i32
    "tpu.region"() ({
      %run_scoped3A = tpu.sem_alloc : memref<!tpu.dma_semaphore, #tpu.memory_space<semaphore_mem>>
      %dma_start3A = arith.constant 0 : i32
      %dma_start3A_34 = tpu.memref_slice %arg11[%mul3A_10, %dma_start3A] : memref<10240x128xf32, #tpu.memory_space<vmem_shared>> -> memref<640x128xf32, #tpu.memory_space<vmem_shared>>
      tpu.enqueue_dma source(%arg5 : memref<640x128xf32, #tpu.memory_space<hbm>>) target(%dma_start3A_34 : memref<640x128xf32, #tpu.memory_space<vmem_shared>>) target_semaphore(%run_scoped3A : memref<!tpu.dma_semaphore, #tpu.memory_space<semaphore_mem>>)
      %dma_wait3A = arith.constant 0 : i32
      %dma_wait3A_35 = tpu.memref_slice %arg11[%mul3A_10, %dma_wait3A] : memref<10240x128xf32, #tpu.memory_space<vmem_shared>> -> memref<640x128xf32, #tpu.memory_space<vmem_shared>>
      tpu.wait_dma2 semaphore(%run_scoped3A : memref<!tpu.dma_semaphore, #tpu.memory_space<semaphore_mem>>) src(%arg5 : memref<640x128xf32, #tpu.memory_space<hbm>>) dst(%dma_wait3A_35 : memref<640x128xf32, #tpu.memory_space<vmem_shared>>)
      tpu.yield
    }) : () -> ()
    "tpu.region"() ({
      %run_scoped3A = tpu.sem_alloc : memref<!tpu.dma_semaphore, #tpu.memory_space<semaphore_mem>>
      %dma_start3A = arith.constant 0 : i32
      %dma_start3A_34 = arith.constant 0 : i32
      %dma_start3A_35 = tpu.memref_slice %arg7[%dma_start3A, %dma_start3A_34] : memref<4x128xi32, #tpu.memory_space<vmem>> -> memref<2x128xi32, #tpu.memory_space<vmem>>
      %dma_start3A_36 = arith.constant 0 : i32
      %dma_start3A_37 = tpu.memref_slice %arg3[%select_n3A, %dma_start3A_36] : memref<2560x128xi32, #tpu.memory_space<hbm>> -> memref<2x128xi32, #tpu.memory_space<hbm>>
      %dma_start3A_38 = arith.constant 0 : i32
      %dma_start3A_39 = arith.constant 0 : i32
      %dma_start3A_40 = tpu.memref_slice %arg7[%dma_start3A_38, %dma_start3A_39] : memref<4x128xi32, #tpu.memory_space<vmem>> -> memref<2x128xi32, #tpu.memory_space<vmem>>
      %dma_start3A_41 = arith.constant 0 : i32
      %dma_start3A_42 = tpu.memref_slice %arg3[%select_n3A, %dma_start3A_41] : memref<2560x128xi32, #tpu.memory_space<hbm>> -> memref<2x128xi32, #tpu.memory_space<hbm>>
      tpu.enqueue_dma source(%dma_start3A_42 : memref<2x128xi32, #tpu.memory_space<hbm>>) target(%dma_start3A_40 : memref<2x128xi32, #tpu.memory_space<vmem>>) target_semaphore(%run_scoped3A : memref<!tpu.dma_semaphore, #tpu.memory_space<semaphore_mem>>)
      %dma_wait3A = arith.constant 0 : i32
      %dma_wait3A_43 = arith.constant 0 : i32
      %dma_wait3A_44 = tpu.memref_slice %arg7[%dma_wait3A, %dma_wait3A_43] : memref<4x128xi32, #tpu.memory_space<vmem>> -> memref<2x128xi32, #tpu.memory_space<vmem>>
      %dma_wait3A_45 = arith.constant 0 : i32
      %dma_wait3A_46 = tpu.memref_slice %arg3[%select_n3A, %dma_wait3A_45] : memref<2560x128xi32, #tpu.memory_space<hbm>> -> memref<2x128xi32, #tpu.memory_space<hbm>>
      %dma_wait3A_47 = arith.constant 0 : i32
      %dma_wait3A_48 = arith.constant 0 : i32
      %dma_wait3A_49 = tpu.memref_slice %arg7[%dma_wait3A_47, %dma_wait3A_48] : memref<4x128xi32, #tpu.memory_space<vmem>> -> memref<2x128xi32, #tpu.memory_space<vmem>>
      %dma_wait3A_50 = arith.constant 0 : i32
      %dma_wait3A_51 = tpu.memref_slice %arg3[%select_n3A, %dma_wait3A_50] : memref<2560x128xi32, #tpu.memory_space<hbm>> -> memref<2x128xi32, #tpu.memory_space<hbm>>
      tpu.wait_dma2 semaphore(%run_scoped3A : memref<!tpu.dma_semaphore, #tpu.memory_space<semaphore_mem>>) src(%dma_wait3A_51 : memref<2x128xi32, #tpu.memory_space<hbm>>) dst(%dma_wait3A_49 : memref<2x128xi32, #tpu.memory_space<vmem>>)
      tpu.yield
    }) : () -> ()
    "tpu.region"() ({
      %run_scoped3A = tpu.sem_alloc : memref<!tpu.dma_semaphore, #tpu.memory_space<semaphore_mem>>
      %dma_start3A = arith.constant 0 : i32
      %dma_start3A_34 = arith.constant 0 : i32
      %dma_start3A_35 = tpu.memref_slice %arg8[%dma_start3A, %dma_start3A_34] : memref<4x128xi32, #tpu.memory_space<vmem>> -> memref<2x128xi32, #tpu.memory_space<vmem>>
      %dma_start3A_36 = arith.constant 0 : i32
      %dma_start3A_37 = tpu.memref_slice %arg4[%select_n3A, %dma_start3A_36] : memref<2560x128xi32, #tpu.memory_space<hbm>> -> memref<2x128xi32, #tpu.memory_space<hbm>>
      %dma_start3A_38 = arith.constant 0 : i32
      %dma_start3A_39 = arith.constant 0 : i32
      %dma_start3A_40 = tpu.memref_slice %arg8[%dma_start3A_38, %dma_start3A_39] : memref<4x128xi32, #tpu.memory_space<vmem>> -> memref<2x128xi32, #tpu.memory_space<vmem>>
      %dma_start3A_41 = arith.constant 0 : i32
      %dma_start3A_42 = tpu.memref_slice %arg4[%select_n3A, %dma_start3A_41] : memref<2560x128xi32, #tpu.memory_space<hbm>> -> memref<2x128xi32, #tpu.memory_space<hbm>>
      tpu.enqueue_dma source(%dma_start3A_42 : memref<2x128xi32, #tpu.memory_space<hbm>>) target(%dma_start3A_40 : memref<2x128xi32, #tpu.memory_space<vmem>>) target_semaphore(%run_scoped3A : memref<!tpu.dma_semaphore, #tpu.memory_space<semaphore_mem>>)
      %dma_wait3A = arith.constant 0 : i32
      %dma_wait3A_43 = arith.constant 0 : i32
      %dma_wait3A_44 = tpu.memref_slice %arg8[%dma_wait3A, %dma_wait3A_43] : memref<4x128xi32, #tpu.memory_space<vmem>> -> memref<2x128xi32, #tpu.memory_space<vmem>>
      %dma_wait3A_45 = arith.constant 0 : i32
      %dma_wait3A_46 = tpu.memref_slice %arg4[%select_n3A, %dma_wait3A_45] : memref<2560x128xi32, #tpu.memory_space<hbm>> -> memref<2x128xi32, #tpu.memory_space<hbm>>
      %dma_wait3A_47 = arith.constant 0 : i32
      %dma_wait3A_48 = arith.constant 0 : i32
      %dma_wait3A_49 = tpu.memref_slice %arg8[%dma_wait3A_47, %dma_wait3A_48] : memref<4x128xi32, #tpu.memory_space<vmem>> -> memref<2x128xi32, #tpu.memory_space<vmem>>
      %dma_wait3A_50 = arith.constant 0 : i32
      %dma_wait3A_51 = tpu.memref_slice %arg4[%select_n3A, %dma_wait3A_50] : memref<2560x128xi32, #tpu.memory_space<hbm>> -> memref<2x128xi32, #tpu.memory_space<hbm>>
      tpu.wait_dma2 semaphore(%run_scoped3A : memref<!tpu.dma_semaphore, #tpu.memory_space<semaphore_mem>>) src(%dma_wait3A_51 : memref<2x128xi32, #tpu.memory_space<hbm>>) dst(%dma_wait3A_49 : memref<2x128xi32, #tpu.memory_space<vmem>>)
      tpu.yield
    }) : () -> ()
    %barrier3A = arith.constant 0 : index
    tpu.barrier barrier_id(%barrier3A)
    %gt3A = arith.constant 0 : i32
    %gt3A_11 = arith.cmpi sgt, %select_n3A_8, %gt3A : i32
    %convert_element_type3A = arith.extui %gt3A_11 : i1 to i32
    %cond3A = arith.constant 0 : i32
    %cond3A_12 = arith.cmpi ne, %convert_element_type3A, %cond3A : i32
    scf.if %cond3A_12 {
      %dma_start3A = arith.constant 0 : i32
      %dma_start3A_34 = arith.constant 0 : i32
      %dma_start3A_35 = tpu.memref_slice %arg7[%dma_start3A, %dma_start3A_34] : memref<4x128xi32, #tpu.memory_space<vmem>> -> memref<1x128xi32, #tpu.memory_space<vmem>>
      %dma_start3A_36 = tpu.memref_squeeze %dma_start3A_35 : memref<1x128xi32, #tpu.memory_space<vmem>> -> memref<128xi32, #tpu.memory_space<vmem>>
      %dma_start3A_37 = arith.constant 0 : i32
      %dma_start3A_38 = arith.constant 0 : i32
      %dma_start3A_39 = tpu.memref_slice %arg2[%dma_start3A_37, %dma_start3A_38] : memref<10240x128xf32, #tpu.memory_space<hbm>> -> memref<10240x128xf32, #tpu.memory_space<hbm>>
      tpu.enqueue_indirect_dma source(%dma_start3A_39 : memref<10240x128xf32, #tpu.memory_space<hbm>>) target(%arg9 : memref<128x128xf32, #tpu.memory_space<vmem>>) offsets(%dma_start3A_36 : memref<128xi32, #tpu.memory_space<vmem>>) semaphore(%arg12 : memref<!tpu.dma_semaphore, #tpu.memory_space<semaphore_mem>>)
    } else {
    }
    %sub3A = arith.constant 0 : i32
    %sub3A_13 = arith.subi %select_n3A_8, %sub3A : i32
    %sub3A_14 = arith.constant 1 : i32
    %sub3A_15 = arith.constant 1 : i32
    %sub3A_16 = arith.subi %sub3A_14, %sub3A_15 : i32
    %add3A_17 = arith.addi %sub3A_13, %sub3A_16 : i32
    %div3A = arith.constant 1 : i32
    %div3A_18 = arith.divsi %add3A_17, %div3A : i32
    %while3A = arith.constant 1 : i32
    %while3A_19 = arith.constant 0 : i32
    %while3A_20 = arith.constant 0 : i32
    %while3A_21 = arith.subi %div3A_18, %while3A_20 : i32
    %while3A_22 = arith.addi %while3A_20, %while3A_21 : i32
    %while3A_23 = arith.constant 1 : i32
    %while3A_24 = arith.divsi %while3A_21, %while3A_23 : i32
    %while3A_25 = arith.muli %while3A_24, %while3A_23 : i32
    %while3A_26 = arith.addi %while3A_20, %while3A_25 : i32
    %while3A_27 = arith.constant 1 : i32
    scf.for %while3A_34 = %while3A_20 to %while3A_26 step %while3A_27  : i32 {
      %mul3A_35 = arith.muli %while3A_34, %while3A : i32
      %add3A_36 = arith.addi %while3A_19, %mul3A_35 : i32
      %mul3A_37 = arith.constant 2 : i32
      %mul3A_38 = arith.muli %add3A_36, %mul3A_37 : i32
      %add3A_39 = arith.addi %select_n3A, %mul3A_38 : i32
      %jit3A_40 = arith.constant 2 : i32
      %eq3A_41 = arith.constant 0 : i32
      %eq3A_42 = arith.cmpi eq, %jit3A_40, %eq3A_41 : i32
      %jit3A_43 = arith.constant 1 : i32
      %select_n3A_44 = arith.select %eq3A_42, %jit3A_43, %jit3A_40 : i32
      %rem3A = arith.remsi %add3A_36, %select_n3A_44 : i32
      %ne3A = arith.constant 0 : i32
      %ne3A_45 = arith.cmpi ne, %rem3A, %ne3A : i32
      %lt3A = arith.constant 0 : i32
      %lt3A_46 = arith.cmpi slt, %rem3A, %lt3A : i32
      %lt3A_47 = arith.constant 0 : i32
      %lt3A_48 = arith.cmpi slt, %select_n3A_44, %lt3A_47 : i32
      %ne3A_49 = arith.xori %lt3A_46, %lt3A_48 : i1
      %and3A = arith.andi %ne3A_49, %ne3A_45 : i1
      %add3A_50 = arith.addi %rem3A, %select_n3A_44 : i32
      %select_n3A_51 = arith.select %and3A, %add3A_50, %rem3A : i32
      %mul3A_52 = arith.constant 2 : i32
      %mul3A_53 = arith.muli %select_n3A_51, %mul3A_52 : i32
      %sub3A_54 = arith.constant 2 : i32
      %sub3A_55 = arith.subi %sub3A_54, %mul3A_53 : i32
      %add3A_56 = arith.constant 1 : i32
      %add3A_57 = arith.addi %add3A_36, %add3A_56 : i32
      %lt3A_58 = arith.cmpi slt, %add3A_57, %select_n3A_8 : i32
      %convert_element_type3A_59 = arith.extui %lt3A_58 : i1 to i32
      %cond3A_60 = arith.constant 0 : i32
      %cond3A_61 = arith.cmpi ne, %convert_element_type3A_59, %cond3A_60 : i32
      scf.if %cond3A_61 {
        %add3A_90 = arith.constant 2 : i32
        %add3A_91 = arith.addi %add3A_39, %add3A_90 : i32
        %dma_start3A_92 = arith.constant 0 : i32
        %dma_start3A_93 = tpu.memref_slice %arg7[%sub3A_55, %dma_start3A_92] : memref<4x128xi32, #tpu.memory_space<vmem>> -> memref<2x128xi32, #tpu.memory_space<vmem>>
        %dma_start3A_94 = arith.constant 0 : i32
        %dma_start3A_95 = tpu.memref_slice %arg3[%add3A_91, %dma_start3A_94] : memref<2560x128xi32, #tpu.memory_space<hbm>> -> memref<2x128xi32, #tpu.memory_space<hbm>>
        %dma_start3A_96 = arith.constant 0 : i32
        %dma_start3A_97 = tpu.memref_slice %arg7[%sub3A_55, %dma_start3A_96] : memref<4x128xi32, #tpu.memory_space<vmem>> -> memref<2x128xi32, #tpu.memory_space<vmem>>
        %dma_start3A_98 = arith.constant 0 : i32
        %dma_start3A_99 = tpu.memref_slice %arg3[%add3A_91, %dma_start3A_98] : memref<2560x128xi32, #tpu.memory_space<hbm>> -> memref<2x128xi32, #tpu.memory_space<hbm>>
        tpu.enqueue_dma source(%dma_start3A_99 : memref<2x128xi32, #tpu.memory_space<hbm>>) target(%dma_start3A_97 : memref<2x128xi32, #tpu.memory_space<vmem>>) target_semaphore(%arg14 : memref<!tpu.dma_semaphore, #tpu.memory_space<semaphore_mem>>)
        %add3A_100 = arith.constant 2 : i32
        %add3A_101 = arith.addi %add3A_39, %add3A_100 : i32
        %dma_start3A_102 = arith.constant 0 : i32
        %dma_start3A_103 = tpu.memref_slice %arg8[%sub3A_55, %dma_start3A_102] : memref<4x128xi32, #tpu.memory_space<vmem>> -> memref<2x128xi32, #tpu.memory_space<vmem>>
        %dma_start3A_104 = arith.constant 0 : i32
        %dma_start3A_105 = tpu.memref_slice %arg4[%add3A_101, %dma_start3A_104] : memref<2560x128xi32, #tpu.memory_space<hbm>> -> memref<2x128xi32, #tpu.memory_space<hbm>>
        %dma_start3A_106 = arith.constant 0 : i32
        %dma_start3A_107 = tpu.memref_slice %arg8[%sub3A_55, %dma_start3A_106] : memref<4x128xi32, #tpu.memory_space<vmem>> -> memref<2x128xi32, #tpu.memory_space<vmem>>
        %dma_start3A_108 = arith.constant 0 : i32
        %dma_start3A_109 = tpu.memref_slice %arg4[%add3A_101, %dma_start3A_108] : memref<2560x128xi32, #tpu.memory_space<hbm>> -> memref<2x128xi32, #tpu.memory_space<hbm>>
        tpu.enqueue_dma source(%dma_start3A_109 : memref<2x128xi32, #tpu.memory_space<hbm>>) target(%dma_start3A_107 : memref<2x128xi32, #tpu.memory_space<vmem>>) target_semaphore(%arg15 : memref<!tpu.dma_semaphore, #tpu.memory_space<semaphore_mem>>)
      } else {
      }
      %add3A_62 = arith.constant 1 : i32
      %add3A_63 = arith.addi %mul3A_53, %add3A_62 : i32
      %dma_start3A = arith.constant 0 : i32
      %dma_start3A_64 = tpu.memref_slice %arg7[%add3A_63, %dma_start3A] : memref<4x128xi32, #tpu.memory_space<vmem>> -> memref<1x128xi32, #tpu.memory_space<vmem>>
      %dma_start3A_65 = tpu.memref_squeeze %dma_start3A_64 : memref<1x128xi32, #tpu.memory_space<vmem>> -> memref<128xi32, #tpu.memory_space<vmem>>
      %dma_start3A_66 = arith.constant 0 : i32
      %dma_start3A_67 = arith.constant 0 : i32
      %dma_start3A_68 = tpu.memref_slice %arg2[%dma_start3A_66, %dma_start3A_67] : memref<10240x128xf32, #tpu.memory_space<hbm>> -> memref<10240x128xf32, #tpu.memory_space<hbm>>
      tpu.enqueue_indirect_dma source(%dma_start3A_68 : memref<10240x128xf32, #tpu.memory_space<hbm>>) target(%arg10 : memref<128x128xf32, #tpu.memory_space<vmem>>) offsets(%dma_start3A_65 : memref<128xi32, #tpu.memory_space<vmem>>) semaphore(%arg13 : memref<!tpu.dma_semaphore, #tpu.memory_space<semaphore_mem>>)
      %dma_wait3A = arith.constant 0 : i32
      %dma_wait3A_69 = tpu.memref_slice %arg7[%mul3A_53, %dma_wait3A] : memref<4x128xi32, #tpu.memory_space<vmem>> -> memref<1x128xi32, #tpu.memory_space<vmem>>
      %dma_wait3A_70 = tpu.memref_squeeze %dma_wait3A_69 : memref<1x128xi32, #tpu.memory_space<vmem>> -> memref<128xi32, #tpu.memory_space<vmem>>
      %dma_wait3A_71 = arith.constant 0 : i32
      %dma_wait3A_72 = arith.constant 0 : i32
      %dma_wait3A_73 = tpu.memref_slice %arg2[%dma_wait3A_71, %dma_wait3A_72] : memref<10240x128xf32, #tpu.memory_space<hbm>> -> memref<10240x128xf32, #tpu.memory_space<hbm>>
      tpu.wait_indirect_dma semaphore(%arg12 : memref<!tpu.dma_semaphore, #tpu.memory_space<semaphore_mem>>) src(%dma_wait3A_73 : memref<10240x128xf32, #tpu.memory_space<hbm>>) dst(%arg9 : memref<128x128xf32, #tpu.memory_space<vmem>>)
      "tpu.region"() ({
        %run_scoped3A = tpu.sem_alloc : memref<!tpu.dma_semaphore, #tpu.memory_space<semaphore_mem>>
        %dma_start3A_90 = arith.constant 0 : i32
        %dma_start3A_91 = tpu.memref_slice %arg8[%mul3A_53, %dma_start3A_90] : memref<4x128xi32, #tpu.memory_space<vmem>> -> memref<1x128xi32, #tpu.memory_space<vmem>>
        %dma_start3A_92 = tpu.memref_squeeze %dma_start3A_91 : memref<1x128xi32, #tpu.memory_space<vmem>> -> memref<128xi32, #tpu.memory_space<vmem>>
        %dma_start3A_93 = arith.constant 0 : i32
        %dma_start3A_94 = arith.constant 0 : i32
        %dma_start3A_95 = tpu.memref_slice %arg11[%dma_start3A_93, %dma_start3A_94] : memref<10240x128xf32, #tpu.memory_space<vmem_shared>> -> memref<10240x128xf32, #tpu.memory_space<vmem_shared>>
        tpu.enqueue_indirect_dma source(%arg9 : memref<128x128xf32, #tpu.memory_space<vmem>>) target(%dma_start3A_95 : memref<10240x128xf32, #tpu.memory_space<vmem_shared>>) offsets(%dma_start3A_92 : memref<128xi32, #tpu.memory_space<vmem>>) semaphore(%run_scoped3A : memref<!tpu.dma_semaphore, #tpu.memory_space<semaphore_mem>>) {add = true}
        %dma_wait3A_96 = arith.constant 0 : i32
        %dma_wait3A_97 = tpu.memref_slice %arg8[%mul3A_53, %dma_wait3A_96] : memref<4x128xi32, #tpu.memory_space<vmem>> -> memref<1x128xi32, #tpu.memory_space<vmem>>
        %dma_wait3A_98 = tpu.memref_squeeze %dma_wait3A_97 : memref<1x128xi32, #tpu.memory_space<vmem>> -> memref<128xi32, #tpu.memory_space<vmem>>
        %dma_wait3A_99 = arith.constant 0 : i32
        %dma_wait3A_100 = arith.constant 0 : i32
        %dma_wait3A_101 = tpu.memref_slice %arg11[%dma_wait3A_99, %dma_wait3A_100] : memref<10240x128xf32, #tpu.memory_space<vmem_shared>> -> memref<10240x128xf32, #tpu.memory_space<vmem_shared>>
        tpu.wait_indirect_dma semaphore(%run_scoped3A : memref<!tpu.dma_semaphore, #tpu.memory_space<semaphore_mem>>) src(%arg9 : memref<128x128xf32, #tpu.memory_space<vmem>>) dst(%dma_wait3A_101 : memref<10240x128xf32, #tpu.memory_space<vmem_shared>>)
        tpu.yield
      }) : () -> ()
      %convert_element_type3A_74 = arith.extui %lt3A_58 : i1 to i32
      %cond3A_75 = arith.constant 0 : i32
      %cond3A_76 = arith.cmpi ne, %convert_element_type3A_74, %cond3A_75 : i32
      scf.if %cond3A_76 {
        %add3A_90 = arith.constant 2 : i32
        %add3A_91 = arith.addi %add3A_39, %add3A_90 : i32
        %dma_wait3A_92 = arith.constant 0 : i32
        %dma_wait3A_93 = tpu.memref_slice %arg7[%sub3A_55, %dma_wait3A_92] : memref<4x128xi32, #tpu.memory_space<vmem>> -> memref<2x128xi32, #tpu.memory_space<vmem>>
        %dma_wait3A_94 = arith.constant 0 : i32
        %dma_wait3A_95 = tpu.memref_slice %arg3[%add3A_91, %dma_wait3A_94] : memref<2560x128xi32, #tpu.memory_space<hbm>> -> memref<2x128xi32, #tpu.memory_space<hbm>>
        %dma_wait3A_96 = arith.constant 0 : i32
        %dma_wait3A_97 = tpu.memref_slice %arg7[%sub3A_55, %dma_wait3A_96] : memref<4x128xi32, #tpu.memory_space<vmem>> -> memref<2x128xi32, #tpu.memory_space<vmem>>
        %dma_wait3A_98 = arith.constant 0 : i32
        %dma_wait3A_99 = tpu.memref_slice %arg3[%add3A_91, %dma_wait3A_98] : memref<2560x128xi32, #tpu.memory_space<hbm>> -> memref<2x128xi32, #tpu.memory_space<hbm>>
        tpu.wait_dma2 semaphore(%arg14 : memref<!tpu.dma_semaphore, #tpu.memory_space<semaphore_mem>>) src(%dma_wait3A_99 : memref<2x128xi32, #tpu.memory_space<hbm>>) dst(%dma_wait3A_97 : memref<2x128xi32, #tpu.memory_space<vmem>>)
        %dma_start3A_100 = arith.constant 0 : i32
        %dma_start3A_101 = tpu.memref_slice %arg7[%sub3A_55, %dma_start3A_100] : memref<4x128xi32, #tpu.memory_space<vmem>> -> memref<1x128xi32, #tpu.memory_space<vmem>>
        %dma_start3A_102 = tpu.memref_squeeze %dma_start3A_101 : memref<1x128xi32, #tpu.memory_space<vmem>> -> memref<128xi32, #tpu.memory_space<vmem>>
        %dma_start3A_103 = arith.constant 0 : i32
        %dma_start3A_104 = arith.constant 0 : i32
        %dma_start3A_105 = tpu.memref_slice %arg2[%dma_start3A_103, %dma_start3A_104] : memref<10240x128xf32, #tpu.memory_space<hbm>> -> memref<10240x128xf32, #tpu.memory_space<hbm>>
        tpu.enqueue_indirect_dma source(%dma_start3A_105 : memref<10240x128xf32, #tpu.memory_space<hbm>>) target(%arg9 : memref<128x128xf32, #tpu.memory_space<vmem>>) offsets(%dma_start3A_102 : memref<128xi32, #tpu.memory_space<vmem>>) semaphore(%arg12 : memref<!tpu.dma_semaphore, #tpu.memory_space<semaphore_mem>>)
      } else {
      }
      %add3A_77 = arith.constant 1 : i32
      %add3A_78 = arith.addi %mul3A_53, %add3A_77 : i32
      %dma_wait3A_79 = arith.constant 0 : i32
      %dma_wait3A_80 = tpu.memref_slice %arg7[%add3A_78, %dma_wait3A_79] : memref<4x128xi32, #tpu.memory_space<vmem>> -> memref<1x128xi32, #tpu.memory_space<vmem>>
      %dma_wait3A_81 = tpu.memref_squeeze %dma_wait3A_80 : memref<1x128xi32, #tpu.memory_space<vmem>> -> memref<128xi32, #tpu.memory_space<vmem>>
      %dma_wait3A_82 = arith.constant 0 : i32
      %dma_wait3A_83 = arith.constant 0 : i32
      %dma_wait3A_84 = tpu.memref_slice %arg2[%dma_wait3A_82, %dma_wait3A_83] : memref<10240x128xf32, #tpu.memory_space<hbm>> -> memref<10240x128xf32, #tpu.memory_space<hbm>>
      tpu.wait_indirect_dma semaphore(%arg13 : memref<!tpu.dma_semaphore, #tpu.memory_space<semaphore_mem>>) src(%dma_wait3A_84 : memref<10240x128xf32, #tpu.memory_space<hbm>>) dst(%arg10 : memref<128x128xf32, #tpu.memory_space<vmem>>)
      %add3A_85 = arith.constant 1 : i32
      %add3A_86 = arith.addi %mul3A_53, %add3A_85 : i32
      "tpu.region"() ({
        %run_scoped3A = tpu.sem_alloc : memref<!tpu.dma_semaphore, #tpu.memory_space<semaphore_mem>>
        %dma_start3A_90 = arith.constant 0 : i32
        %dma_start3A_91 = tpu.memref_slice %arg8[%add3A_86, %dma_start3A_90] : memref<4x128xi32, #tpu.memory_space<vmem>> -> memref<1x128xi32, #tpu.memory_space<vmem>>
        %dma_start3A_92 = tpu.memref_squeeze %dma_start3A_91 : memref<1x128xi32, #tpu.memory_space<vmem>> -> memref<128xi32, #tpu.memory_space<vmem>>
        %dma_start3A_93 = arith.constant 0 : i32
        %dma_start3A_94 = arith.constant 0 : i32
        %dma_start3A_95 = tpu.memref_slice %arg11[%dma_start3A_93, %dma_start3A_94] : memref<10240x128xf32, #tpu.memory_space<vmem_shared>> -> memref<10240x128xf32, #tpu.memory_space<vmem_shared>>
        tpu.enqueue_indirect_dma source(%arg10 : memref<128x128xf32, #tpu.memory_space<vmem>>) target(%dma_start3A_95 : memref<10240x128xf32, #tpu.memory_space<vmem_shared>>) offsets(%dma_start3A_92 : memref<128xi32, #tpu.memory_space<vmem>>) semaphore(%run_scoped3A : memref<!tpu.dma_semaphore, #tpu.memory_space<semaphore_mem>>) {add = true}
        %dma_wait3A_96 = arith.constant 0 : i32
        %dma_wait3A_97 = tpu.memref_slice %arg8[%add3A_86, %dma_wait3A_96] : memref<4x128xi32, #tpu.memory_space<vmem>> -> memref<1x128xi32, #tpu.memory_space<vmem>>
        %dma_wait3A_98 = tpu.memref_squeeze %dma_wait3A_97 : memref<1x128xi32, #tpu.memory_space<vmem>> -> memref<128xi32, #tpu.memory_space<vmem>>
        %dma_wait3A_99 = arith.constant 0 : i32
        %dma_wait3A_100 = arith.constant 0 : i32
        %dma_wait3A_101 = tpu.memref_slice %arg11[%dma_wait3A_99, %dma_wait3A_100] : memref<10240x128xf32, #tpu.memory_space<vmem_shared>> -> memref<10240x128xf32, #tpu.memory_space<vmem_shared>>
        tpu.wait_indirect_dma semaphore(%run_scoped3A : memref<!tpu.dma_semaphore, #tpu.memory_space<semaphore_mem>>) src(%arg10 : memref<128x128xf32, #tpu.memory_space<vmem>>) dst(%dma_wait3A_101 : memref<10240x128xf32, #tpu.memory_space<vmem_shared>>)
        tpu.yield
      }) : () -> ()
      %convert_element_type3A_87 = arith.extui %lt3A_58 : i1 to i32
      %cond3A_88 = arith.constant 0 : i32
      %cond3A_89 = arith.cmpi ne, %convert_element_type3A_87, %cond3A_88 : i32
      scf.if %cond3A_89 {
        %add3A_90 = arith.constant 2 : i32
        %add3A_91 = arith.addi %add3A_39, %add3A_90 : i32
        %dma_wait3A_92 = arith.constant 0 : i32
        %dma_wait3A_93 = tpu.memref_slice %arg8[%sub3A_55, %dma_wait3A_92] : memref<4x128xi32, #tpu.memory_space<vmem>> -> memref<2x128xi32, #tpu.memory_space<vmem>>
        %dma_wait3A_94 = arith.constant 0 : i32
        %dma_wait3A_95 = tpu.memref_slice %arg4[%add3A_91, %dma_wait3A_94] : memref<2560x128xi32, #tpu.memory_space<hbm>> -> memref<2x128xi32, #tpu.memory_space<hbm>>
        %dma_wait3A_96 = arith.constant 0 : i32
        %dma_wait3A_97 = tpu.memref_slice %arg8[%sub3A_55, %dma_wait3A_96] : memref<4x128xi32, #tpu.memory_space<vmem>> -> memref<2x128xi32, #tpu.memory_space<vmem>>
        %dma_wait3A_98 = arith.constant 0 : i32
        %dma_wait3A_99 = tpu.memref_slice %arg4[%add3A_91, %dma_wait3A_98] : memref<2560x128xi32, #tpu.memory_space<hbm>> -> memref<2x128xi32, #tpu.memory_space<hbm>>
        tpu.wait_dma2 semaphore(%arg15 : memref<!tpu.dma_semaphore, #tpu.memory_space<semaphore_mem>>) src(%dma_wait3A_99 : memref<2x128xi32, #tpu.memory_space<hbm>>) dst(%dma_wait3A_97 : memref<2x128xi32, #tpu.memory_space<vmem>>)
      } else {
      }
    }
    %while3A_28 = arith.constant 1 : i32
    scf.for %while3A_34 = %while3A_26 to %while3A_22 step %while3A_28  : i32 {
      %mul3A_35 = arith.muli %while3A_34, %while3A : i32
      %add3A_36 = arith.addi %while3A_19, %mul3A_35 : i32
      %mul3A_37 = arith.constant 2 : i32
      %mul3A_38 = arith.muli %add3A_36, %mul3A_37 : i32
      %add3A_39 = arith.addi %select_n3A, %mul3A_38 : i32
      %jit3A_40 = arith.constant 2 : i32
      %eq3A_41 = arith.constant 0 : i32
      %eq3A_42 = arith.cmpi eq, %jit3A_40, %eq3A_41 : i32
      %jit3A_43 = arith.constant 1 : i32
      %select_n3A_44 = arith.select %eq3A_42, %jit3A_43, %jit3A_40 : i32
      %rem3A = arith.remsi %add3A_36, %select_n3A_44 : i32
      %ne3A = arith.constant 0 : i32
      %ne3A_45 = arith.cmpi ne, %rem3A, %ne3A : i32
      %lt3A = arith.constant 0 : i32
      %lt3A_46 = arith.cmpi slt, %rem3A, %lt3A : i32
      %lt3A_47 = arith.constant 0 : i32
      %lt3A_48 = arith.cmpi slt, %select_n3A_44, %lt3A_47 : i32
      %ne3A_49 = arith.xori %lt3A_46, %lt3A_48 : i1
      %and3A = arith.andi %ne3A_49, %ne3A_45 : i1
      %add3A_50 = arith.addi %rem3A, %select_n3A_44 : i32
      %select_n3A_51 = arith.select %and3A, %add3A_50, %rem3A : i32
      %mul3A_52 = arith.constant 2 : i32
      %mul3A_53 = arith.muli %select_n3A_51, %mul3A_52 : i32
      %sub3A_54 = arith.constant 2 : i32
      %sub3A_55 = arith.subi %sub3A_54, %mul3A_53 : i32
      %add3A_56 = arith.constant 1 : i32
      %add3A_57 = arith.addi %add3A_36, %add3A_56 : i32
      %lt3A_58 = arith.cmpi slt, %add3A_57, %select_n3A_8 : i32
      %convert_element_type3A_59 = arith.extui %lt3A_58 : i1 to i32
      %cond3A_60 = arith.constant 0 : i32
      %cond3A_61 = arith.cmpi ne, %convert_element_type3A_59, %cond3A_60 : i32
      scf.if %cond3A_61 {
        %add3A_90 = arith.constant 2 : i32
        %add3A_91 = arith.addi %add3A_39, %add3A_90 : i32
        %dma_start3A_92 = arith.constant 0 : i32
        %dma_start3A_93 = tpu.memref_slice %arg7[%sub3A_55, %dma_start3A_92] : memref<4x128xi32, #tpu.memory_space<vmem>> -> memref<2x128xi32, #tpu.memory_space<vmem>>
        %dma_start3A_94 = arith.constant 0 : i32
        %dma_start3A_95 = tpu.memref_slice %arg3[%add3A_91, %dma_start3A_94] : memref<2560x128xi32, #tpu.memory_space<hbm>> -> memref<2x128xi32, #tpu.memory_space<hbm>>
        %dma_start3A_96 = arith.constant 0 : i32
        %dma_start3A_97 = tpu.memref_slice %arg7[%sub3A_55, %dma_start3A_96] : memref<4x128xi32, #tpu.memory_space<vmem>> -> memref<2x128xi32, #tpu.memory_space<vmem>>
        %dma_start3A_98 = arith.constant 0 : i32
        %dma_start3A_99 = tpu.memref_slice %arg3[%add3A_91, %dma_start3A_98] : memref<2560x128xi32, #tpu.memory_space<hbm>> -> memref<2x128xi32, #tpu.memory_space<hbm>>
        tpu.enqueue_dma source(%dma_start3A_99 : memref<2x128xi32, #tpu.memory_space<hbm>>) target(%dma_start3A_97 : memref<2x128xi32, #tpu.memory_space<vmem>>) target_semaphore(%arg14 : memref<!tpu.dma_semaphore, #tpu.memory_space<semaphore_mem>>)
        %add3A_100 = arith.constant 2 : i32
        %add3A_101 = arith.addi %add3A_39, %add3A_100 : i32
        %dma_start3A_102 = arith.constant 0 : i32
        %dma_start3A_103 = tpu.memref_slice %arg8[%sub3A_55, %dma_start3A_102] : memref<4x128xi32, #tpu.memory_space<vmem>> -> memref<2x128xi32, #tpu.memory_space<vmem>>
        %dma_start3A_104 = arith.constant 0 : i32
        %dma_start3A_105 = tpu.memref_slice %arg4[%add3A_101, %dma_start3A_104] : memref<2560x128xi32, #tpu.memory_space<hbm>> -> memref<2x128xi32, #tpu.memory_space<hbm>>
        %dma_start3A_106 = arith.constant 0 : i32
        %dma_start3A_107 = tpu.memref_slice %arg8[%sub3A_55, %dma_start3A_106] : memref<4x128xi32, #tpu.memory_space<vmem>> -> memref<2x128xi32, #tpu.memory_space<vmem>>
        %dma_start3A_108 = arith.constant 0 : i32
        %dma_start3A_109 = tpu.memref_slice %arg4[%add3A_101, %dma_start3A_108] : memref<2560x128xi32, #tpu.memory_space<hbm>> -> memref<2x128xi32, #tpu.memory_space<hbm>>
        tpu.enqueue_dma source(%dma_start3A_109 : memref<2x128xi32, #tpu.memory_space<hbm>>) target(%dma_start3A_107 : memref<2x128xi32, #tpu.memory_space<vmem>>) target_semaphore(%arg15 : memref<!tpu.dma_semaphore, #tpu.memory_space<semaphore_mem>>)
      } else {
      }
      %add3A_62 = arith.constant 1 : i32
      %add3A_63 = arith.addi %mul3A_53, %add3A_62 : i32
      %dma_start3A = arith.constant 0 : i32
      %dma_start3A_64 = tpu.memref_slice %arg7[%add3A_63, %dma_start3A] : memref<4x128xi32, #tpu.memory_space<vmem>> -> memref<1x128xi32, #tpu.memory_space<vmem>>
      %dma_start3A_65 = tpu.memref_squeeze %dma_start3A_64 : memref<1x128xi32, #tpu.memory_space<vmem>> -> memref<128xi32, #tpu.memory_space<vmem>>
      %dma_start3A_66 = arith.constant 0 : i32
      %dma_start3A_67 = arith.constant 0 : i32
      %dma_start3A_68 = tpu.memref_slice %arg2[%dma_start3A_66, %dma_start3A_67] : memref<10240x128xf32, #tpu.memory_space<hbm>> -> memref<10240x128xf32, #tpu.memory_space<hbm>>
      tpu.enqueue_indirect_dma source(%dma_start3A_68 : memref<10240x128xf32, #tpu.memory_space<hbm>>) target(%arg10 : memref<128x128xf32, #tpu.memory_space<vmem>>) offsets(%dma_start3A_65 : memref<128xi32, #tpu.memory_space<vmem>>) semaphore(%arg13 : memref<!tpu.dma_semaphore, #tpu.memory_space<semaphore_mem>>)
      %dma_wait3A = arith.constant 0 : i32
      %dma_wait3A_69 = tpu.memref_slice %arg7[%mul3A_53, %dma_wait3A] : memref<4x128xi32, #tpu.memory_space<vmem>> -> memref<1x128xi32, #tpu.memory_space<vmem>>
      %dma_wait3A_70 = tpu.memref_squeeze %dma_wait3A_69 : memref<1x128xi32, #tpu.memory_space<vmem>> -> memref<128xi32, #tpu.memory_space<vmem>>
      %dma_wait3A_71 = arith.constant 0 : i32
      %dma_wait3A_72 = arith.constant 0 : i32
      %dma_wait3A_73 = tpu.memref_slice %arg2[%dma_wait3A_71, %dma_wait3A_72] : memref<10240x128xf32, #tpu.memory_space<hbm>> -> memref<10240x128xf32, #tpu.memory_space<hbm>>
      tpu.wait_indirect_dma semaphore(%arg12 : memref<!tpu.dma_semaphore, #tpu.memory_space<semaphore_mem>>) src(%dma_wait3A_73 : memref<10240x128xf32, #tpu.memory_space<hbm>>) dst(%arg9 : memref<128x128xf32, #tpu.memory_space<vmem>>)
      "tpu.region"() ({
        %run_scoped3A = tpu.sem_alloc : memref<!tpu.dma_semaphore, #tpu.memory_space<semaphore_mem>>
        %dma_start3A_90 = arith.constant 0 : i32
        %dma_start3A_91 = tpu.memref_slice %arg8[%mul3A_53, %dma_start3A_90] : memref<4x128xi32, #tpu.memory_space<vmem>> -> memref<1x128xi32, #tpu.memory_space<vmem>>
        %dma_start3A_92 = tpu.memref_squeeze %dma_start3A_91 : memref<1x128xi32, #tpu.memory_space<vmem>> -> memref<128xi32, #tpu.memory_space<vmem>>
        %dma_start3A_93 = arith.constant 0 : i32
        %dma_start3A_94 = arith.constant 0 : i32
        %dma_start3A_95 = tpu.memref_slice %arg11[%dma_start3A_93, %dma_start3A_94] : memref<10240x128xf32, #tpu.memory_space<vmem_shared>> -> memref<10240x128xf32, #tpu.memory_space<vmem_shared>>
        tpu.enqueue_indirect_dma source(%arg9 : memref<128x128xf32, #tpu.memory_space<vmem>>) target(%dma_start3A_95 : memref<10240x128xf32, #tpu.memory_space<vmem_shared>>) offsets(%dma_start3A_92 : memref<128xi32, #tpu.memory_space<vmem>>) semaphore(%run_scoped3A : memref<!tpu.dma_semaphore, #tpu.memory_space<semaphore_mem>>) {add = true}
        %dma_wait3A_96 = arith.constant 0 : i32
        %dma_wait3A_97 = tpu.memref_slice %arg8[%mul3A_53, %dma_wait3A_96] : memref<4x128xi32, #tpu.memory_space<vmem>> -> memref<1x128xi32, #tpu.memory_space<vmem>>
        %dma_wait3A_98 = tpu.memref_squeeze %dma_wait3A_97 : memref<1x128xi32, #tpu.memory_space<vmem>> -> memref<128xi32, #tpu.memory_space<vmem>>
        %dma_wait3A_99 = arith.constant 0 : i32
        %dma_wait3A_100 = arith.constant 0 : i32
        %dma_wait3A_101 = tpu.memref_slice %arg11[%dma_wait3A_99, %dma_wait3A_100] : memref<10240x128xf32, #tpu.memory_space<vmem_shared>> -> memref<10240x128xf32, #tpu.memory_space<vmem_shared>>
        tpu.wait_indirect_dma semaphore(%run_scoped3A : memref<!tpu.dma_semaphore, #tpu.memory_space<semaphore_mem>>) src(%arg9 : memref<128x128xf32, #tpu.memory_space<vmem>>) dst(%dma_wait3A_101 : memref<10240x128xf32, #tpu.memory_space<vmem_shared>>)
        tpu.yield
      }) : () -> ()
      %convert_element_type3A_74 = arith.extui %lt3A_58 : i1 to i32
      %cond3A_75 = arith.constant 0 : i32
      %cond3A_76 = arith.cmpi ne, %convert_element_type3A_74, %cond3A_75 : i32
      scf.if %cond3A_76 {
        %add3A_90 = arith.constant 2 : i32
        %add3A_91 = arith.addi %add3A_39, %add3A_90 : i32
        %dma_wait3A_92 = arith.constant 0 : i32
        %dma_wait3A_93 = tpu.memref_slice %arg7[%sub3A_55, %dma_wait3A_92] : memref<4x128xi32, #tpu.memory_space<vmem>> -> memref<2x128xi32, #tpu.memory_space<vmem>>
        %dma_wait3A_94 = arith.constant 0 : i32
        %dma_wait3A_95 = tpu.memref_slice %arg3[%add3A_91, %dma_wait3A_94] : memref<2560x128xi32, #tpu.memory_space<hbm>> -> memref<2x128xi32, #tpu.memory_space<hbm>>
        %dma_wait3A_96 = arith.constant 0 : i32
        %dma_wait3A_97 = tpu.memref_slice %arg7[%sub3A_55, %dma_wait3A_96] : memref<4x128xi32, #tpu.memory_space<vmem>> -> memref<2x128xi32, #tpu.memory_space<vmem>>
        %dma_wait3A_98 = arith.constant 0 : i32
        %dma_wait3A_99 = tpu.memref_slice %arg3[%add3A_91, %dma_wait3A_98] : memref<2560x128xi32, #tpu.memory_space<hbm>> -> memref<2x128xi32, #tpu.memory_space<hbm>>
        tpu.wait_dma2 semaphore(%arg14 : memref<!tpu.dma_semaphore, #tpu.memory_space<semaphore_mem>>) src(%dma_wait3A_99 : memref<2x128xi32, #tpu.memory_space<hbm>>) dst(%dma_wait3A_97 : memref<2x128xi32, #tpu.memory_space<vmem>>)
        %dma_start3A_100 = arith.constant 0 : i32
        %dma_start3A_101 = tpu.memref_slice %arg7[%sub3A_55, %dma_start3A_100] : memref<4x128xi32, #tpu.memory_space<vmem>> -> memref<1x128xi32, #tpu.memory_space<vmem>>
        %dma_start3A_102 = tpu.memref_squeeze %dma_start3A_101 : memref<1x128xi32, #tpu.memory_space<vmem>> -> memref<128xi32, #tpu.memory_space<vmem>>
        %dma_start3A_103 = arith.constant 0 : i32
        %dma_start3A_104 = arith.constant 0 : i32
        %dma_start3A_105 = tpu.memref_slice %arg2[%dma_start3A_103, %dma_start3A_104] : memref<10240x128xf32, #tpu.memory_space<hbm>> -> memref<10240x128xf32, #tpu.memory_space<hbm>>
        tpu.enqueue_indirect_dma source(%dma_start3A_105 : memref<10240x128xf32, #tpu.memory_space<hbm>>) target(%arg9 : memref<128x128xf32, #tpu.memory_space<vmem>>) offsets(%dma_start3A_102 : memref<128xi32, #tpu.memory_space<vmem>>) semaphore(%arg12 : memref<!tpu.dma_semaphore, #tpu.memory_space<semaphore_mem>>)
      } else {
      }
      %add3A_77 = arith.constant 1 : i32
      %add3A_78 = arith.addi %mul3A_53, %add3A_77 : i32
      %dma_wait3A_79 = arith.constant 0 : i32
      %dma_wait3A_80 = tpu.memref_slice %arg7[%add3A_78, %dma_wait3A_79] : memref<4x128xi32, #tpu.memory_space<vmem>> -> memref<1x128xi32, #tpu.memory_space<vmem>>
      %dma_wait3A_81 = tpu.memref_squeeze %dma_wait3A_80 : memref<1x128xi32, #tpu.memory_space<vmem>> -> memref<128xi32, #tpu.memory_space<vmem>>
      %dma_wait3A_82 = arith.constant 0 : i32
      %dma_wait3A_83 = arith.constant 0 : i32
      %dma_wait3A_84 = tpu.memref_slice %arg2[%dma_wait3A_82, %dma_wait3A_83] : memref<10240x128xf32, #tpu.memory_space<hbm>> -> memref<10240x128xf32, #tpu.memory_space<hbm>>
      tpu.wait_indirect_dma semaphore(%arg13 : memref<!tpu.dma_semaphore, #tpu.memory_space<semaphore_mem>>) src(%dma_wait3A_84 : memref<10240x128xf32, #tpu.memory_space<hbm>>) dst(%arg10 : memref<128x128xf32, #tpu.memory_space<vmem>>)
      %add3A_85 = arith.constant 1 : i32
      %add3A_86 = arith.addi %mul3A_53, %add3A_85 : i32
      "tpu.region"() ({
        %run_scoped3A = tpu.sem_alloc : memref<!tpu.dma_semaphore, #tpu.memory_space<semaphore_mem>>
        %dma_start3A_90 = arith.constant 0 : i32
        %dma_start3A_91 = tpu.memref_slice %arg8[%add3A_86, %dma_start3A_90] : memref<4x128xi32, #tpu.memory_space<vmem>> -> memref<1x128xi32, #tpu.memory_space<vmem>>
        %dma_start3A_92 = tpu.memref_squeeze %dma_start3A_91 : memref<1x128xi32, #tpu.memory_space<vmem>> -> memref<128xi32, #tpu.memory_space<vmem>>
        %dma_start3A_93 = arith.constant 0 : i32
        %dma_start3A_94 = arith.constant 0 : i32
        %dma_start3A_95 = tpu.memref_slice %arg11[%dma_start3A_93, %dma_start3A_94] : memref<10240x128xf32, #tpu.memory_space<vmem_shared>> -> memref<10240x128xf32, #tpu.memory_space<vmem_shared>>
        tpu.enqueue_indirect_dma source(%arg10 : memref<128x128xf32, #tpu.memory_space<vmem>>) target(%dma_start3A_95 : memref<10240x128xf32, #tpu.memory_space<vmem_shared>>) offsets(%dma_start3A_92 : memref<128xi32, #tpu.memory_space<vmem>>) semaphore(%run_scoped3A : memref<!tpu.dma_semaphore, #tpu.memory_space<semaphore_mem>>) {add = true}
        %dma_wait3A_96 = arith.constant 0 : i32
        %dma_wait3A_97 = tpu.memref_slice %arg8[%add3A_86, %dma_wait3A_96] : memref<4x128xi32, #tpu.memory_space<vmem>> -> memref<1x128xi32, #tpu.memory_space<vmem>>
        %dma_wait3A_98 = tpu.memref_squeeze %dma_wait3A_97 : memref<1x128xi32, #tpu.memory_space<vmem>> -> memref<128xi32, #tpu.memory_space<vmem>>
        %dma_wait3A_99 = arith.constant 0 : i32
        %dma_wait3A_100 = arith.constant 0 : i32
        %dma_wait3A_101 = tpu.memref_slice %arg11[%dma_wait3A_99, %dma_wait3A_100] : memref<10240x128xf32, #tpu.memory_space<vmem_shared>> -> memref<10240x128xf32, #tpu.memory_space<vmem_shared>>
        tpu.wait_indirect_dma semaphore(%run_scoped3A : memref<!tpu.dma_semaphore, #tpu.memory_space<semaphore_mem>>) src(%arg10 : memref<128x128xf32, #tpu.memory_space<vmem>>) dst(%dma_wait3A_101 : memref<10240x128xf32, #tpu.memory_space<vmem_shared>>)
        tpu.yield
      }) : () -> ()
      %convert_element_type3A_87 = arith.extui %lt3A_58 : i1 to i32
      %cond3A_88 = arith.constant 0 : i32
      %cond3A_89 = arith.cmpi ne, %convert_element_type3A_87, %cond3A_88 : i32
      scf.if %cond3A_89 {
        %add3A_90 = arith.constant 2 : i32
        %add3A_91 = arith.addi %add3A_39, %add3A_90 : i32
        %dma_wait3A_92 = arith.constant 0 : i32
        %dma_wait3A_93 = tpu.memref_slice %arg8[%sub3A_55, %dma_wait3A_92] : memref<4x128xi32, #tpu.memory_space<vmem>> -> memref<2x128xi32, #tpu.memory_space<vmem>>
        %dma_wait3A_94 = arith.constant 0 : i32
        %dma_wait3A_95 = tpu.memref_slice %arg4[%add3A_91, %dma_wait3A_94] : memref<2560x128xi32, #tpu.memory_space<hbm>> -> memref<2x128xi32, #tpu.memory_space<hbm>>
        %dma_wait3A_96 = arith.constant 0 : i32
        %dma_wait3A_97 = tpu.memref_slice %arg8[%sub3A_55, %dma_wait3A_96] : memref<4x128xi32, #tpu.memory_space<vmem>> -> memref<2x128xi32, #tpu.memory_space<vmem>>
        %dma_wait3A_98 = arith.constant 0 : i32
        %dma_wait3A_99 = tpu.memref_slice %arg4[%add3A_91, %dma_wait3A_98] : memref<2560x128xi32, #tpu.memory_space<hbm>> -> memref<2x128xi32, #tpu.memory_space<hbm>>
        tpu.wait_dma2 semaphore(%arg15 : memref<!tpu.dma_semaphore, #tpu.memory_space<semaphore_mem>>) src(%dma_wait3A_99 : memref<2x128xi32, #tpu.memory_space<hbm>>) dst(%dma_wait3A_97 : memref<2x128xi32, #tpu.memory_space<vmem>>)
      } else {
      }
    }
    %barrier3A_29 = arith.constant 0 : index
    tpu.barrier barrier_id(%barrier3A_29)
    %mul3A_30 = arith.constant 640 : i32
    %mul3A_31 = arith.muli %arg1, %mul3A_30 : i32
    %mul3A_32 = arith.constant 640 : i32
    %mul3A_33 = arith.muli %arg1, %mul3A_32 : i32
    "tpu.region"() ({
      %run_scoped3A = tpu.sem_alloc : memref<!tpu.dma_semaphore, #tpu.memory_space<semaphore_mem>>
      %dma_start3A = arith.constant 0 : i32
      %dma_start3A_34 = tpu.memref_slice %arg6[%arg0, %mul3A_33, %dma_start3A] : memref<2x10240x128xf32, #tpu.memory_space<hbm>> -> memref<1x640x128xf32, #tpu.memory_space<hbm>>
      %dma_start3A_35 = tpu.memref_squeeze %dma_start3A_34 : memref<1x640x128xf32, #tpu.memory_space<hbm>> -> memref<640x128xf32, #tpu.memory_space<hbm>>
      %dma_start3A_36 = arith.constant 0 : i32
      %dma_start3A_37 = tpu.memref_slice %arg11[%mul3A_31, %dma_start3A_36] : memref<10240x128xf32, #tpu.memory_space<vmem_shared>> -> memref<640x128xf32, #tpu.memory_space<vmem_shared>>
      tpu.enqueue_dma source(%dma_start3A_37 : memref<640x128xf32, #tpu.memory_space<vmem_shared>>) target(%dma_start3A_35 : memref<640x128xf32, #tpu.memory_space<hbm>>) target_semaphore(%run_scoped3A : memref<!tpu.dma_semaphore, #tpu.memory_space<semaphore_mem>>)
      %dma_wait3A = arith.constant 0 : i32
      %dma_wait3A_38 = tpu.memref_slice %arg6[%arg0, %mul3A_33, %dma_wait3A] : memref<2x10240x128xf32, #tpu.memory_space<hbm>> -> memref<1x640x128xf32, #tpu.memory_space<hbm>>
      %dma_wait3A_39 = tpu.memref_squeeze %dma_wait3A_38 : memref<1x640x128xf32, #tpu.memory_space<hbm>> -> memref<640x128xf32, #tpu.memory_space<hbm>>
      %dma_wait3A_40 = arith.constant 0 : i32
      %dma_wait3A_41 = tpu.memref_slice %arg11[%mul3A_31, %dma_wait3A_40] : memref<10240x128xf32, #tpu.memory_space<vmem_shared>> -> memref<640x128xf32, #tpu.memory_space<vmem_shared>>
      tpu.wait_dma2 semaphore(%run_scoped3A : memref<!tpu.dma_semaphore, #tpu.memory_space<semaphore_mem>>) src(%dma_wait3A_41 : memref<640x128xf32, #tpu.memory_space<vmem_shared>>) dst(%dma_wait3A_39 : memref<640x128xf32, #tpu.memory_space<hbm>>)
      tpu.yield
    }) : () -> ()
    return
  }
}

#map = affine_map<(d0, d1) -> (0, 0)>
#map1 = affine_map<(d0, d1) -> (0, 0, 0)>
module attributes {stable_mosaic.version = 14 : i64} {
  func.func @_deg_kernel(%arg0: i32, %arg1: i32, %arg2: memref<2560x128xi32, #tpu.memory_space<hbm>>, %arg3: memref<128x128xf32, #tpu.memory_space<hbm>>, %arg4: memref<640x128xf32, #tpu.memory_space<hbm>>, %arg5: memref<2x10240x128xf32, #tpu.memory_space<hbm>>, %arg6: memref<4x128xi32, #tpu.memory_space<vmem>>, %arg7: memref<128x128xf32, #tpu.memory_space<vmem>>, %arg8: memref<10240x128xf32, #tpu.memory_space<vmem_shared>>, %arg9: memref<!tpu.dma_semaphore, #tpu.memory_space<semaphore_mem>>) attributes {dimension_semantics = [#tpu.dimension_semantics<core_parallel>, #tpu.dimension_semantics<subcore_parallel>], iteration_bounds = array<i64: 2, 16>, scalar_prefetch = 0 : i64, scratch_operands = 4 : i64, tpu.core_type = #tpu.core_type<sc_vector_subcore>, window_params = [{transform_indices = #map}, {transform_indices = #map}, {transform_indices = #map}, {transform_indices = #map1}]} {
    %eq3A = arith.constant 0 : i32
    %eq3A_0 = arith.cmpi eq, %arg0, %eq3A : i32
    %mul3A = arith.constant 150 : i32
    %mul3A_1 = arith.muli %arg1, %mul3A : i32
    %mul3A_2 = arith.constant 10 : i32
    %mul3A_3 = arith.muli %arg1, %mul3A_2 : i32
    %add3A = arith.constant 2400 : i32
    %add3A_4 = arith.addi %add3A, %mul3A_3 : i32
    %select_n3A = arith.select %eq3A_0, %mul3A_1, %add3A_4 : i32
    %eq3A_5 = arith.constant 0 : i32
    %eq3A_6 = arith.cmpi eq, %arg0, %eq3A_5 : i32
    %jit3A = arith.constant 150 : i32
    %jit3A_7 = arith.constant 10 : i32
    %select_n3A_8 = arith.select %eq3A_6, %jit3A, %jit3A_7 : i32
    %mul3A_9 = arith.constant 640 : i32
    %mul3A_10 = arith.muli %arg1, %mul3A_9 : i32
    "tpu.region"() ({
      %run_scoped3A = tpu.sem_alloc : memref<!tpu.dma_semaphore, #tpu.memory_space<semaphore_mem>>
      %dma_start3A = arith.constant 0 : i32
      %dma_start3A_32 = tpu.memref_slice %arg8[%mul3A_10, %dma_start3A] : memref<10240x128xf32, #tpu.memory_space<vmem_shared>> -> memref<640x128xf32, #tpu.memory_space<vmem_shared>>
      tpu.enqueue_dma source(%arg4 : memref<640x128xf32, #tpu.memory_space<hbm>>) target(%dma_start3A_32 : memref<640x128xf32, #tpu.memory_space<vmem_shared>>) target_semaphore(%run_scoped3A : memref<!tpu.dma_semaphore, #tpu.memory_space<semaphore_mem>>)
      %dma_wait3A = arith.constant 0 : i32
      %dma_wait3A_33 = tpu.memref_slice %arg8[%mul3A_10, %dma_wait3A] : memref<10240x128xf32, #tpu.memory_space<vmem_shared>> -> memref<640x128xf32, #tpu.memory_space<vmem_shared>>
      tpu.wait_dma2 semaphore(%run_scoped3A : memref<!tpu.dma_semaphore, #tpu.memory_space<semaphore_mem>>) src(%arg4 : memref<640x128xf32, #tpu.memory_space<hbm>>) dst(%dma_wait3A_33 : memref<640x128xf32, #tpu.memory_space<vmem_shared>>)
      tpu.yield
    }) : () -> ()
    "tpu.region"() ({
      %run_scoped3A = tpu.sem_alloc : memref<!tpu.dma_semaphore, #tpu.memory_space<semaphore_mem>>
      tpu.enqueue_dma source(%arg3 : memref<128x128xf32, #tpu.memory_space<hbm>>) target(%arg7 : memref<128x128xf32, #tpu.memory_space<vmem>>) target_semaphore(%run_scoped3A : memref<!tpu.dma_semaphore, #tpu.memory_space<semaphore_mem>>)
      tpu.wait_dma2 semaphore(%run_scoped3A : memref<!tpu.dma_semaphore, #tpu.memory_space<semaphore_mem>>) src(%arg3 : memref<128x128xf32, #tpu.memory_space<hbm>>) dst(%arg7 : memref<128x128xf32, #tpu.memory_space<vmem>>)
      tpu.yield
    }) : () -> ()
    "tpu.region"() ({
      %run_scoped3A = tpu.sem_alloc : memref<!tpu.dma_semaphore, #tpu.memory_space<semaphore_mem>>
      %dma_start3A = arith.constant 0 : i32
      %dma_start3A_32 = arith.constant 0 : i32
      %dma_start3A_33 = tpu.memref_slice %arg6[%dma_start3A, %dma_start3A_32] : memref<4x128xi32, #tpu.memory_space<vmem>> -> memref<1x128xi32, #tpu.memory_space<vmem>>
      %dma_start3A_34 = arith.constant 0 : i32
      %dma_start3A_35 = tpu.memref_slice %arg2[%select_n3A, %dma_start3A_34] : memref<2560x128xi32, #tpu.memory_space<hbm>> -> memref<1x128xi32, #tpu.memory_space<hbm>>
      %dma_start3A_36 = arith.constant 0 : i32
      %dma_start3A_37 = arith.constant 0 : i32
      %dma_start3A_38 = tpu.memref_slice %arg6[%dma_start3A_36, %dma_start3A_37] : memref<4x128xi32, #tpu.memory_space<vmem>> -> memref<1x128xi32, #tpu.memory_space<vmem>>
      %dma_start3A_39 = arith.constant 0 : i32
      %dma_start3A_40 = tpu.memref_slice %arg2[%select_n3A, %dma_start3A_39] : memref<2560x128xi32, #tpu.memory_space<hbm>> -> memref<1x128xi32, #tpu.memory_space<hbm>>
      tpu.enqueue_dma source(%dma_start3A_40 : memref<1x128xi32, #tpu.memory_space<hbm>>) target(%dma_start3A_38 : memref<1x128xi32, #tpu.memory_space<vmem>>) target_semaphore(%run_scoped3A : memref<!tpu.dma_semaphore, #tpu.memory_space<semaphore_mem>>)
      %dma_wait3A = arith.constant 0 : i32
      %dma_wait3A_41 = arith.constant 0 : i32
      %dma_wait3A_42 = tpu.memref_slice %arg6[%dma_wait3A, %dma_wait3A_41] : memref<4x128xi32, #tpu.memory_space<vmem>> -> memref<1x128xi32, #tpu.memory_space<vmem>>
      %dma_wait3A_43 = arith.constant 0 : i32
      %dma_wait3A_44 = tpu.memref_slice %arg2[%select_n3A, %dma_wait3A_43] : memref<2560x128xi32, #tpu.memory_space<hbm>> -> memref<1x128xi32, #tpu.memory_space<hbm>>
      %dma_wait3A_45 = arith.constant 0 : i32
      %dma_wait3A_46 = arith.constant 0 : i32
      %dma_wait3A_47 = tpu.memref_slice %arg6[%dma_wait3A_45, %dma_wait3A_46] : memref<4x128xi32, #tpu.memory_space<vmem>> -> memref<1x128xi32, #tpu.memory_space<vmem>>
      %dma_wait3A_48 = arith.constant 0 : i32
      %dma_wait3A_49 = tpu.memref_slice %arg2[%select_n3A, %dma_wait3A_48] : memref<2560x128xi32, #tpu.memory_space<hbm>> -> memref<1x128xi32, #tpu.memory_space<hbm>>
      tpu.wait_dma2 semaphore(%run_scoped3A : memref<!tpu.dma_semaphore, #tpu.memory_space<semaphore_mem>>) src(%dma_wait3A_49 : memref<1x128xi32, #tpu.memory_space<hbm>>) dst(%dma_wait3A_47 : memref<1x128xi32, #tpu.memory_space<vmem>>)
      tpu.yield
    }) : () -> ()
    %barrier3A = arith.constant 0 : index
    tpu.barrier barrier_id(%barrier3A)
    %sub3A = arith.constant 0 : i32
    %sub3A_11 = arith.subi %select_n3A_8, %sub3A : i32
    %sub3A_12 = arith.constant 1 : i32
    %sub3A_13 = arith.constant 1 : i32
    %sub3A_14 = arith.subi %sub3A_12, %sub3A_13 : i32
    %add3A_15 = arith.addi %sub3A_11, %sub3A_14 : i32
    %div3A = arith.constant 1 : i32
    %div3A_16 = arith.divsi %add3A_15, %div3A : i32
    %while3A = arith.constant 1 : i32
    %while3A_17 = arith.constant 0 : i32
    %while3A_18 = arith.constant 0 : i32
    %while3A_19 = arith.subi %div3A_16, %while3A_18 : i32
    %while3A_20 = arith.addi %while3A_18, %while3A_19 : i32
    %while3A_21 = arith.constant 1 : i32
    %while3A_22 = arith.divsi %while3A_19, %while3A_21 : i32
    %while3A_23 = arith.muli %while3A_22, %while3A_21 : i32
    %while3A_24 = arith.addi %while3A_18, %while3A_23 : i32
    %while3A_25 = arith.constant 1 : i32
    scf.for %while3A_32 = %while3A_18 to %while3A_24 step %while3A_25  : i32 {
      %mul3A_33 = arith.muli %while3A_32, %while3A : i32
      %add3A_34 = arith.addi %while3A_17, %mul3A_33 : i32
      %jit3A_35 = arith.constant 2 : i32
      %eq3A_36 = arith.constant 0 : i32
      %eq3A_37 = arith.cmpi eq, %jit3A_35, %eq3A_36 : i32
      %jit3A_38 = arith.constant 1 : i32
      %select_n3A_39 = arith.select %eq3A_37, %jit3A_38, %jit3A_35 : i32
      %rem3A = arith.remsi %add3A_34, %select_n3A_39 : i32
      %ne3A = arith.constant 0 : i32
      %ne3A_40 = arith.cmpi ne, %rem3A, %ne3A : i32
      %lt3A = arith.constant 0 : i32
      %lt3A_41 = arith.cmpi slt, %rem3A, %lt3A : i32
      %lt3A_42 = arith.constant 0 : i32
      %lt3A_43 = arith.cmpi slt, %select_n3A_39, %lt3A_42 : i32
      %ne3A_44 = arith.xori %lt3A_41, %lt3A_43 : i1
      %and3A = arith.andi %ne3A_44, %ne3A_40 : i1
      %add3A_45 = arith.addi %rem3A, %select_n3A_39 : i32
      %select_n3A_46 = arith.select %and3A, %add3A_45, %rem3A : i32
      %sub3A_47 = arith.constant 1 : i32
      %sub3A_48 = arith.subi %sub3A_47, %select_n3A_46 : i32
      %add3A_49 = arith.constant 1 : i32
      %add3A_50 = arith.addi %add3A_34, %add3A_49 : i32
      %lt3A_51 = arith.cmpi slt, %add3A_50, %select_n3A_8 : i32
      %convert_element_type3A = arith.extui %lt3A_51 : i1 to i32
      %cond3A = arith.constant 0 : i32
      %cond3A_52 = arith.cmpi ne, %convert_element_type3A, %cond3A : i32
      scf.if %cond3A_52 {
        %add3A_56 = arith.addi %select_n3A, %add3A_34 : i32
        %add3A_57 = arith.constant 1 : i32
        %add3A_58 = arith.addi %add3A_56, %add3A_57 : i32
        %dma_start3A = arith.constant 0 : i32
        %dma_start3A_59 = tpu.memref_slice %arg6[%sub3A_48, %dma_start3A] : memref<4x128xi32, #tpu.memory_space<vmem>> -> memref<1x128xi32, #tpu.memory_space<vmem>>
        %dma_start3A_60 = arith.constant 0 : i32
        %dma_start3A_61 = tpu.memref_slice %arg2[%add3A_58, %dma_start3A_60] : memref<2560x128xi32, #tpu.memory_space<hbm>> -> memref<1x128xi32, #tpu.memory_space<hbm>>
        %dma_start3A_62 = arith.constant 0 : i32
        %dma_start3A_63 = tpu.memref_slice %arg6[%sub3A_48, %dma_start3A_62] : memref<4x128xi32, #tpu.memory_space<vmem>> -> memref<1x128xi32, #tpu.memory_space<vmem>>
        %dma_start3A_64 = arith.constant 0 : i32
        %dma_start3A_65 = tpu.memref_slice %arg2[%add3A_58, %dma_start3A_64] : memref<2560x128xi32, #tpu.memory_space<hbm>> -> memref<1x128xi32, #tpu.memory_space<hbm>>
        tpu.enqueue_dma source(%dma_start3A_65 : memref<1x128xi32, #tpu.memory_space<hbm>>) target(%dma_start3A_63 : memref<1x128xi32, #tpu.memory_space<vmem>>) target_semaphore(%arg9 : memref<!tpu.dma_semaphore, #tpu.memory_space<semaphore_mem>>)
      } else {
      }
      "tpu.region"() ({
        %run_scoped3A = tpu.sem_alloc : memref<!tpu.dma_semaphore, #tpu.memory_space<semaphore_mem>>
        %dma_start3A = arith.constant 0 : i32
        %dma_start3A_56 = tpu.memref_slice %arg6[%select_n3A_46, %dma_start3A] : memref<4x128xi32, #tpu.memory_space<vmem>> -> memref<1x128xi32, #tpu.memory_space<vmem>>
        %dma_start3A_57 = tpu.memref_squeeze %dma_start3A_56 : memref<1x128xi32, #tpu.memory_space<vmem>> -> memref<128xi32, #tpu.memory_space<vmem>>
        %dma_start3A_58 = arith.constant 0 : i32
        %dma_start3A_59 = arith.constant 0 : i32
        %dma_start3A_60 = tpu.memref_slice %arg8[%dma_start3A_58, %dma_start3A_59] : memref<10240x128xf32, #tpu.memory_space<vmem_shared>> -> memref<10240x128xf32, #tpu.memory_space<vmem_shared>>
        tpu.enqueue_indirect_dma source(%arg7 : memref<128x128xf32, #tpu.memory_space<vmem>>) target(%dma_start3A_60 : memref<10240x128xf32, #tpu.memory_space<vmem_shared>>) offsets(%dma_start3A_57 : memref<128xi32, #tpu.memory_space<vmem>>) semaphore(%run_scoped3A : memref<!tpu.dma_semaphore, #tpu.memory_space<semaphore_mem>>) {add = true}
        %dma_wait3A = arith.constant 0 : i32
        %dma_wait3A_61 = tpu.memref_slice %arg6[%select_n3A_46, %dma_wait3A] : memref<4x128xi32, #tpu.memory_space<vmem>> -> memref<1x128xi32, #tpu.memory_space<vmem>>
        %dma_wait3A_62 = tpu.memref_squeeze %dma_wait3A_61 : memref<1x128xi32, #tpu.memory_space<vmem>> -> memref<128xi32, #tpu.memory_space<vmem>>
        %dma_wait3A_63 = arith.constant 0 : i32
        %dma_wait3A_64 = arith.constant 0 : i32
        %dma_wait3A_65 = tpu.memref_slice %arg8[%dma_wait3A_63, %dma_wait3A_64] : memref<10240x128xf32, #tpu.memory_space<vmem_shared>> -> memref<10240x128xf32, #tpu.memory_space<vmem_shared>>
        tpu.wait_indirect_dma semaphore(%run_scoped3A : memref<!tpu.dma_semaphore, #tpu.memory_space<semaphore_mem>>) src(%arg7 : memref<128x128xf32, #tpu.memory_space<vmem>>) dst(%dma_wait3A_65 : memref<10240x128xf32, #tpu.memory_space<vmem_shared>>)
        tpu.yield
      }) : () -> ()
      %convert_element_type3A_53 = arith.extui %lt3A_51 : i1 to i32
      %cond3A_54 = arith.constant 0 : i32
      %cond3A_55 = arith.cmpi ne, %convert_element_type3A_53, %cond3A_54 : i32
      scf.if %cond3A_55 {
        %add3A_56 = arith.addi %select_n3A, %add3A_34 : i32
        %add3A_57 = arith.constant 1 : i32
        %add3A_58 = arith.addi %add3A_56, %add3A_57 : i32
        %dma_wait3A = arith.constant 0 : i32
        %dma_wait3A_59 = tpu.memref_slice %arg6[%sub3A_48, %dma_wait3A] : memref<4x128xi32, #tpu.memory_space<vmem>> -> memref<1x128xi32, #tpu.memory_space<vmem>>
        %dma_wait3A_60 = arith.constant 0 : i32
        %dma_wait3A_61 = tpu.memref_slice %arg2[%add3A_58, %dma_wait3A_60] : memref<2560x128xi32, #tpu.memory_space<hbm>> -> memref<1x128xi32, #tpu.memory_space<hbm>>
        %dma_wait3A_62 = arith.constant 0 : i32
        %dma_wait3A_63 = tpu.memref_slice %arg6[%sub3A_48, %dma_wait3A_62] : memref<4x128xi32, #tpu.memory_space<vmem>> -> memref<1x128xi32, #tpu.memory_space<vmem>>
        %dma_wait3A_64 = arith.constant 0 : i32
        %dma_wait3A_65 = tpu.memref_slice %arg2[%add3A_58, %dma_wait3A_64] : memref<2560x128xi32, #tpu.memory_space<hbm>> -> memref<1x128xi32, #tpu.memory_space<hbm>>
        tpu.wait_dma2 semaphore(%arg9 : memref<!tpu.dma_semaphore, #tpu.memory_space<semaphore_mem>>) src(%dma_wait3A_65 : memref<1x128xi32, #tpu.memory_space<hbm>>) dst(%dma_wait3A_63 : memref<1x128xi32, #tpu.memory_space<vmem>>)
      } else {
      }
    }
    %while3A_26 = arith.constant 1 : i32
    scf.for %while3A_32 = %while3A_24 to %while3A_20 step %while3A_26  : i32 {
      %mul3A_33 = arith.muli %while3A_32, %while3A : i32
      %add3A_34 = arith.addi %while3A_17, %mul3A_33 : i32
      %jit3A_35 = arith.constant 2 : i32
      %eq3A_36 = arith.constant 0 : i32
      %eq3A_37 = arith.cmpi eq, %jit3A_35, %eq3A_36 : i32
      %jit3A_38 = arith.constant 1 : i32
      %select_n3A_39 = arith.select %eq3A_37, %jit3A_38, %jit3A_35 : i32
      %rem3A = arith.remsi %add3A_34, %select_n3A_39 : i32
      %ne3A = arith.constant 0 : i32
      %ne3A_40 = arith.cmpi ne, %rem3A, %ne3A : i32
      %lt3A = arith.constant 0 : i32
      %lt3A_41 = arith.cmpi slt, %rem3A, %lt3A : i32
      %lt3A_42 = arith.constant 0 : i32
      %lt3A_43 = arith.cmpi slt, %select_n3A_39, %lt3A_42 : i32
      %ne3A_44 = arith.xori %lt3A_41, %lt3A_43 : i1
      %and3A = arith.andi %ne3A_44, %ne3A_40 : i1
      %add3A_45 = arith.addi %rem3A, %select_n3A_39 : i32
      %select_n3A_46 = arith.select %and3A, %add3A_45, %rem3A : i32
      %sub3A_47 = arith.constant 1 : i32
      %sub3A_48 = arith.subi %sub3A_47, %select_n3A_46 : i32
      %add3A_49 = arith.constant 1 : i32
      %add3A_50 = arith.addi %add3A_34, %add3A_49 : i32
      %lt3A_51 = arith.cmpi slt, %add3A_50, %select_n3A_8 : i32
      %convert_element_type3A = arith.extui %lt3A_51 : i1 to i32
      %cond3A = arith.constant 0 : i32
      %cond3A_52 = arith.cmpi ne, %convert_element_type3A, %cond3A : i32
      scf.if %cond3A_52 {
        %add3A_56 = arith.addi %select_n3A, %add3A_34 : i32
        %add3A_57 = arith.constant 1 : i32
        %add3A_58 = arith.addi %add3A_56, %add3A_57 : i32
        %dma_start3A = arith.constant 0 : i32
        %dma_start3A_59 = tpu.memref_slice %arg6[%sub3A_48, %dma_start3A] : memref<4x128xi32, #tpu.memory_space<vmem>> -> memref<1x128xi32, #tpu.memory_space<vmem>>
        %dma_start3A_60 = arith.constant 0 : i32
        %dma_start3A_61 = tpu.memref_slice %arg2[%add3A_58, %dma_start3A_60] : memref<2560x128xi32, #tpu.memory_space<hbm>> -> memref<1x128xi32, #tpu.memory_space<hbm>>
        %dma_start3A_62 = arith.constant 0 : i32
        %dma_start3A_63 = tpu.memref_slice %arg6[%sub3A_48, %dma_start3A_62] : memref<4x128xi32, #tpu.memory_space<vmem>> -> memref<1x128xi32, #tpu.memory_space<vmem>>
        %dma_start3A_64 = arith.constant 0 : i32
        %dma_start3A_65 = tpu.memref_slice %arg2[%add3A_58, %dma_start3A_64] : memref<2560x128xi32, #tpu.memory_space<hbm>> -> memref<1x128xi32, #tpu.memory_space<hbm>>
        tpu.enqueue_dma source(%dma_start3A_65 : memref<1x128xi32, #tpu.memory_space<hbm>>) target(%dma_start3A_63 : memref<1x128xi32, #tpu.memory_space<vmem>>) target_semaphore(%arg9 : memref<!tpu.dma_semaphore, #tpu.memory_space<semaphore_mem>>)
      } else {
      }
      "tpu.region"() ({
        %run_scoped3A = tpu.sem_alloc : memref<!tpu.dma_semaphore, #tpu.memory_space<semaphore_mem>>
        %dma_start3A = arith.constant 0 : i32
        %dma_start3A_56 = tpu.memref_slice %arg6[%select_n3A_46, %dma_start3A] : memref<4x128xi32, #tpu.memory_space<vmem>> -> memref<1x128xi32, #tpu.memory_space<vmem>>
        %dma_start3A_57 = tpu.memref_squeeze %dma_start3A_56 : memref<1x128xi32, #tpu.memory_space<vmem>> -> memref<128xi32, #tpu.memory_space<vmem>>
        %dma_start3A_58 = arith.constant 0 : i32
        %dma_start3A_59 = arith.constant 0 : i32
        %dma_start3A_60 = tpu.memref_slice %arg8[%dma_start3A_58, %dma_start3A_59] : memref<10240x128xf32, #tpu.memory_space<vmem_shared>> -> memref<10240x128xf32, #tpu.memory_space<vmem_shared>>
        tpu.enqueue_indirect_dma source(%arg7 : memref<128x128xf32, #tpu.memory_space<vmem>>) target(%dma_start3A_60 : memref<10240x128xf32, #tpu.memory_space<vmem_shared>>) offsets(%dma_start3A_57 : memref<128xi32, #tpu.memory_space<vmem>>) semaphore(%run_scoped3A : memref<!tpu.dma_semaphore, #tpu.memory_space<semaphore_mem>>) {add = true}
        %dma_wait3A = arith.constant 0 : i32
        %dma_wait3A_61 = tpu.memref_slice %arg6[%select_n3A_46, %dma_wait3A] : memref<4x128xi32, #tpu.memory_space<vmem>> -> memref<1x128xi32, #tpu.memory_space<vmem>>
        %dma_wait3A_62 = tpu.memref_squeeze %dma_wait3A_61 : memref<1x128xi32, #tpu.memory_space<vmem>> -> memref<128xi32, #tpu.memory_space<vmem>>
        %dma_wait3A_63 = arith.constant 0 : i32
        %dma_wait3A_64 = arith.constant 0 : i32
        %dma_wait3A_65 = tpu.memref_slice %arg8[%dma_wait3A_63, %dma_wait3A_64] : memref<10240x128xf32, #tpu.memory_space<vmem_shared>> -> memref<10240x128xf32, #tpu.memory_space<vmem_shared>>
        tpu.wait_indirect_dma semaphore(%run_scoped3A : memref<!tpu.dma_semaphore, #tpu.memory_space<semaphore_mem>>) src(%arg7 : memref<128x128xf32, #tpu.memory_space<vmem>>) dst(%dma_wait3A_65 : memref<10240x128xf32, #tpu.memory_space<vmem_shared>>)
        tpu.yield
      }) : () -> ()
      %convert_element_type3A_53 = arith.extui %lt3A_51 : i1 to i32
      %cond3A_54 = arith.constant 0 : i32
      %cond3A_55 = arith.cmpi ne, %convert_element_type3A_53, %cond3A_54 : i32
      scf.if %cond3A_55 {
        %add3A_56 = arith.addi %select_n3A, %add3A_34 : i32
        %add3A_57 = arith.constant 1 : i32
        %add3A_58 = arith.addi %add3A_56, %add3A_57 : i32
        %dma_wait3A = arith.constant 0 : i32
        %dma_wait3A_59 = tpu.memref_slice %arg6[%sub3A_48, %dma_wait3A] : memref<4x128xi32, #tpu.memory_space<vmem>> -> memref<1x128xi32, #tpu.memory_space<vmem>>
        %dma_wait3A_60 = arith.constant 0 : i32
        %dma_wait3A_61 = tpu.memref_slice %arg2[%add3A_58, %dma_wait3A_60] : memref<2560x128xi32, #tpu.memory_space<hbm>> -> memref<1x128xi32, #tpu.memory_space<hbm>>
        %dma_wait3A_62 = arith.constant 0 : i32
        %dma_wait3A_63 = tpu.memref_slice %arg6[%sub3A_48, %dma_wait3A_62] : memref<4x128xi32, #tpu.memory_space<vmem>> -> memref<1x128xi32, #tpu.memory_space<vmem>>
        %dma_wait3A_64 = arith.constant 0 : i32
        %dma_wait3A_65 = tpu.memref_slice %arg2[%add3A_58, %dma_wait3A_64] : memref<2560x128xi32, #tpu.memory_space<hbm>> -> memref<1x128xi32, #tpu.memory_space<hbm>>
        tpu.wait_dma2 semaphore(%arg9 : memref<!tpu.dma_semaphore, #tpu.memory_space<semaphore_mem>>) src(%dma_wait3A_65 : memref<1x128xi32, #tpu.memory_space<hbm>>) dst(%dma_wait3A_63 : memref<1x128xi32, #tpu.memory_space<vmem>>)
      } else {
      }
    }
    %barrier3A_27 = arith.constant 0 : index
    tpu.barrier barrier_id(%barrier3A_27)
    %mul3A_28 = arith.constant 640 : i32
    %mul3A_29 = arith.muli %arg1, %mul3A_28 : i32
    %mul3A_30 = arith.constant 640 : i32
    %mul3A_31 = arith.muli %arg1, %mul3A_30 : i32
    "tpu.region"() ({
      %run_scoped3A = tpu.sem_alloc : memref<!tpu.dma_semaphore, #tpu.memory_space<semaphore_mem>>
      %dma_start3A = arith.constant 0 : i32
      %dma_start3A_32 = tpu.memref_slice %arg5[%arg0, %mul3A_31, %dma_start3A] : memref<2x10240x128xf32, #tpu.memory_space<hbm>> -> memref<1x640x128xf32, #tpu.memory_space<hbm>>
      %dma_start3A_33 = tpu.memref_squeeze %dma_start3A_32 : memref<1x640x128xf32, #tpu.memory_space<hbm>> -> memref<640x128xf32, #tpu.memory_space<hbm>>
      %dma_start3A_34 = arith.constant 0 : i32
      %dma_start3A_35 = tpu.memref_slice %arg8[%mul3A_29, %dma_start3A_34] : memref<10240x128xf32, #tpu.memory_space<vmem_shared>> -> memref<640x128xf32, #tpu.memory_space<vmem_shared>>
      tpu.enqueue_dma source(%dma_start3A_35 : memref<640x128xf32, #tpu.memory_space<vmem_shared>>) target(%dma_start3A_33 : memref<640x128xf32, #tpu.memory_space<hbm>>) target_semaphore(%run_scoped3A : memref<!tpu.dma_semaphore, #tpu.memory_space<semaphore_mem>>)
      %dma_wait3A = arith.constant 0 : i32
      %dma_wait3A_36 = tpu.memref_slice %arg5[%arg0, %mul3A_31, %dma_wait3A] : memref<2x10240x128xf32, #tpu.memory_space<hbm>> -> memref<1x640x128xf32, #tpu.memory_space<hbm>>
      %dma_wait3A_37 = tpu.memref_squeeze %dma_wait3A_36 : memref<1x640x128xf32, #tpu.memory_space<hbm>> -> memref<640x128xf32, #tpu.memory_space<hbm>>
      %dma_wait3A_38 = arith.constant 0 : i32
      %dma_wait3A_39 = tpu.memref_slice %arg8[%mul3A_29, %dma_wait3A_38] : memref<10240x128xf32, #tpu.memory_space<vmem_shared>> -> memref<640x128xf32, #tpu.memory_space<vmem_shared>>
      tpu.wait_dma2 semaphore(%run_scoped3A : memref<!tpu.dma_semaphore, #tpu.memory_space<semaphore_mem>>) src(%dma_wait3A_39 : memref<640x128xf32, #tpu.memory_space<vmem_shared>>) dst(%dma_wait3A_37 : memref<640x128xf32, #tpu.memory_space<hbm>>)
      tpu.yield
    }) : () -> ()
    return
  }
}

module attributes {stable_mosaic.version = 14 : i64} {
  func.func @_tc1_body(%arg0: memref<10240x128xf32, #tpu.memory_space<vmem>>, %arg1: memref<128x128xf32, #tpu.memory_space<vmem>>, %arg2: memref<2x10240x128xf32, #tpu.memory_space<vmem>>, %arg3: memref<10240x128xf32, #tpu.memory_space<vmem>>, %arg4: memref<10240x1xf32, #tpu.memory_space<vmem>>) attributes {dimension_semantics = [], scalar_prefetch = 0 : i64, scratch_operands = 0 : i64, tpu.core_type = #tpu.core_type<tc>} {
    %get3A = arith.constant 0 : index
    %get3A_0 = arith.constant 0 : index
    %get3A_1 = arith.constant 0 : index
    %get3A_2 = vector.load %arg2[%get3A, %get3A_0, %get3A_1] : memref<2x10240x128xf32, #tpu.memory_space<vmem>>, vector<1x10240x1xf32>
    %get3A_3 = vector.shape_cast %get3A_2 : vector<1x10240x1xf32> to vector<10240x1xf32>
    %get3A_4 = arith.constant 1 : index
    %get3A_5 = arith.constant 0 : index
    %get3A_6 = arith.constant 0 : index
    %get3A_7 = vector.load %arg2[%get3A_4, %get3A_5, %get3A_6] : memref<2x10240x128xf32, #tpu.memory_space<vmem>>, vector<1x10240x1xf32>
    %get3A_8 = vector.shape_cast %get3A_7 : vector<1x10240x1xf32> to vector<10240x1xf32>
    %add3A = arith.addf %get3A_3, %get3A_8 : vector<10240x1xf32>
    %add3A_9 = arith.constant 1.000000e+00 : f32
    %add3A_10 = vector.broadcast %add3A_9 : f32 to vector<10240x1xf32>
    %add3A_11 = arith.addf %add3A, %add3A_10 : vector<10240x1xf32>
    %iota3A = tpu.iota {dimensions = array<i32: 0>} : vector<10240x1xi32>
    %lt3A = arith.constant 10000 : i32
    %lt3A_12 = vector.broadcast %lt3A : i32 to vector<10240x1xi32>
    %lt3A_13 = arith.cmpi slt, %iota3A, %lt3A_12 : vector<10240x1xi32>
    %rsqrt3A = math.rsqrt %add3A_11 : vector<10240x1xf32>
    %jit3A = arith.constant 0.000000e+00 : f32
    %broadcast_in_dim3A = vector.broadcast %jit3A : f32 to vector<10240x1xf32>
    %select_n3A = arith.select %lt3A_13, %rsqrt3A, %broadcast_in_dim3A : vector<10240x1xi1>, vector<10240x1xf32>
    %get3A_14 = arith.constant 0 : index
    %get3A_15 = arith.constant 0 : index
    %get3A_16 = vector.load %arg0[%get3A_14, %get3A_15] : memref<10240x128xf32, #tpu.memory_space<vmem>>, vector<10240x128xf32>
    %get3A_17 = arith.constant 0 : index
    %get3A_18 = arith.constant 0 : index
    %get3A_19 = vector.load %arg1[%get3A_17, %get3A_18] : memref<128x128xf32, #tpu.memory_space<vmem>>, vector<128x128xf32>
    %dot_general3A = arith.constant dense<0.000000e+00> : vector<10240x128xf32>
    %dot_general3A_20 = tpu.matmul %get3A_16, %get3A_19, %dot_general3A {dimension_numbers = #tpu.dot_dimension_numbers<[1], [0], [0], [1], [0, 0, 1, 1], [], []>, transpose_lhs_hint = false} : vector<10240x128xf32>, vector<128x128xf32>, vector<10240x128xf32> -> vector<10240x128xf32>
    %mul3A = vector.broadcast %select_n3A : vector<10240x1xf32> to vector<10240x128xf32>
    %mul3A_21 = arith.mulf %dot_general3A_20, %mul3A : vector<10240x128xf32>
    %swap3A = arith.constant 0 : index
    %swap3A_22 = arith.constant 0 : index
    %swap3A_23 = vector.load %arg3[%swap3A, %swap3A_22] : memref<10240x128xf32, #tpu.memory_space<vmem>>, vector<10240x128xf32>
    tpu.vector_store %arg3[%swap3A, %swap3A_22], %mul3A_21 {strides = array<i32>} : memref<10240x128xf32, #tpu.memory_space<vmem>>, vector<10240x128xf32>,
    %swap3A_24 = arith.constant 0 : index
    %swap3A_25 = arith.constant 0 : index
    %swap3A_26 = vector.load %arg4[%swap3A_24, %swap3A_25] : memref<10240x1xf32, #tpu.memory_space<vmem>>, vector<10240x1xf32>
    tpu.vector_store %arg4[%swap3A_24, %swap3A_25], %select_n3A {strides = array<i32>} : memref<10240x1xf32, #tpu.memory_space<vmem>>, vector<10240x1xf32>,
    return
  }
}

module attributes {stable_mosaic.version = 14 : i64} {
  func.func @_tc2_body(%arg0: memref<2x10240x128xf32, #tpu.memory_space<vmem>>, %arg1: memref<10240x128xf32, #tpu.memory_space<vmem>>, %arg2: memref<10240x1xf32, #tpu.memory_space<vmem>>, %arg3: memref<1x128xf32, #tpu.memory_space<vmem>>, %arg4: memref<128x128xf32, #tpu.memory_space<vmem>>, %arg5: memref<10240x128xf32, #tpu.memory_space<vmem>>) attributes {dimension_semantics = [], scalar_prefetch = 0 : i64, scratch_operands = 0 : i64, tpu.core_type = #tpu.core_type<tc>} {
    %get3A = arith.constant 0 : index
    %get3A_0 = arith.constant 0 : index
    %get3A_1 = vector.load %arg2[%get3A, %get3A_0] : memref<10240x1xf32, #tpu.memory_space<vmem>>, vector<10240x1xf32>
    %get3A_2 = arith.constant 0 : index
    %get3A_3 = arith.constant 0 : index
    %get3A_4 = arith.constant 0 : index
    %get3A_5 = vector.load %arg0[%get3A_2, %get3A_3, %get3A_4] : memref<2x10240x128xf32, #tpu.memory_space<vmem>>, vector<1x10240x128xf32>
    %get3A_6 = vector.shape_cast %get3A_5 : vector<1x10240x128xf32> to vector<10240x128xf32>
    %get3A_7 = arith.constant 1 : index
    %get3A_8 = arith.constant 0 : index
    %get3A_9 = arith.constant 0 : index
    %get3A_10 = vector.load %arg0[%get3A_7, %get3A_8, %get3A_9] : memref<2x10240x128xf32, #tpu.memory_space<vmem>>, vector<1x10240x128xf32>
    %get3A_11 = vector.shape_cast %get3A_10 : vector<1x10240x128xf32> to vector<10240x128xf32>
    %add3A = arith.addf %get3A_6, %get3A_11 : vector<10240x128xf32>
    %get3A_12 = arith.constant 0 : index
    %get3A_13 = arith.constant 0 : index
    %get3A_14 = vector.load %arg1[%get3A_12, %get3A_13] : memref<10240x128xf32, #tpu.memory_space<vmem>>, vector<10240x128xf32>
    %add3A_15 = arith.addf %add3A, %get3A_14 : vector<10240x128xf32>
    %mul3A = vector.broadcast %get3A_1 : vector<10240x1xf32> to vector<10240x128xf32>
    %mul3A_16 = arith.mulf %add3A_15, %mul3A : vector<10240x128xf32>
    %get3A_17 = arith.constant 0 : index
    %get3A_18 = arith.constant 0 : index
    %get3A_19 = vector.load %arg3[%get3A_17, %get3A_18] : memref<1x128xf32, #tpu.memory_space<vmem>>, vector<1x128xf32>
    %add3A_20 = vector.broadcast %get3A_19 : vector<1x128xf32> to vector<10240x128xf32>
    %add3A_21 = arith.addf %mul3A_16, %add3A_20 : vector<10240x128xf32>
    %max3A = arith.constant 0.000000e+00 : f32
    %max3A_22 = vector.broadcast %max3A : f32 to vector<10240x128xf32>
    %max3A_23 = arith.maximumf %add3A_21, %max3A_22 : vector<10240x128xf32>
    %get3A_24 = arith.constant 0 : index
    %get3A_25 = arith.constant 0 : index
    %get3A_26 = vector.load %arg4[%get3A_24, %get3A_25] : memref<128x128xf32, #tpu.memory_space<vmem>>, vector<128x128xf32>
    %dot_general3A = arith.constant dense<0.000000e+00> : vector<10240x128xf32>
    %dot_general3A_27 = tpu.matmul %max3A_23, %get3A_26, %dot_general3A {dimension_numbers = #tpu.dot_dimension_numbers<[1], [0], [0], [1], [0, 0, 1, 1], [], []>, transpose_lhs_hint = false} : vector<10240x128xf32>, vector<128x128xf32>, vector<10240x128xf32> -> vector<10240x128xf32>
    %mul3A_28 = vector.broadcast %get3A_1 : vector<10240x1xf32> to vector<10240x128xf32>
    %mul3A_29 = arith.mulf %dot_general3A_27, %mul3A_28 : vector<10240x128xf32>
    %swap3A = arith.constant 0 : index
    %swap3A_30 = arith.constant 0 : index
    %swap3A_31 = vector.load %arg5[%swap3A, %swap3A_30] : memref<10240x128xf32, #tpu.memory_space<vmem>>, vector<10240x128xf32>
    tpu.vector_store %arg5[%swap3A, %swap3A_30], %mul3A_29 {strides = array<i32>} : memref<10240x128xf32, #tpu.memory_space<vmem>>, vector<10240x128xf32>,
    return
  }
}

module attributes {stable_mosaic.version = 14 : i64} {
  func.func @_tc3_body(%arg0: memref<2x10240x128xf32, #tpu.memory_space<vmem>>, %arg1: memref<10240x128xf32, #tpu.memory_space<vmem>>, %arg2: memref<10240x1xf32, #tpu.memory_space<vmem>>, %arg3: memref<1x128xf32, #tpu.memory_space<vmem>>, %arg4: memref<1x10240xi32, #tpu.memory_space<vmem>>, %arg5: memref<128x128xf32, #tpu.memory_space<vmem>>, %arg6: memref<1x128xf32, #tpu.memory_space<vmem>>, %arg7: memref<128x5xf32, #tpu.memory_space<vmem>>, %arg8: memref<1x5xf32, #tpu.memory_space<vmem>>, %arg9: memref<64x5xf32, #tpu.memory_space<vmem>>) attributes {dimension_semantics = [], scalar_prefetch = 0 : i64, scratch_operands = 0 : i64, tpu.core_type = #tpu.core_type<tc>} {
    %get3A = arith.constant 0 : index
    %get3A_0 = arith.constant 0 : index
    %get3A_1 = vector.load %arg2[%get3A, %get3A_0] : memref<10240x1xf32, #tpu.memory_space<vmem>>, vector<10240x1xf32>
    %get3A_2 = arith.constant 0 : index
    %get3A_3 = arith.constant 0 : index
    %get3A_4 = arith.constant 0 : index
    %get3A_5 = vector.load %arg0[%get3A_2, %get3A_3, %get3A_4] : memref<2x10240x128xf32, #tpu.memory_space<vmem>>, vector<1x10240x128xf32>
    %get3A_6 = vector.shape_cast %get3A_5 : vector<1x10240x128xf32> to vector<10240x128xf32>
    %get3A_7 = arith.constant 1 : index
    %get3A_8 = arith.constant 0 : index
    %get3A_9 = arith.constant 0 : index
    %get3A_10 = vector.load %arg0[%get3A_7, %get3A_8, %get3A_9] : memref<2x10240x128xf32, #tpu.memory_space<vmem>>, vector<1x10240x128xf32>
    %get3A_11 = vector.shape_cast %get3A_10 : vector<1x10240x128xf32> to vector<10240x128xf32>
    %add3A = arith.addf %get3A_6, %get3A_11 : vector<10240x128xf32>
    %get3A_12 = arith.constant 0 : index
    %get3A_13 = arith.constant 0 : index
    %get3A_14 = vector.load %arg1[%get3A_12, %get3A_13] : memref<10240x128xf32, #tpu.memory_space<vmem>>, vector<10240x128xf32>
    %add3A_15 = arith.addf %add3A, %get3A_14 : vector<10240x128xf32>
    %mul3A = vector.broadcast %get3A_1 : vector<10240x1xf32> to vector<10240x128xf32>
    %mul3A_16 = arith.mulf %add3A_15, %mul3A : vector<10240x128xf32>
    %get3A_17 = arith.constant 0 : index
    %get3A_18 = arith.constant 0 : index
    %get3A_19 = vector.load %arg3[%get3A_17, %get3A_18] : memref<1x128xf32, #tpu.memory_space<vmem>>, vector<1x128xf32>
    %add3A_20 = vector.broadcast %get3A_19 : vector<1x128xf32> to vector<10240x128xf32>
    %add3A_21 = arith.addf %mul3A_16, %add3A_20 : vector<10240x128xf32>
    %max3A = arith.constant 0.000000e+00 : f32
    %max3A_22 = vector.broadcast %max3A : f32 to vector<10240x128xf32>
    %max3A_23 = arith.maximumf %add3A_21, %max3A_22 : vector<10240x128xf32>
    %iota3A = tpu.iota {dimensions = array<i32: 0>} : vector<64x10240xi32>
    %get3A_24 = arith.constant 0 : index
    %get3A_25 = arith.constant 0 : index
    %get3A_26 = vector.load %arg4[%get3A_24, %get3A_25] : memref<1x10240xi32, #tpu.memory_space<vmem>>, vector<1x10240xi32>
    %eq3A = vector.broadcast %get3A_26 : vector<1x10240xi32> to vector<64x10240xi32>
    %eq3A_27 = arith.cmpi eq, %eq3A, %iota3A : vector<64x10240xi32>
    %convert_element_type3A = arith.extui %eq3A_27 : vector<64x10240xi1> to vector<64x10240xi32>
    %convert_element_type3A_28 = arith.sitofp %convert_element_type3A : vector<64x10240xi32> to vector<64x10240xf32>
    %reduce_sum3A = arith.constant dense<0.000000e+00> : vector<64xf32>
    %reduce_sum3A_29 = vector.multi_reduction <add>, %convert_element_type3A_28, %reduce_sum3A [1] : vector<64x10240xf32> to vector<64xf32>
    %broadcast_in_dim3A = vector.shape_cast %reduce_sum3A_29 : vector<64xf32> to vector<64x1xf32>
    %dot_general3A = arith.constant dense<0.000000e+00> : vector<64x128xf32>
    %dot_general3A_30 = tpu.matmul %convert_element_type3A_28, %max3A_23, %dot_general3A {dimension_numbers = #tpu.dot_dimension_numbers<[1], [0], [0], [1], [0, 0, 1, 1], [], []>, transpose_lhs_hint = false} : vector<64x10240xf32>, vector<10240x128xf32>, vector<64x128xf32> -> vector<64x128xf32>
    %max3A_31 = arith.constant 1.000000e+00 : f32
    %max3A_32 = vector.broadcast %max3A_31 : f32 to vector<64x1xf32>
    %max3A_33 = arith.maximumf %broadcast_in_dim3A, %max3A_32 : vector<64x1xf32>
    %div3A = vector.broadcast %max3A_33 : vector<64x1xf32> to vector<64x128xf32>
    %div3A_34 = arith.divf %dot_general3A_30, %div3A : vector<64x128xf32>
    %get3A_35 = arith.constant 0 : index
    %get3A_36 = arith.constant 0 : index
    %get3A_37 = vector.load %arg5[%get3A_35, %get3A_36] : memref<128x128xf32, #tpu.memory_space<vmem>>, vector<128x128xf32>
    %dot_general3A_38 = arith.constant dense<0.000000e+00> : vector<64x128xf32>
    %dot_general3A_39 = tpu.matmul %div3A_34, %get3A_37, %dot_general3A_38 {dimension_numbers = #tpu.dot_dimension_numbers<[1], [0], [0], [1], [0, 0, 1, 1], [], []>, transpose_lhs_hint = false} : vector<64x128xf32>, vector<128x128xf32>, vector<64x128xf32> -> vector<64x128xf32>
    %get3A_40 = arith.constant 0 : index
    %get3A_41 = arith.constant 0 : index
    %get3A_42 = vector.load %arg6[%get3A_40, %get3A_41] : memref<1x128xf32, #tpu.memory_space<vmem>>, vector<1x128xf32>
    %add3A_43 = vector.broadcast %get3A_42 : vector<1x128xf32> to vector<64x128xf32>
    %add3A_44 = arith.addf %dot_general3A_39, %add3A_43 : vector<64x128xf32>
    %max3A_45 = arith.constant 0.000000e+00 : f32
    %max3A_46 = vector.broadcast %max3A_45 : f32 to vector<64x128xf32>
    %max3A_47 = arith.maximumf %add3A_44, %max3A_46 : vector<64x128xf32>
    %get3A_48 = arith.constant 0 : index
    %get3A_49 = arith.constant 0 : index
    %get3A_50 = vector.load %arg7[%get3A_48, %get3A_49] : memref<128x5xf32, #tpu.memory_space<vmem>>, vector<128x5xf32>
    %dot_general3A_51 = arith.constant dense<0.000000e+00> : vector<64x5xf32>
    %dot_general3A_52 = tpu.matmul %max3A_47, %get3A_50, %dot_general3A_51 {dimension_numbers = #tpu.dot_dimension_numbers<[1], [0], [0], [1], [0, 0, 1, 1], [], []>, transpose_lhs_hint = false} : vector<64x128xf32>, vector<128x5xf32>, vector<64x5xf32> -> vector<64x5xf32>
    %get3A_53 = arith.constant 0 : index
    %get3A_54 = arith.constant 0 : index
    %get3A_55 = vector.load %arg8[%get3A_53, %get3A_54] : memref<1x5xf32, #tpu.memory_space<vmem>>, vector<1x5xf32>
    %add3A_56 = vector.broadcast %get3A_55 : vector<1x5xf32> to vector<64x5xf32>
    %add3A_57 = arith.addf %dot_general3A_52, %add3A_56 : vector<64x5xf32>
    %swap3A = arith.constant 0 : index
    %swap3A_58 = arith.constant 0 : index
    %swap3A_59 = vector.load %arg9[%swap3A, %swap3A_58] : memref<64x5xf32, #tpu.memory_space<vmem>>, vector<64x5xf32>
    tpu.vector_store %arg9[%swap3A, %swap3A_58], %add3A_57 {strides = array<i32>} : memref<64x5xf32, #tpu.memory_space<vmem>>, vector<64x5xf32>,
    return
  }
}

</mosaic_0001>

<sc_bundles>
// kernel: kernel.10.cloned.1.call-start
scs
__scs_entry_jumppad:
0x0: {  	(pc) =	sbr.rel $0x88, $3  }
0x1: {  	(tag) =	ssettag $0x0;
	lr =	simm.s32 $0x1  }
0x2: {  	[smem:$0x3F94] =	sst lr;
	_ =	strace $0xD0000000  }
0x3: {  	_ = 	snop  }
0x4: {  	_ = 	snop  }
0x5: {  	_ = 	snop  }
0x6: {  	_ = 	snop  }
0x7: {  	_ = 	snop  }
__scs_overlays_trampoline_lowered:
0x8: {  	[smem:$0x3FA3] =	sst s0  }
0x9: {  	[smem:$0x3FA4] =	sst s1  }
0xa: {  	[smem:$0x3FA5] =	sst s2  }
0xb: {  	[smem:$0x3FA6] =	sst s3  }
0xc: {  	[smem:$0x3FA7] =	sst s4  }
0xd: {  	[smem:$0x3FA8] =	sst s5  }
0xe: {  	[smem:$0x3FA9] =	sst s6  }
0xf: {  	[smem:$0x3FAA] =	sst s7  }
0x10: {  	[smem:$0x3FAB] =	sst s8  }
0x11: {  	[smem:$0x3FAC] =	sst s9;
	s0 =	simm.s32 @!p0 $0x0  }
0x12: {  	s1 =	sld [smem:$0x3F92];
	s0 =	simm.s32 @p0 $0x1  }
0x13: {  	[smem:$0x3FAD] =	sst s0;
	s0 =	simm.s32 @!p1 $0x0  }
0x14: {  	s2 =	sld [smem:$0x3F91];
	s0 =	simm.s32 @p1 $0x1  }
0x15: {  	[smem:$0x3FAE] =	sst s0;
	s0 =	simm.s32 @!p2 $0x0  }
0x16: {  	s3 =	sld [smem:$0x3FDB];
	s0 =	simm.s32 @p2 $0x1  }
0x17: {  	s4 =	simm.s32 $0x1BF5;
	[smem:$0x3FB0] =	sst s0  }
0x18: {  	s0 =	sld [smem:$0x3F93];
	_ =	swait.ge [sflag:s4], $0x0  }
0x19: {  	s7 =	sld [smem:$0x3F94]  }
0x1a: {  	s8 =	sadd.s32 $0xFFFFE003, lr  }
0x1b: {  	s9 =	sadd.s32 $0xFFFFFEF7, lr;
	s5 =	simm.s32 $0xFFFFFFFF;
	p2 =	slt.u32 s8, $0xFFFFF086  }
0x1c: {  	p1 =	slt.u32 s9, $0xF7A;
	s5 =	simm.s32 @!p2 $0x0  }
0x1d: {  	s5 =	simm.s32 @p1 $0x1;
	p0 =	seq.s32 s7, s2  }
0x1e: {  	s7 =	smul.u32 @!p0 $0xF7A, s2;
	p2 =	seq.s32 @!p0 s5, $0x0  }
0x1f: {  	s9 =	smul.u32 $0xF7A, s1;
	s8 =	simm.s32 @!p0 $0x1BF5;
	p2 =	por !p2, p0  }
0x20: {  	[sflag:s8] =	ssyncset.s32 @!p0 $0xFFFFF086;
	s6 =	sadd.s32 @!p0 s3, s7;
	s7 =	simm.s32 @!p0 $0x108  }
0x21: {  	s3 =	sadd.s32 s3, s9;
	s6 =	sadd.s32 @!p0 $0x88, s6;
	s7 =	simm.s32 @p2 $0x1082  }
0x22: {  	[simem:s7], [sflag:s8] =	dma.local @!p0 [hbm:s6], $0xF7A  }
0x23: {  	s9 =	sor.u32 $0xD0000000, s2;
	s6 =	simm.s32 $0x108;
	_ =	swait.ge @!p0 [sflag:s8], $0x0  }
0x24: {  	s3 =	sadd.s32 $0x88, s3;
	s6 =	simm.s32 @!p1 $0x1082;
	[sflag:s4] =	ssyncset.s32 $0xFFFFF086  }
0x25: {  	[simem:s6], [sflag:s4] =	dma.local [hbm:s3], $0xF7A  }
0x26: {  	[smem:$0x3F94] =	sst s1;
	(tag) =	ssettag s2;
	_ =	strace s9  }
0x27: {  	s1 =	sld [smem:$0x3FA4]  }
0x28: {  	s2 =	sld [smem:$0x3FA5]  }
0x29: {  	s4 =	sld [smem:$0x3FA7]  }
0x2a: {  	p0 =	seq.s32 s5, $0x0;
	s5 =	sld [smem:$0x3FA8]  }
0x2b: {  	s6 =	sld [smem:$0x3FA9]  }
0x2c: {  	s7 =	sld [smem:$0x3FAA]  }
0x2d: {  	s3 =	simm.s32 $0x108;
	s8 =	sld [smem:$0x3FAB]  }
0x2e: {  	s3 =	simm.s32 @!p0 $0x1082;
	s9 =	sld [smem:$0x3FAC]  }
0x2f: {  	lr =	sadd.s32 s0, s3;
	s0 =	sld [smem:$0x3FA3]  }
0x30: {  	s3 =	sld [smem:$0x3FA6]  }
0x31: {  	[smem:$0x3FAF] =	sst s10  }
0x32: {  	s10 =	sld [smem:$0x3FAD];
	_ =	sdelay $0x3  }
0x33: {  	p0 =	seq.s32 s10, $0x1;
	s10 =	sld [smem:$0x3FAF];
	_ =	sdelay $0x3  }
0x34: {  	[smem:$0x3FAF] =	sst s10  }
0x35: {  	s10 =	sld [smem:$0x3FAE];
	_ =	sdelay $0x3  }
0x36: {  	p1 =	seq.s32 s10, $0x1;
	s10 =	sld [smem:$0x3FAF];
	_ =	sdelay $0x3  }
0x37: {  	[smem:$0x3FAF] =	sst s10  }
0x38: {  	s10 =	sld [smem:$0x3FB0]  }
0x39: {  	_ = 	snop;
	(pc) =	sbr.ind lr, $3  }
0x3a: {  	_ = 	snop  }
0x3b: {  	_ = 	snop  }
0x3c: {  	p2 =	seq.s32 s10, $0x1;
	s10 =	sld [smem:$0x3FAF]  }
0x3d: {  	_ =	shalt  }
0x3e: {  	_ =	shalt  }
0x3f: {  	_ =	shalt  }
0x40: {  	_ =	shalt  }
0x41: {  	_ =	shalt  }
0x42: {  	_ =	shalt  }
0x43: {  	_ =	shalt  }
0x44: {  	_ =	shalt  }
0x45: {  	_ =	shalt  }
0x46: {  	_ =	shalt  }
0x47: {  	_ =	shalt  }
0x48: {  	_ =	shalt  }
0x49: {  	_ =	shalt  }
0x4a: {  	_ =	shalt  }
0x4b: {  	_ =	shalt  }
0x4c: {  	_ =	shalt  }
0x4d: {  	_ =	shalt  }
0x4e: {  	_ =	shalt  }
0x4f: {  	_ =	shalt  }
0x50: {  	_ =	shalt  }
0x51: {  	_ =	shalt  }
0x52: {  	_ =	shalt  }
0x53: {  	_ =	shalt  }
0x54: {  	_ =	shalt  }
0x55: {  	_ =	shalt  }
0x56: {  	_ =	shalt  }
0x57: {  	_ =	shalt  }
0x58: {  	_ =	shalt  }
0x59: {  	_ =	shalt  }
0x5a: {  	_ =	shalt  }
0x5b: {  	_ =	shalt  }
0x5c: {  	_ =	shalt  }
0x5d: {  	_ =	shalt  }
0x5e: {  	_ =	shalt  }
0x5f: {  	_ =	shalt  }
0x60: {  	_ =	shalt  }
0x61: {  	_ =	shalt  }
0x62: {  	_ =	shalt  }
0x63: {  	_ =	shalt  }
0x64: {  	_ =	shalt  }
0x65: {  	_ =	shalt  }
0x66: {  	_ =	shalt  }
0x67: {  	_ =	shalt  }
0x68: {  	_ =	shalt  }
0x69: {  	_ =	shalt  }
0x6a: {  	_ =	shalt  }
0x6b: {  	_ =	shalt  }
0x6c: {  	_ =	shalt  }
0x6d: {  	_ =	shalt  }
0x6e: {  	_ =	shalt  }
0x6f: {  	_ =	shalt  }
0x70: {  	_ =	shalt  }
0x71: {  	_ =	shalt  }
0x72: {  	_ =	shalt  }
0x73: {  	_ =	shalt  }
0x74: {  	_ =	shalt  }
0x75: {  	_ =	shalt  }
0x76: {  	_ =	shalt  }
0x77: {  	_ =	shalt  }
0x78: {  	_ =	shalt  }
0x79: {  	_ =	shalt  }
0x7a: {  	_ =	shalt  }
0x7b: {  	_ =	shalt  }
0x7c: {  	_ =	shalt  }
0x7d: {  	_ =	shalt  }
0x7e: {  	_ =	shalt  }
0x7f: {  	_ =	shalt  }
0x80: {  	_ =	shalt  }
0x81: {  	_ =	shalt  }
0x82: {  	_ =	shalt  }
0x83: {  	_ =	shalt  }
0x84: {  	_ =	shalt  }
0x85: {  	_ =	shalt  }
0x86: {  	_ =	shalt  }
0x87: {  	_ =	shalt  }
.Lfunc_end0:
.L_simem_size_0:
called_computation_lowered:
.L_overlay_start_0:
0x88: {  	s2 =	sld [smem:$0x3FD9]  }
0x89: {  	s3 =	sld [smem:$0x3FFE];
	_ =	sdelay $0x1  }
0x8a: {  	s1 =	srdreg.scid  }
0x8b: {  	s0 =	sand.u32 $0x1, s1  }
0x8c: {  	s16 =	sshll.u32 s0, $0xA;
	s2 =	sadd.s32 s3, s2  }
0x8d: {  	s2 =	sadd.s32 s2, s16  }
0x8e: {  	[smem:$0x3FBB] =	sst s2  }
0x8f: {  	_ = 	snop  }
0x90: {  	(tm) =	ssettm $0x1  }
0x91: {  	s17 =	sld [smem:$0x3FFB];
	_ =	sdelay $0x3  }
0x92: {  	_ =	strace s17  }
0x93: {  	s2 =	sld [smem:$0x3FFC];
	_ =	sdelay $0x3  }
0x94: {  	_ =	strace s2  }
0x95: {  	s2 =	sld [smem:$0x3FFD];
	_ =	sdelay $0x3  }
0x96: {  	_ =	strace s2  }
0x97: {  	_ =	strace $0x8FFFFFFF  }
0x98: {  	s18 =	sld [smem:$0x3FDB];
	_ =	sdelay $0x1  }
0x99: {  	s19 =	simm.s32 $_scs_section_size  }
0x9a: {  	s4 =	simm.s32 $_size__tile_overlayer_lowered;
	s5 =	simm.s32 $_tile_overlayer_lowered  }
0x9b: {  	s22 =	simm.s32 $0x1BFF;
	s21 =	sshll.u32 s5, $0x1;
	s2 =	sadd.s32 s19, s18  }
0x9c: {  	s6 =	simm.s32 $0x0;
	s20 =	sshll.u32 s4, $0x1;
	s4 =	sadd.s32 s21, s2  }
0x9d: {  	[timem:s6], [sflag:s22] =	dma.local [hbm:s4], s20  }
0x9e: {  	_ =	swait.ge [sflag:s22], s20  }
0x9f: {  	s3 =	ssub.s32 $0x0, s20;
	[sflag:s22] =	ssyncset.done $0x0  }
0xa0: {  	[sflag:s22] =	ssyncadd.s32 s3;
	_ =	sdelay $0x1  }
0xa1: {  	s23 =	simm.s32 $0x1B8B  }
0xa2: {  	_ =	swait.ge [sflag:s23], $0x1  }
0xa3: {  	[sflag:s23] =	ssyncset.done $0x0  }
0xa4: {  	s25 =	simm.s32 $0x1B8E;
	s24 =	sld [smem:$0x3FFE];
	[sflag:s23] =	ssyncadd.s32 $0xFFFFFFFF  }
0xa5: {  	s26 =	simm.s32 $execute0_lowered;
	[smem:$0x3FD2] =	sst s25  }
0xa6: {  	s4 =	sshll.u32 s26, $0x1;
	_ =	strace $0x80000046;
	[dreg:$0x1] =	wrdreg $0xFFFFFFFF  }
0xa7: {  	s28 =	simm.s32 $_size_execute0_lowered;
	s2 =	sadd.s32 s2, s4;
	[dreg:$0x0] =	wrdreg $0x0  }
0xa8: {  	s4 =	sshll.u32 s28, $0x1;
	[dreg:$0x2] =	wrdreg s2  }
0xa9: {  	[dreg:$0x3] =	wrdreg s4  }
0xaa: {  	[dreg:$0x4] =	wrdreg $0xC0  }
0xab: {  	_ =	task [dreg:s6], $0x5FFFF  }
0xac: {  	[dreg:$0x1] =	wrdreg $0xFFFFFFFF  }
0xad: {  	[dreg:$0x0] =	wrdreg $0x60  }
0xae: {  	[dreg:$0x2] =	wrdreg s24  }
0xaf: {  	[dreg:$0x3] =	wrdreg $0x42000  }
0xb0: {  	[dreg:$0x4] =	wrdreg $0x9  }
0xb1: {  	_ =	task.clear_ibuf [dreg:s6], $0x5FFFF;
	_ =	strace $0x90000046  }
0xb2: {  	s29 =	simm.s32 $0x9;
	_ =	strace $0x80000048  }
0xb3: {  	_ =	swait.ge [sflag:s29], $0x1  }
0xb4: {  	[sflag:s29] =	ssyncadd.s32 $0xFFFFFFFF  }
0xb5: {  	_ =	strace $0x90000048  }
0xb6: {  	_ =	sfence  }
0xb7: {  	s30 =	sld [smem:$0x0];
	_ =	sdelay $0x2  }
0xb8: {  	s31 =	sshll.u32 s1, $0xD;
	s1 =	sshrl.u32 s1, $0x2  }
0xb9: {  	s3 =	sand.u32 $0x4000, s31;
	s1 =	sadd.s32 s1, s30  }
0xba: {  	s0 =	sor.u32 s3, s0;
	s1 =	sshll.u32 s1, $0x11  }
0xbb: {  	s0 =	sor.u32 s1, s0  }
0xbc: {  	s0 =	sadd.s32 $0x8F2B, s0  }
0xbd: {  	[sflag:s0] =	ssyncadd.remote.s32 $0x1  }
0xbe: {  	_ =	sfence.sel $0xFFFF  }
0xbf: {  	[dreg:$0x0] =	wrdreg $0xFFFFFFFF;
	(pc) =	sbr.abs _section_cstart, $3  }
0xc0: {  	[dreg:$0x1] =	wrdreg $0xFFFFFFFF  }
0xc1: {  	_ =	task.clear_ibuf [dreg:s6], $0x2FFFF;
	_ =	strace $0x9FFFFFFF  }
0xc2: {  	(tm) =	ssettm $0x7FFFFFFF  }
0xc3: {  	_ =	shalt  }
tec
execute0_lowered:
.L_overlay_start_1:
0x0: {  	(tag) =	ssettag $0x1  }
0x1: {  	s6 =	rddreg [dreg:$0x0]  }
0x2: {  	s2 =	rddreg [dreg:$0x1]  }
0x3: {  	s0 =	stileid.u32;
	s3 =	srdreg.scid  }
0x4: {  	s1 =	rddreg [dreg:$0x2];
	s14 =	simm.s32 $0x200;
	s4 =	smul.u32 $0xA, s0  }
0x5: {  	s15 =	simm.s32 $0x80;
	s16 =	simm.s32 $0x1;
	s5 =	smul.u32 $0x96, s0  }
0x6: {  	s17 =	simm.s32 $0x0;
	s7 =	sand.u32 $0x1, s3;
	s30 =	smul.u32 $0x14000, s0  }
0x7: {  	s3 =	simm.s32 $0x0;
	s9 =	smul.u32 $0x50000, s0;
	s10 =	sshll.u32 s0, $0x6  }
0x8: {  	p0 =	seq.s32 s7, $0x0;
	s8 =	smul.u32 $0x140000, s7;
	[smem:$0x7FF] =	sst s3  }
0x9: {  	s31 =	ssub.s32 $0x2, s7;
	s4 =	sadd.s32 $0x960, s4;
	_ =	strace $0x80000047  }
0xa: {  	s7 =	sshrl.u32 s31, $0x1;
	s9 =	sshrl.u32 s9, $0x2;
	s4 =	smov.u32 @p0 s5  }
0xb: {  	s5 =	sadd.s32 s30, s8;
	s12 =	ssub.s32 s31, s7;
	s13 =	sadd.s32 s9, s2  }
0xc: {  	s9 =	simm.s32 $0x12A00;
	s4 =	sshll.u32 s4, $0x4;
	s8 =	sshrl.u32 s5, $0x3  }
0xd: {  	s5 =	sadd.s32 $0x18000, s6;
	s9 =	simm.s32 @!p0 $0x1200;
	s11 =	sadd.s32 s4, s6  }
0xe: {  	s4 =	sadd.s32 $0x17800, s6;
	s8 =	sadd.s32 s8, s6;
	s6 =	sor.u32 $0x1C02, s10  }
0xf: {  	s10 =	smax.u32 s12, $0x1;
	s12 =	sshrl.u32 s13, $0x3;
	s13 =	simm.s32 $0x2  }
0x10: {  	s7 =	sadd.s32 $0xD800, s11;
	s8 =	sadd.s32 $0x1A800, s8;
	s11 =	sadd.s32 $0xD810, s11  }
.LBB2_1:
0x11: {  	[spmem:s12], [sflag:s6] =	dma.local [hbm:s5], $0x2800  }
0x12: {  	_ =	swait.ge [sflag:s13], $0x2800  }
0x13: {  	[sflag:s13] =	ssyncset.done $0x0  }
0x14: {  	[sflag:s13] =	ssyncadd.s32 $0xFFFFD800  }
0x15: {  	[tilespmem:s14], [sflag:$0x2] =	stream.linear.gather [hbm4b:s4+s3], $0x4000, $0x38;
	[tilespmem:$0x18200] =	vst v63  }
0x16: {  	_ =	swait.ge [sflag:s13], $0x4000  }
0x17: {  	[sflag:s13] =	ssyncset.done $0x0  }
0x18: {  	p1 =	sne.s32 s9, $0x200;
	[sflag:s13] =	ssyncadd.s32 $0xFFFFC000  }
0x19: {  	[tilespmem:s3], [sflag:$0x2] =	stream.linear.gather [hbm4b:s7+s3], $0x80, $0x38;
	[tilespmem:$0x18200] =	vst v63  }
.Ltmp0:
0x1a: {  	_ =	swait.ge [sflag:s13], $0x80;
	(pc) =	sbr.rel @!p1 .LBB2_2-.Ltmp0, $4  }
0x1b: {  	[sflag:s13] =	ssyncset.done $0x0  }
0x1c: {  	[sflag:s13] =	ssyncadd.s32 $0xFFFFFF80  }
0x1d: {  	s19 =	simm.s32 $0x0;
	[bflag:$0x0] =	sbarrier.arrive $0xFFFF  }
0x1e: {  	s18 =	simm.s32 $0x200;
	p0 =	por $0x0, $0x0;
	s20 =	sand.u32 $0x80, s19  }
0x1f: {  	s18 =	sxor.u32 $0x80, s20  }
0x20: {  	[tilespmem:s18], [sflag:$0x1] =	stream.linear.gather [hbm4b:s11+s3], $0x80, $0x38;
	[tilespmem:$0x18200] =	vst v63  }
0x21: {  	p1 =	sne.s32 s9, $0x400  }
0x22: {  	[spmem:s2] =	stream.indirect.scatter.add.f32 [tilespmem:s14], [sflag:$0x2], $0x80, s20, s15, $0xb8;
	[tilespmem:$0x18200] =	vst v63  }
.Ltmp1:
0x23: {  	_ =	swait.ge [sflag:s13], $0x4000;
	(pc) =	sbr.rel @!p1 .LBB2_5-.Ltmp1, $4  }
0x24: {  	[sflag:s13] =	ssyncset.done $0x0  }
0x25: {  	s19 =	simm.s32 $0x80;
	s21 =	simm.s32 $0x1;
	[sflag:s13] =	ssyncadd.s32 $0xFFFFC000  }
0x26: {  	p0 =	por $0x1, $0x1;
	s18 =	simm.s32 $0x400;
	_ =	swait.ge [sflag:s16], $0x80  }
0x27: {  	s20 =	sand.u32 $0x80, s19;
	s19 =	sadd.s32 $0x10, s11;
	[sflag:s16] =	ssyncset.done $0x0  }
.LBB2_4:
0x28: {  	s18 =	sadd.s32 $0x200, s18;
	s22 =	sxor.u32 $0x80, s20;
	[sflag:s16] =	ssyncadd.s32 $0xFFFFFF80  }
0x29: {  	[tilespmem:s22], [sflag:$0x1] =	stream.linear.gather [hbm4b:s19+s3], $0x80, $0x38;
	[tilespmem:$0x18200] =	vst v63  }
0x2a: {  	p1 =	sne.s32 s9, s18  }
0x2b: {  	[spmem:s2] =	stream.indirect.scatter.add.f32 [tilespmem:s14], [sflag:$0x2], $0x80, s20, s15, $0xb8;
	[tilespmem:$0x18200] =	vst v63  }
.Ltmp2:
0x2c: {  	_ =	swait.ge [sflag:s13], $0x4000;
	(pc) =	sbr.rel @p1 .LBB2_4-.Ltmp2, $4  }
0x2d: {  	[sflag:s13] =	ssyncset.done $0x0  }
0x2e: {  	s21 =	sadd.s32 $0x1, s21;
	[sflag:s13] =	ssyncadd.s32 $0xFFFFC000  }
0x2f: {  	s20 =	sshll.u32 s21, $0x7;
	_ =	swait.ge [sflag:s16], $0x80  }
0x30: {  	s19 =	sadd.s32 $0x10, s19;
	s20 =	sand.u32 $0x80, s20;
	[sflag:s16] =	ssyncset.done $0x0  }
.LBB2_5:
0x31: {  	s21 =	sxor.u32 $0x80, s20;
	[sflag:s16] =	ssyncadd.s32 @p0 $0xFFFFFF80  }
0x32: {  	[tilespmem:s21], [sflag:$0x1] =	stream.linear.gather [hbm4b:s19+s3], $0x80, $0x38;
	[tilespmem:$0x18200] =	vst v63  }
0x33: {  	_ = 	snop  }
0x34: {  	[spmem:s2] =	stream.indirect.scatter.add.f32 [tilespmem:s14], [sflag:$0x2], $0x80, s20, s15, $0xb8;
	[tilespmem:$0x18200] =	vst v63  }
0x35: {  	_ =	swait.ge [sflag:s13], $0x4000  }
0x36: {  	[sflag:s13] =	ssyncset.done $0x0  }
0x37: {  	[sflag:s13] =	ssyncadd.s32 $0xFFFFC000  }
0x38: {  	_ =	swait.ge [sflag:s16], $0x80  }
0x39: {  	s18 =	sand.u32 $0x200, s18;
	[sflag:s16] =	ssyncset.done $0x0  }
0x3a: {  	s18 =	sshrl.u32 s18, $0x2;
	[sflag:s16] =	ssyncadd.s32 $0xFFFFFF80  }
0x3b: {  	[spmem:s2] =	stream.indirect.scatter.add.f32 [tilespmem:s14], [sflag:$0x2], $0x80, s18, s15, $0xb8;
	[tilespmem:$0x18200] =	vst v63  }
0x3c: {  	_ =	swait.ge [sflag:s13], $0x4000  }
0x3d: {  	[sflag:s13] =	ssyncset.done $0x0  }
0x3e: {  	s17 =	sadd.s32 $0x1, s17;
	[sflag:s13] =	ssyncadd.s32 $0xFFFFC000  }
0x3f: {  	p0 =	sne.s32 s17, s10;
	[bflag:$0x0] =	sbarrier.arrive $0xFFFF  }
0x40: {  	[hbm:s8], [sflag:s6] =	dma.local [spmem:s12], $0x2800  }
.Ltmp3:
0x41: {  	_ = 	snop;
	(pc) =	sbr.rel @p0 .LBB2_1-.Ltmp3, $4  }
.Ltmp4:
0x42: {  	_ = 	snop;
	(pc) =	sbr.rel @!p0 .LBB2_6-.Ltmp4, $4  }
0x43: {  	_ =	swait.ge [sflag:s13], $0x2800  }
0x44: {  	[sflag:s13] =	ssyncset.done $0x0  }
0x45: {  	[sflag:s13] =	ssyncadd.s32 $0xFFFFD800  }
0x46: {  	_ = 	snop  }
.LBB2_2:
.Ltmp5:
0x47: {  	(pc) =	sbr.rel .LBB2_5-.Ltmp5, $2  }
0x48: {  	_ =	sdelay $0x2  }
0x49: {  	s19 =	smov.u32 s11  }
.LBB2_6:
0x4a: {  	_ =	sfence.sel $0x180000  }
0x4b: {  	[bflag:$0x0] =	sbarrier.arrive $0xFFFF  }
0x4c: {  	p0 =	sne.s32 s0, $0x0;
	_ =	strace $0x90000047  }
0x4d: {  	s0 =	sadd.s32 @!p0 $0x100000, s1;
	[bflag:$0x2] =	sbarrier.arrive $0xFFFF  }
0x4e: {  	[sflag:s0] =	ssyncadd.tile.s32 @!p0 $0x1;
	_ =	shalt  }
.Lfunc_end2:
_tile_overlayer_lowered:
.L_overlay_start_2:
0x4f: {  	(tag) =	ssettag $0x2  }
0x50: {  	s0 =	rddreg [dreg:$0x0];
	s2 =	stileid.u32  }
0x51: {  	s1 =	rddreg [dreg:$0x1];
	p0 =	sne.s32 s2, $0x0  }
0x52: {  	s3 =	rddreg [dreg:$0x2];
	[bflag:$0x3] =	sbarrier.arrive $0xFFFF;
	s2 =	simm.s32 @!p0 $0x1C02  }
0x53: {  	[timem:s3], [sflag:s2] =	dma.local @!p0 [hbm:s0], s1  }
0x54: {  	s0 =	simm.s32 @!p0 $0x2  }
0x55: {  	_ =	swait.ge @!p0 [sflag:s0], s1  }
0x56: {  	s1 =	ssub.s32 @!p0 $0x0, s1;
	[sflag:s0] =	ssyncset.done @!p0 $0x0  }
0x57: {  	[sflag:s0] =	ssyncadd.s32 @!p0 s1  }
0x58: {  	[bflag:$0x3] =	sbarrier.arrive $0xFFFF  }
0x59: {  	_ =	shalt  }

// kernel: kernel.13.cloned.1.call-start
scs
__scs_entry_jumppad:
0x0: {  	(pc) =	sbr.rel $0x88, $3  }
0x1: {  	(tag) =	ssettag $0x0;
	lr =	simm.s32 $0x1  }
0x2: {  	[smem:$0x3F94] =	sst lr;
	_ =	strace $0xD0000000  }
0x3: {  	_ = 	snop  }
0x4: {  	_ = 	snop  }
0x5: {  	_ = 	snop  }
0x6: {  	_ = 	snop  }
0x7: {  	_ = 	snop  }
__scs_overlays_trampoline_lowered:
0x8: {  	[smem:$0x3FA3] =	sst s0  }
0x9: {  	[smem:$0x3FA4] =	sst s1  }
0xa: {  	[smem:$0x3FA5] =	sst s2  }
0xb: {  	[smem:$0x3FA6] =	sst s3  }
0xc: {  	[smem:$0x3FA7] =	sst s4  }
0xd: {  	[smem:$0x3FA8] =	sst s5  }
0xe: {  	[smem:$0x3FA9] =	sst s6  }
0xf: {  	[smem:$0x3FAA] =	sst s7  }
0x10: {  	[smem:$0x3FAB] =	sst s8  }
0x11: {  	[smem:$0x3FAC] =	sst s9;
	s0 =	simm.s32 @!p0 $0x0  }
0x12: {  	s1 =	sld [smem:$0x3F92];
	s0 =	simm.s32 @p0 $0x1  }
0x13: {  	[smem:$0x3FAD] =	sst s0;
	s0 =	simm.s32 @!p1 $0x0  }
0x14: {  	s2 =	sld [smem:$0x3F91];
	s0 =	simm.s32 @p1 $0x1  }
0x15: {  	[smem:$0x3FAE] =	sst s0;
	s0 =	simm.s32 @!p2 $0x0  }
0x16: {  	s3 =	sld [smem:$0x3FDB];
	s0 =	simm.s32 @p2 $0x1  }
0x17: {  	s4 =	simm.s32 $0x1BF5;
	[smem:$0x3FB0] =	sst s0  }
0x18: {  	s0 =	sld [smem:$0x3F93];
	_ =	swait.ge [sflag:s4], $0x0  }
0x19: {  	s7 =	sld [smem:$0x3F94]  }
0x1a: {  	s8 =	sadd.s32 $0xFFFFE003, lr  }
0x1b: {  	s9 =	sadd.s32 $0xFFFFFEF7, lr;
	s5 =	simm.s32 $0xFFFFFFFF;
	p2 =	slt.u32 s8, $0xFFFFF086  }
0x1c: {  	p1 =	slt.u32 s9, $0xF7A;
	s5 =	simm.s32 @!p2 $0x0  }
0x1d: {  	s5 =	simm.s32 @p1 $0x1;
	p0 =	seq.s32 s7, s2  }
0x1e: {  	s7 =	smul.u32 @!p0 $0xF7A, s2;
	p2 =	seq.s32 @!p0 s5, $0x0  }
0x1f: {  	s9 =	smul.u32 $0xF7A, s1;
	s8 =	simm.s32 @!p0 $0x1BF5;
	p2 =	por !p2, p0  }
0x20: {  	[sflag:s8] =	ssyncset.s32 @!p0 $0xFFFFF086;
	s6 =	sadd.s32 @!p0 s3, s7;
	s7 =	simm.s32 @!p0 $0x108  }
0x21: {  	s3 =	sadd.s32 s3, s9;
	s6 =	sadd.s32 @!p0 $0x88, s6;
	s7 =	simm.s32 @p2 $0x1082  }
0x22: {  	[simem:s7], [sflag:s8] =	dma.local @!p0 [hbm:s6], $0xF7A  }
0x23: {  	s9 =	sor.u32 $0xD0000000, s2;
	s6 =	simm.s32 $0x108;
	_ =	swait.ge @!p0 [sflag:s8], $0x0  }
0x24: {  	s3 =	sadd.s32 $0x88, s3;
	s6 =	simm.s32 @!p1 $0x1082;
	[sflag:s4] =	ssyncset.s32 $0xFFFFF086  }
0x25: {  	[simem:s6], [sflag:s4] =	dma.local [hbm:s3], $0xF7A  }
0x26: {  	[smem:$0x3F94] =	sst s1;
	(tag) =	ssettag s2;
	_ =	strace s9  }
0x27: {  	s1 =	sld [smem:$0x3FA4]  }
0x28: {  	s2 =	sld [smem:$0x3FA5]  }
0x29: {  	s4 =	sld [smem:$0x3FA7]  }
0x2a: {  	p0 =	seq.s32 s5, $0x0;
	s5 =	sld [smem:$0x3FA8]  }
0x2b: {  	s6 =	sld [smem:$0x3FA9]  }
0x2c: {  	s7 =	sld [smem:$0x3FAA]  }
0x2d: {  	s3 =	simm.s32 $0x108;
	s8 =	sld [smem:$0x3FAB]  }
0x2e: {  	s3 =	simm.s32 @!p0 $0x1082;
	s9 =	sld [smem:$0x3FAC]  }
0x2f: {  	lr =	sadd.s32 s0, s3;
	s0 =	sld [smem:$0x3FA3]  }
0x30: {  	s3 =	sld [smem:$0x3FA6]  }
0x31: {  	[smem:$0x3FAF] =	sst s10  }
0x32: {  	s10 =	sld [smem:$0x3FAD];
	_ =	sdelay $0x3  }
0x33: {  	p0 =	seq.s32 s10, $0x1;
	s10 =	sld [smem:$0x3FAF];
	_ =	sdelay $0x3  }
0x34: {  	[smem:$0x3FAF] =	sst s10  }
0x35: {  	s10 =	sld [smem:$0x3FAE];
	_ =	sdelay $0x3  }
0x36: {  	p1 =	seq.s32 s10, $0x1;
	s10 =	sld [smem:$0x3FAF];
	_ =	sdelay $0x3  }
0x37: {  	[smem:$0x3FAF] =	sst s10  }
0x38: {  	s10 =	sld [smem:$0x3FB0]  }
0x39: {  	_ = 	snop;
	(pc) =	sbr.ind lr, $3  }
0x3a: {  	_ = 	snop  }
0x3b: {  	_ = 	snop  }
0x3c: {  	p2 =	seq.s32 s10, $0x1;
	s10 =	sld [smem:$0x3FAF]  }
0x3d: {  	_ =	shalt  }
0x3e: {  	_ =	shalt  }
0x3f: {  	_ =	shalt  }
0x40: {  	_ =	shalt  }
0x41: {  	_ =	shalt  }
0x42: {  	_ =	shalt  }
0x43: {  	_ =	shalt  }
0x44: {  	_ =	shalt  }
0x45: {  	_ =	shalt  }
0x46: {  	_ =	shalt  }
0x47: {  	_ =	shalt  }
0x48: {  	_ =	shalt  }
0x49: {  	_ =	shalt  }
0x4a: {  	_ =	shalt  }
0x4b: {  	_ =	shalt  }
0x4c: {  	_ =	shalt  }
0x4d: {  	_ =	shalt  }
0x4e: {  	_ =	shalt  }
0x4f: {  	_ =	shalt  }
0x50: {  	_ =	shalt  }
0x51: {  	_ =	shalt  }
0x52: {  	_ =	shalt  }
0x53: {  	_ =	shalt  }
0x54: {  	_ =	shalt  }
0x55: {  	_ =	shalt  }
0x56: {  	_ =	shalt  }
0x57: {  	_ =	shalt  }
0x58: {  	_ =	shalt  }
0x59: {  	_ =	shalt  }
0x5a: {  	_ =	shalt  }
0x5b: {  	_ =	shalt  }
0x5c: {  	_ =	shalt  }
0x5d: {  	_ =	shalt  }
0x5e: {  	_ =	shalt  }
0x5f: {  	_ =	shalt  }
0x60: {  	_ =	shalt  }
0x61: {  	_ =	shalt  }
0x62: {  	_ =	shalt  }
0x63: {  	_ =	shalt  }
0x64: {  	_ =	shalt  }
0x65: {  	_ =	shalt  }
0x66: {  	_ =	shalt  }
0x67: {  	_ =	shalt  }
0x68: {  	_ =	shalt  }
0x69: {  	_ =	shalt  }
0x6a: {  	_ =	shalt  }
0x6b: {  	_ =	shalt  }
0x6c: {  	_ =	shalt  }
0x6d: {  	_ =	shalt  }
0x6e: {  	_ =	shalt  }
0x6f: {  	_ =	shalt  }
0x70: {  	_ =	shalt  }
0x71: {  	_ =	shalt  }
0x72: {  	_ =	shalt  }
0x73: {  	_ =	shalt  }
0x74: {  	_ =	shalt  }
0x75: {  	_ =	shalt  }
0x76: {  	_ =	shalt  }
0x77: {  	_ =	shalt  }
0x78: {  	_ =	shalt  }
0x79: {  	_ =	shalt  }
0x7a: {  	_ =	shalt  }
0x7b: {  	_ =	shalt  }
0x7c: {  	_ =	shalt  }
0x7d: {  	_ =	shalt  }
0x7e: {  	_ =	shalt  }
0x7f: {  	_ =	shalt  }
0x80: {  	_ =	shalt  }
0x81: {  	_ =	shalt  }
0x82: {  	_ =	shalt  }
0x83: {  	_ =	shalt  }
0x84: {  	_ =	shalt  }
0x85: {  	_ =	shalt  }
0x86: {  	_ =	shalt  }
0x87: {  	_ =	shalt  }
.Lfunc_end0:
.L_simem_size_0:
called_computation.1_lowered:
.L_overlay_start_0:
0x88: {  	s2 =	sld [smem:$0x3FD9]  }
0x89: {  	s3 =	sld [smem:$0x3FFE];
	_ =	sdelay $0x1  }
0x8a: {  	s1 =	srdreg.scid  }
0x8b: {  	s0 =	sand.u32 $0x1, s1  }
0x8c: {  	s16 =	sshll.u32 s0, $0xA;
	s2 =	sadd.s32 s3, s2  }
0x8d: {  	s2 =	sadd.s32 s2, s16  }
0x8e: {  	[smem:$0x3FBB] =	sst s2  }
0x8f: {  	_ = 	snop  }
0x90: {  	(tm) =	ssettm $0x1  }
0x91: {  	s17 =	sld [smem:$0x3FFB];
	_ =	sdelay $0x3  }
0x92: {  	_ =	strace s17  }
0x93: {  	s2 =	sld [smem:$0x3FFC];
	_ =	sdelay $0x3  }
0x94: {  	_ =	strace s2  }
0x95: {  	s2 =	sld [smem:$0x3FFD];
	_ =	sdelay $0x3  }
0x96: {  	_ =	strace s2  }
0x97: {  	_ =	strace $0x8FFFFFFF  }
0x98: {  	s18 =	sld [smem:$0x3FDB];
	_ =	sdelay $0x1  }
0x99: {  	s19 =	simm.s32 $_scs_section_size  }
0x9a: {  	s4 =	simm.s32 $_size__tile_overlayer_lowered;
	s5 =	simm.s32 $_tile_overlayer_lowered  }
0x9b: {  	s22 =	simm.s32 $0x1BFF;
	s21 =	sshll.u32 s5, $0x1;
	s2 =	sadd.s32 s19, s18  }
0x9c: {  	s6 =	simm.s32 $0x0;
	s20 =	sshll.u32 s4, $0x1;
	s4 =	sadd.s32 s21, s2  }
0x9d: {  	[timem:s6], [sflag:s22] =	dma.local [hbm:s4], s20  }
0x9e: {  	_ =	swait.ge [sflag:s22], s20  }
0x9f: {  	s3 =	ssub.s32 $0x0, s20;
	[sflag:s22] =	ssyncset.done $0x0  }
0xa0: {  	[sflag:s22] =	ssyncadd.s32 s3;
	_ =	sdelay $0x1  }
0xa1: {  	s23 =	simm.s32 $0x1B8B  }
0xa2: {  	_ =	swait.ge [sflag:s23], $0x1  }
0xa3: {  	[sflag:s23] =	ssyncset.done $0x0  }
0xa4: {  	s25 =	simm.s32 $0x1B8E;
	s24 =	sld [smem:$0x3FFE];
	[sflag:s23] =	ssyncadd.s32 $0xFFFFFFFF  }
0xa5: {  	s26 =	simm.s32 $execute0_lowered;
	[smem:$0x3FD2] =	sst s25  }
0xa6: {  	s4 =	sshll.u32 s26, $0x1;
	_ =	strace $0x80000049;
	[dreg:$0x1] =	wrdreg $0xFFFFFFFF  }
0xa7: {  	s28 =	simm.s32 $_size_execute0_lowered;
	s2 =	sadd.s32 s2, s4;
	[dreg:$0x0] =	wrdreg $0x0  }
0xa8: {  	s4 =	sshll.u32 s28, $0x1;
	[dreg:$0x2] =	wrdreg s2  }
0xa9: {  	[dreg:$0x3] =	wrdreg s4  }
0xaa: {  	[dreg:$0x4] =	wrdreg $0xC0  }
0xab: {  	_ =	task [dreg:s6], $0x5FFFF  }
0xac: {  	[dreg:$0x1] =	wrdreg $0xFFFFFFFF  }
0xad: {  	[dreg:$0x0] =	wrdreg $0x60  }
0xae: {  	[dreg:$0x2] =	wrdreg s24  }
0xaf: {  	[dreg:$0x3] =	wrdreg $0x84000  }
0xb0: {  	[dreg:$0x4] =	wrdreg $0x9  }
0xb1: {  	_ =	task.clear_ibuf [dreg:s6], $0x5FFFF;
	_ =	strace $0x90000049  }
0xb2: {  	s29 =	simm.s32 $0x9;
	_ =	strace $0x8000004B  }
0xb3: {  	_ =	swait.ge [sflag:s29], $0x1  }
0xb4: {  	[sflag:s29] =	ssyncadd.s32 $0xFFFFFFFF  }
0xb5: {  	_ =	strace $0x9000004B  }
0xb6: {  	_ =	sfence  }
0xb7: {  	s30 =	sld [smem:$0x0];
	_ =	sdelay $0x2  }
0xb8: {  	s31 =	sshll.u32 s1, $0xD;
	s1 =	sshrl.u32 s1, $0x2  }
0xb9: {  	s3 =	sand.u32 $0x4000, s31;
	s1 =	sadd.s32 s1, s30  }
0xba: {  	s0 =	sor.u32 s3, s0;
	s1 =	sshll.u32 s1, $0x11  }
0xbb: {  	s0 =	sor.u32 s1, s0  }
0xbc: {  	s0 =	sadd.s32 $0x8F2B, s0  }
0xbd: {  	[sflag:s0] =	ssyncadd.remote.s32 $0x1  }
0xbe: {  	_ =	sfence.sel $0xFFFF  }
0xbf: {  	[dreg:$0x0] =	wrdreg $0xFFFFFFFF;
	(pc) =	sbr.abs _section_cstart, $3  }
0xc0: {  	[dreg:$0x1] =	wrdreg $0xFFFFFFFF  }
0xc1: {  	_ =	task.clear_ibuf [dreg:s6], $0x2FFFF;
	_ =	strace $0x9FFFFFFF  }
0xc2: {  	(tm) =	ssettm $0x7FFFFFFF  }
0xc3: {  	_ =	shalt  }
tec
execute0_lowered:
.L_overlay_start_1:
0x0: {  	(tag) =	ssettag $0x1  }
0x1: {  	s6 =	rddreg [dreg:$0x0]  }
0x2: {  	s2 =	rddreg [dreg:$0x1]  }
0x3: {  	s0 =	rddreg [dreg:$0x2];
	s1 =	stileid.u32;
	s3 =	simm.s32 $0x0  }
0x4: {  	s4 =	srdreg.scid;
	s15 =	simm.s32 $0x5;
	s16 =	simm.s32 $0x200  }
0x5: {  	s17 =	simm.s32 $0x80;
	s18 =	simm.s32 $0x400;
	s5 =	smul.u32 $0xA, s1  }
0x6: {  	s19 =	simm.s32 $0x4400;
	s7 =	sand.u32 $0x1, s4;
	s4 =	smul.u32 $0x96, s1  }
0x7: {  	s20 =	simm.s32 $0x0;
	[smem:$0x7FF] =	sst s3;
	s9 =	smul.u32 $0x14000, s1  }
0x8: {  	s28 =	smul.u32 $0x50000, s1;
	s31 =	sshll.u32 s1, $0x6;
	p0 =	seq.s32 s7, $0x0  }
0x9: {  	s8 =	smul.u32 $0x140000, s7;
	_ =	strace $0x8000004A;
	s7 =	ssub.s32 $0x2, s7  }
0xa: {  	[dreg:$0x3] =	wrdreg s19;
	s19 =	simm.s32 $0x1;
	s5 =	sadd.s32 $0x960, s5  }
0xb: {  	s29 =	sshrl.u32 s7, $0x1;
	s30 =	sshrl.u32 s28, $0x2;
	s5 =	smov.u32 @p0 s4  }
0xc: {  	s4 =	sadd.s32 $0x1A800, s6;
	s26 =	sadd.s32 s9, s8;
	s11 =	ssub.s32 s7, s29  }
0xd: {  	s14 =	sadd.s32 s30, s2;
	s7 =	sor.u32 $0x1C05, s31;
	s5 =	sshll.u32 s5, $0x4  }
0xe: {  	s8 =	sshrl.u32 s26, $0x3;
	s11 =	smax.u32 s11, $0x1;
	s13 =	sadd.s32 s5, s6  }
0xf: {  	s5 =	sadd.s32 $0x18000, s6;
	s10 =	sadd.s32 s8, s6;
	s6 =	simm.s32 $0x4B  }
0x10: {  	s14 =	sshrl.u32 s14, $0x3;
	s6 =	simm.s32 @!p0 $0x5;
	s8 =	sadd.s32 $0x3800, s13  }
0x11: {  	s9 =	sadd.s32 $0xD800, s13;
	s10 =	sadd.s32 $0x42800, s10;
	s12 =	sshll.u32 s6, $0x1  }
0x12: {  	[dreg:$0x4] =	wrdreg s12;
	s12 =	sadd.s32 $0xD820, s13;
	s13 =	sadd.s32 $0x3820, s13  }
.LBB2_1:
0x13: {  	[spmem:s14], [sflag:s7] =	dma.local [hbm:s5], $0x2800  }
0x14: {  	_ =	swait.ge [sflag:s15], $0x2800  }
0x15: {  	[sflag:s15] =	ssyncset.done $0x0  }
0x16: {  	[sflag:s15] =	ssyncadd.s32 $0xFFFFD800  }
0x17: {  	[tilespmem:s3], [sflag:$0x5] =	stream.linear.gather [hbm4b:s8+s3], $0x100, $0x38;
	[tilespmem:$0x1C400] =	vst v63  }
0x18: {  	_ =	swait.ge [sflag:s15], $0x100  }
0x19: {  	[sflag:s15] =	ssyncset.done $0x0  }
0x1a: {  	[sflag:s15] =	ssyncadd.s32 $0xFFFFFF00  }
0x1b: {  	[tilespmem:s16], [sflag:$0x5] =	stream.linear.gather [hbm4b:s9+s3], $0x100, $0x38;
	[tilespmem:$0x1C400] =	vst v63  }
0x1c: {  	_ =	swait.ge [sflag:s15], $0x100  }
0x1d: {  	[sflag:s15] =	ssyncset.done $0x0  }
0x1e: {  	s21 =	smov.u32 s13;
	s22 =	smov.u32 s12;
	[sflag:s15] =	ssyncadd.s32 $0xFFFFFF00  }
0x1f: {  	s23 =	simm.s32 $0x1;
	s24 =	simm.s32 $0x0;
	[bflag:$0x0] =	sbarrier.arrive $0xFFFF  }
0x20: {  	[tilespmem:s18], [sflag:$0x1] =	stream.indirect.gather [hbm4b:s4+s17], $0x80, s3, s17, $0xb8;
	[tilespmem:$0x1C400] =	vst v63  }
.LBB2_2:
0x21: {  	s25 =	sand.u32 $0x2, s24  }
0x22: {  	p0 =	sge.u32 s23, s6;
	s26 =	sxor.u32 $0x2, s25  }
0x23: {  	s28 =	simm.s32 @!p0 $0x0;
	s26 =	sshll.u32 @!p0 s26, $0x7  }
0x24: {  	[tilespmem:s26], [sflag:$0x3] =	stream.linear.gather @!p0 [hbm4b:s21+s28], $0x100, $0x38;
	[tilespmem:$0x1C400] =	vst v63  }
0x25: {  	s25 =	sshll.u32 s25, $0x7;
	s29 =	sor.u32 @!p0 $0x200, s26  }
0x26: {  	[tilespmem:s29], [sflag:$0x4] =	stream.linear.gather @!p0 [hbm4b:s22+s28], $0x100, $0x38;
	[tilespmem:$0x1C400] =	vst v63  }
0x27: {  	s30 =	rddreg [dreg:$0x3];
	s29 =	sor.u32 $0x80, s25  }
0x28: {  	[tilespmem:s30], [sflag:$0x2] =	stream.indirect.gather [hbm4b:s4+s17], $0x80, s29, s17, $0xb8;
	[tilespmem:$0x1C400] =	vst v63  }
0x29: {  	_ =	swait.ge [sflag:s19], $0x4000  }
0x2a: {  	[sflag:s19] =	ssyncset.done $0x0  }
0x2b: {  	s25 =	sor.u32 $0x200, s25;
	[sflag:s19] =	ssyncadd.s32 $0xFFFFC000  }
0x2c: {  	[spmem:s2] =	stream.indirect.scatter.add.f32 [tilespmem:s18], [sflag:$0x5], $0x80, s25, s17, $0xb8;
	[tilespmem:$0x1C400] =	vst v63  }
0x2d: {  	_ =	swait.ge [sflag:s15], $0x4000  }
0x2e: {  	[sflag:s15] =	ssyncset.done $0x0  }
0x2f: {  	s25 =	simm.s32 @p0 $0x2;
	[sflag:s15] =	ssyncadd.s32 $0xFFFFC000  }
0x30: {  	_ =	swait.ge @p0 [sflag:s25], $0x4000  }
0x31: {  	s28 =	simm.s32 @p0 $0x80;
	[sflag:s25] =	ssyncset.done @p0 $0x0  }
0x32: {  	s30 =	simm.s32 @p0 $0x4400;
	[sflag:s25] =	ssyncadd.s32 @p0 $0xFFFFC000;
	s25 =	sor.u32 @p0 $0x200, s29  }
0x33: {  	[spmem:s2] =	stream.indirect.scatter.add.f32 @p0 [tilespmem:s30], [sflag:$0x5], $0x80, s25, s28, $0xb8;
	[tilespmem:$0x1C400] =	vst v63  }
0x34: {  	s25 =	simm.s32 @p0 $0x5  }
0x35: {  	_ =	swait.ge @p0 [sflag:s25], $0x4000  }
0x36: {  	[sflag:s25] =	ssyncset.done @p0 $0x0  }
0x37: {  	[sflag:s25] =	ssyncadd.s32 @p0 $0xFFFFC000;
	s25 =	simm.s32 @!p0 $0x3  }
0x38: {  	_ =	swait.ge @!p0 [sflag:s25], $0x100  }
0x39: {  	[sflag:s25] =	ssyncset.done @!p0 $0x0  }
0x3a: {  	s28 =	simm.s32 @!p0 $0x400;
	[sflag:s25] =	ssyncadd.s32 @!p0 $0xFFFFFF00;
	s25 =	simm.s32 @!p0 $0x80  }
0x3b: {  	[tilespmem:s28], [sflag:$0x1] =	stream.indirect.gather @!p0 [hbm4b:s4+s25], $0x80, s26, s25, $0xb8;
	[tilespmem:$0x1C400] =	vst v63  }
0x3c: {  	s26 =	simm.s32 @!p0 $0x2  }
0x3d: {  	_ =	swait.ge @!p0 [sflag:s26], $0x4000  }
0x3e: {  	[sflag:s26] =	ssyncset.done @!p0 $0x0  }
0x3f: {  	s28 =	simm.s32 @!p0 $0x4400;
	[sflag:s26] =	ssyncadd.s32 @!p0 $0xFFFFC000;
	s26 =	sor.u32 @!p0 $0x200, s29  }
0x40: {  	[spmem:s2] =	stream.indirect.scatter.add.f32 @!p0 [tilespmem:s28], [sflag:$0x5], $0x80, s26, s25, $0xb8;
	[tilespmem:$0x1C400] =	vst v63  }
0x41: {  	s25 =	simm.s32 @!p0 $0x5  }
0x42: {  	_ =	swait.ge @!p0 [sflag:s25], $0x4000  }
0x43: {  	[sflag:s25] =	ssyncset.done @!p0 $0x0  }
0x44: {  	[sflag:s25] =	ssyncadd.s32 @!p0 $0xFFFFC000;
	s25 =	simm.s32 @!p0 $0x4  }
0x45: {  	_ =	swait.ge @!p0 [sflag:s25], $0x100  }
0x46: {  	s24 =	sadd.s32 $0x2, s24;
	s31 =	rddreg [dreg:$0x4];
	[sflag:s25] =	ssyncset.done @!p0 $0x0  }
0x47: {  	[sflag:s25] =	ssyncadd.s32 @!p0 $0xFFFFFF00;
	p0 =	sne.s32 s31, s24  }
.Ltmp0:
0x48: {  	_ = 	snop;
	(pc) =	sbr.rel @p0 .LBB2_2-.Ltmp0, $2  }
0x49: {  	_ =	sdelay $0x2  }
0x4a: {  	s23 =	sadd.s32 $0x1, s23;
	s21 =	sadd.s32 $0x20, s21;
	s22 =	sadd.s32 $0x20, s22  }
0x4b: {  	s20 =	sadd.s32 $0x1, s20  }
0x4c: {  	p0 =	sne.s32 s20, s11  }
.Ltmp1:
0x4d: {  	[bflag:$0x0] =	sbarrier.arrive $0xFFFF;
	(pc) =	sbr.rel @p0 .LBB2_1-.Ltmp1, $4  }
0x4e: {  	[hbm:s10], [sflag:s7] =	dma.local [spmem:s14], $0x2800  }
0x4f: {  	_ =	swait.ge [sflag:s15], $0x2800  }
0x50: {  	[sflag:s15] =	ssyncset.done $0x0  }
0x51: {  	[sflag:s15] =	ssyncadd.s32 $0xFFFFD800  }
0x52: {  	_ =	sfence.sel $0x180000  }
0x53: {  	[bflag:$0x0] =	sbarrier.arrive $0xFFFF  }
0x54: {  	p0 =	sne.s32 s1, $0x0;
	_ =	strace $0x9000004A  }
0x55: {  	s0 =	sadd.s32 @!p0 $0x100000, s0;
	[bflag:$0x2] =	sbarrier.arrive $0xFFFF  }
0x56: {  	[sflag:s0] =	ssyncadd.tile.s32 @!p0 $0x1;
	_ =	shalt  }
.Lfunc_end2:
_tile_overlayer_lowered:
.L_overlay_start_2:
0x57: {  	(tag) =	ssettag $0x2  }
0x58: {  	s0 =	rddreg [dreg:$0x0];
	s2 =	stileid.u32  }
0x59: {  	s1 =	rddreg [dreg:$0x1];
	p0 =	sne.s32 s2, $0x0  }
0x5a: {  	s3 =	rddreg [dreg:$0x2];
	[bflag:$0x3] =	sbarrier.arrive $0xFFFF;
	s2 =	simm.s32 @!p0 $0x1C05  }
0x5b: {  	[timem:s3], [sflag:s2] =	dma.local @!p0 [hbm:s0], s1  }
0x5c: {  	s0 =	simm.s32 @!p0 $0x5  }
0x5d: {  	_ =	swait.ge @!p0 [sflag:s0], s1  }
0x5e: {  	s1 =	ssub.s32 @!p0 $0x0, s1;
	[sflag:s0] =	ssyncset.done @!p0 $0x0  }
0x5f: {  	[sflag:s0] =	ssyncadd.s32 @!p0 s1  }
0x60: {  	[bflag:$0x3] =	sbarrier.arrive $0xFFFF  }
0x61: {  	_ =	shalt  }

// kernel: kernel.16.cloned.1.call-start
scs
__scs_entry_jumppad:
0x0: {  	(pc) =	sbr.rel $0x88, $3  }
0x1: {  	(tag) =	ssettag $0x0;
	lr =	simm.s32 $0x1  }
0x2: {  	[smem:$0x3F94] =	sst lr;
	_ =	strace $0xD0000000  }
0x3: {  	_ = 	snop  }
0x4: {  	_ = 	snop  }
0x5: {  	_ = 	snop  }
0x6: {  	_ = 	snop  }
0x7: {  	_ = 	snop  }
__scs_overlays_trampoline_lowered:
0x8: {  	[smem:$0x3FA3] =	sst s0  }
0x9: {  	[smem:$0x3FA4] =	sst s1  }
0xa: {  	[smem:$0x3FA5] =	sst s2  }
0xb: {  	[smem:$0x3FA6] =	sst s3  }
0xc: {  	[smem:$0x3FA7] =	sst s4  }
0xd: {  	[smem:$0x3FA8] =	sst s5  }
0xe: {  	[smem:$0x3FA9] =	sst s6  }
0xf: {  	[smem:$0x3FAA] =	sst s7  }
0x10: {  	[smem:$0x3FAB] =	sst s8  }
0x11: {  	[smem:$0x3FAC] =	sst s9;
	s0 =	simm.s32 @!p0 $0x0  }
0x12: {  	s1 =	sld [smem:$0x3F92];
	s0 =	simm.s32 @p0 $0x1  }
0x13: {  	[smem:$0x3FAD] =	sst s0;
	s0 =	simm.s32 @!p1 $0x0  }
0x14: {  	s2 =	sld [smem:$0x3F91];
	s0 =	simm.s32 @p1 $0x1  }
0x15: {  	[smem:$0x3FAE] =	sst s0;
	s0 =	simm.s32 @!p2 $0x0  }
0x16: {  	s3 =	sld [smem:$0x3FDB];
	s0 =	simm.s32 @p2 $0x1  }
0x17: {  	s4 =	simm.s32 $0x1BF5;
	[smem:$0x3FB0] =	sst s0  }
0x18: {  	s0 =	sld [smem:$0x3F93];
	_ =	swait.ge [sflag:s4], $0x0  }
0x19: {  	s7 =	sld [smem:$0x3F94]  }
0x1a: {  	s8 =	sadd.s32 $0xFFFFE003, lr  }
0x1b: {  	s9 =	sadd.s32 $0xFFFFFEF7, lr;
	s5 =	simm.s32 $0xFFFFFFFF;
	p2 =	slt.u32 s8, $0xFFFFF086  }
0x1c: {  	p1 =	slt.u32 s9, $0xF7A;
	s5 =	simm.s32 @!p2 $0x0  }
0x1d: {  	s5 =	simm.s32 @p1 $0x1;
	p0 =	seq.s32 s7, s2  }
0x1e: {  	s7 =	smul.u32 @!p0 $0xF7A, s2;
	p2 =	seq.s32 @!p0 s5, $0x0  }
0x1f: {  	s9 =	smul.u32 $0xF7A, s1;
	s8 =	simm.s32 @!p0 $0x1BF5;
	p2 =	por !p2, p0  }
0x20: {  	[sflag:s8] =	ssyncset.s32 @!p0 $0xFFFFF086;
	s6 =	sadd.s32 @!p0 s3, s7;
	s7 =	simm.s32 @!p0 $0x108  }
0x21: {  	s3 =	sadd.s32 s3, s9;
	s6 =	sadd.s32 @!p0 $0x88, s6;
	s7 =	simm.s32 @p2 $0x1082  }
0x22: {  	[simem:s7], [sflag:s8] =	dma.local @!p0 [hbm:s6], $0xF7A  }
0x23: {  	s9 =	sor.u32 $0xD0000000, s2;
	s6 =	simm.s32 $0x108;
	_ =	swait.ge @!p0 [sflag:s8], $0x0  }
0x24: {  	s3 =	sadd.s32 $0x88, s3;
	s6 =	simm.s32 @!p1 $0x1082;
	[sflag:s4] =	ssyncset.s32 $0xFFFFF086  }
0x25: {  	[simem:s6], [sflag:s4] =	dma.local [hbm:s3], $0xF7A  }
0x26: {  	[smem:$0x3F94] =	sst s1;
	(tag) =	ssettag s2;
	_ =	strace s9  }
0x27: {  	s1 =	sld [smem:$0x3FA4]  }
0x28: {  	s2 =	sld [smem:$0x3FA5]  }
0x29: {  	s4 =	sld [smem:$0x3FA7]  }
0x2a: {  	p0 =	seq.s32 s5, $0x0;
	s5 =	sld [smem:$0x3FA8]  }
0x2b: {  	s6 =	sld [smem:$0x3FA9]  }
0x2c: {  	s7 =	sld [smem:$0x3FAA]  }
0x2d: {  	s3 =	simm.s32 $0x108;
	s8 =	sld [smem:$0x3FAB]  }
0x2e: {  	s3 =	simm.s32 @!p0 $0x1082;
	s9 =	sld [smem:$0x3FAC]  }
0x2f: {  	lr =	sadd.s32 s0, s3;
	s0 =	sld [smem:$0x3FA3]  }
0x30: {  	s3 =	sld [smem:$0x3FA6]  }
0x31: {  	[smem:$0x3FAF] =	sst s10  }
0x32: {  	s10 =	sld [smem:$0x3FAD];
	_ =	sdelay $0x3  }
0x33: {  	p0 =	seq.s32 s10, $0x1;
	s10 =	sld [smem:$0x3FAF];
	_ =	sdelay $0x3  }
0x34: {  	[smem:$0x3FAF] =	sst s10  }
0x35: {  	s10 =	sld [smem:$0x3FAE];
	_ =	sdelay $0x3  }
0x36: {  	p1 =	seq.s32 s10, $0x1;
	s10 =	sld [smem:$0x3FAF];
	_ =	sdelay $0x3  }
0x37: {  	[smem:$0x3FAF] =	sst s10  }
0x38: {  	s10 =	sld [smem:$0x3FB0]  }
0x39: {  	_ = 	snop;
	(pc) =	sbr.ind lr, $3  }
0x3a: {  	_ = 	snop  }
0x3b: {  	_ = 	snop  }
0x3c: {  	p2 =	seq.s32 s10, $0x1;
	s10 =	sld [smem:$0x3FAF]  }
0x3d: {  	_ =	shalt  }
0x3e: {  	_ =	shalt  }
0x3f: {  	_ =	shalt  }
0x40: {  	_ =	shalt  }
0x41: {  	_ =	shalt  }
0x42: {  	_ =	shalt  }
0x43: {  	_ =	shalt  }
0x44: {  	_ =	shalt  }
0x45: {  	_ =	shalt  }
0x46: {  	_ =	shalt  }
0x47: {  	_ =	shalt  }
0x48: {  	_ =	shalt  }
0x49: {  	_ =	shalt  }
0x4a: {  	_ =	shalt  }
0x4b: {  	_ =	shalt  }
0x4c: {  	_ =	shalt  }
0x4d: {  	_ =	shalt  }
0x4e: {  	_ =	shalt  }
0x4f: {  	_ =	shalt  }
0x50: {  	_ =	shalt  }
0x51: {  	_ =	shalt  }
0x52: {  	_ =	shalt  }
0x53: {  	_ =	shalt  }
0x54: {  	_ =	shalt  }
0x55: {  	_ =	shalt  }
0x56: {  	_ =	shalt  }
0x57: {  	_ =	shalt  }
0x58: {  	_ =	shalt  }
0x59: {  	_ =	shalt  }
0x5a: {  	_ =	shalt  }
0x5b: {  	_ =	shalt  }
0x5c: {  	_ =	shalt  }
0x5d: {  	_ =	shalt  }
0x5e: {  	_ =	shalt  }
0x5f: {  	_ =	shalt  }
0x60: {  	_ =	shalt  }
0x61: {  	_ =	shalt  }
0x62: {  	_ =	shalt  }
0x63: {  	_ =	shalt  }
0x64: {  	_ =	shalt  }
0x65: {  	_ =	shalt  }
0x66: {  	_ =	shalt  }
0x67: {  	_ =	shalt  }
0x68: {  	_ =	shalt  }
0x69: {  	_ =	shalt  }
0x6a: {  	_ =	shalt  }
0x6b: {  	_ =	shalt  }
0x6c: {  	_ =	shalt  }
0x6d: {  	_ =	shalt  }
0x6e: {  	_ =	shalt  }
0x6f: {  	_ =	shalt  }
0x70: {  	_ =	shalt  }
0x71: {  	_ =	shalt  }
0x72: {  	_ =	shalt  }
0x73: {  	_ =	shalt  }
0x74: {  	_ =	shalt  }
0x75: {  	_ =	shalt  }
0x76: {  	_ =	shalt  }
0x77: {  	_ =	shalt  }
0x78: {  	_ =	shalt  }
0x79: {  	_ =	shalt  }
0x7a: {  	_ =	shalt  }
0x7b: {  	_ =	shalt  }
0x7c: {  	_ =	shalt  }
0x7d: {  	_ =	shalt  }
0x7e: {  	_ =	shalt  }
0x7f: {  	_ =	shalt  }
0x80: {  	_ =	shalt  }
0x81: {  	_ =	shalt  }
0x82: {  	_ =	shalt  }
0x83: {  	_ =	shalt  }
0x84: {  	_ =	shalt  }
0x85: {  	_ =	shalt  }
0x86: {  	_ =	shalt  }
0x87: {  	_ =	shalt  }
.Lfunc_end0:
.L_simem_size_0:
called_computation.2_lowered:
.L_overlay_start_0:
0x88: {  	s2 =	sld [smem:$0x3FD9]  }
0x89: {  	s3 =	sld [smem:$0x3FFE];
	_ =	sdelay $0x1  }
0x8a: {  	s1 =	srdreg.scid  }
0x8b: {  	s0 =	sand.u32 $0x1, s1  }
0x8c: {  	s16 =	sshll.u32 s0, $0xA;
	s2 =	sadd.s32 s3, s2  }
0x8d: {  	s2 =	sadd.s32 s2, s16  }
0x8e: {  	[smem:$0x3FBB] =	sst s2  }
0x8f: {  	_ = 	snop  }
0x90: {  	(tm) =	ssettm $0x1  }
0x91: {  	s17 =	sld [smem:$0x3FFB];
	_ =	sdelay $0x3  }
0x92: {  	_ =	strace s17  }
0x93: {  	s2 =	sld [smem:$0x3FFC];
	_ =	sdelay $0x3  }
0x94: {  	_ =	strace s2  }
0x95: {  	s2 =	sld [smem:$0x3FFD];
	_ =	sdelay $0x3  }
0x96: {  	_ =	strace s2  }
0x97: {  	_ =	strace $0x8FFFFFFF  }
0x98: {  	s18 =	sld [smem:$0x3FDB];
	_ =	sdelay $0x1  }
0x99: {  	s19 =	simm.s32 $_scs_section_size  }
0x9a: {  	s4 =	simm.s32 $_size__tile_overlayer_lowered;
	s5 =	simm.s32 $_tile_overlayer_lowered  }
0x9b: {  	s22 =	simm.s32 $0x1BFF;
	s21 =	sshll.u32 s5, $0x1;
	s2 =	sadd.s32 s19, s18  }
0x9c: {  	s6 =	simm.s32 $0x0;
	s20 =	sshll.u32 s4, $0x1;
	s4 =	sadd.s32 s21, s2  }
0x9d: {  	[timem:s6], [sflag:s22] =	dma.local [hbm:s4], s20  }
0x9e: {  	_ =	swait.ge [sflag:s22], s20  }
0x9f: {  	s3 =	ssub.s32 $0x0, s20;
	[sflag:s22] =	ssyncset.done $0x0  }
0xa0: {  	[sflag:s22] =	ssyncadd.s32 s3;
	_ =	sdelay $0x1  }
0xa1: {  	s23 =	simm.s32 $0x1B8B  }
0xa2: {  	_ =	swait.ge [sflag:s23], $0x1  }
0xa3: {  	[sflag:s23] =	ssyncset.done $0x0  }
0xa4: {  	s25 =	simm.s32 $0x1B8E;
	s24 =	sld [smem:$0x3FFE];
	[sflag:s23] =	ssyncadd.s32 $0xFFFFFFFF  }
0xa5: {  	s26 =	simm.s32 $execute0_lowered;
	[smem:$0x3FD2] =	sst s25  }
0xa6: {  	s4 =	sshll.u32 s26, $0x1;
	_ =	strace $0x8000004C;
	[dreg:$0x1] =	wrdreg $0xFFFFFFFF  }
0xa7: {  	s28 =	simm.s32 $_size_execute0_lowered;
	s2 =	sadd.s32 s2, s4;
	[dreg:$0x0] =	wrdreg $0x0  }
0xa8: {  	s4 =	sshll.u32 s28, $0x1;
	[dreg:$0x2] =	wrdreg s2  }
0xa9: {  	[dreg:$0x3] =	wrdreg s4  }
0xaa: {  	[dreg:$0x4] =	wrdreg $0xC0  }
0xab: {  	_ =	task [dreg:s6], $0x5FFFF  }
0xac: {  	[dreg:$0x1] =	wrdreg $0xFFFFFFFF  }
0xad: {  	[dreg:$0x0] =	wrdreg $0x60  }
0xae: {  	[dreg:$0x2] =	wrdreg s24  }
0xaf: {  	[dreg:$0x3] =	wrdreg $0x84000  }
0xb0: {  	[dreg:$0x4] =	wrdreg $0x9  }
0xb1: {  	_ =	task.clear_ibuf [dreg:s6], $0x5FFFF;
	_ =	strace $0x9000004C  }
0xb2: {  	s29 =	simm.s32 $0x9;
	_ =	strace $0x8000004E  }
0xb3: {  	_ =	swait.ge [sflag:s29], $0x1  }
0xb4: {  	[sflag:s29] =	ssyncadd.s32 $0xFFFFFFFF  }
0xb5: {  	_ =	strace $0x9000004E  }
0xb6: {  	_ =	sfence  }
0xb7: {  	s30 =	sld [smem:$0x0];
	_ =	sdelay $0x2  }
0xb8: {  	s31 =	sshll.u32 s1, $0xD;
	s1 =	sshrl.u32 s1, $0x2  }
0xb9: {  	s3 =	sand.u32 $0x4000, s31;
	s1 =	sadd.s32 s1, s30  }
0xba: {  	s0 =	sor.u32 s3, s0;
	s1 =	sshll.u32 s1, $0x11  }
0xbb: {  	s0 =	sor.u32 s1, s0  }
0xbc: {  	s0 =	sadd.s32 $0x8F2B, s0  }
0xbd: {  	[sflag:s0] =	ssyncadd.remote.s32 $0x1  }
0xbe: {  	_ =	sfence.sel $0xFFFF  }
0xbf: {  	[dreg:$0x0] =	wrdreg $0xFFFFFFFF;
	(pc) =	sbr.abs _section_cstart, $3  }
0xc0: {  	[dreg:$0x1] =	wrdreg $0xFFFFFFFF  }
0xc1: {  	_ =	task.clear_ibuf [dreg:s6], $0x2FFFF;
	_ =	strace $0x9FFFFFFF  }
0xc2: {  	(tm) =	ssettm $0x7FFFFFFF  }
0xc3: {  	_ =	shalt  }
tec
execute0_lowered:
.L_overlay_start_1:
0x0: {  	(tag) =	ssettag $0x1  }
0x1: {  	s6 =	rddreg [dreg:$0x0]  }
0x2: {  	s2 =	rddreg [dreg:$0x1]  }
0x3: {  	s0 =	rddreg [dreg:$0x2];
	s1 =	stileid.u32;
	s3 =	simm.s32 $0x0  }
0x4: {  	s4 =	srdreg.scid;
	s15 =	simm.s32 $0x5;
	s16 =	simm.s32 $0x200  }
0x5: {  	s17 =	simm.s32 $0x80;
	s18 =	simm.s32 $0x400;
	s5 =	smul.u32 $0xA, s1  }
0x6: {  	s19 =	simm.s32 $0x4400;
	s7 =	sand.u32 $0x1, s4;
	s4 =	smul.u32 $0x96, s1  }
0x7: {  	s20 =	simm.s32 $0x0;
	[smem:$0x7FF] =	sst s3;
	s9 =	smul.u32 $0x14000, s1  }
0x8: {  	s28 =	smul.u32 $0x50000, s1;
	s31 =	sshll.u32 s1, $0x6;
	p0 =	seq.s32 s7, $0x0  }
0x9: {  	s8 =	smul.u32 $0x140000, s7;
	_ =	strace $0x8000004D;
	s7 =	ssub.s32 $0x2, s7  }
0xa: {  	[dreg:$0x3] =	wrdreg s19;
	s19 =	simm.s32 $0x1;
	s5 =	sadd.s32 $0x960, s5  }
0xb: {  	s29 =	sshrl.u32 s7, $0x1;
	s30 =	sshrl.u32 s28, $0x2;
	s5 =	smov.u32 @p0 s4  }
0xc: {  	s4 =	sadd.s32 $0x1A800, s6;
	s26 =	sadd.s32 s9, s8;
	s11 =	ssub.s32 s7, s29  }
0xd: {  	s14 =	sadd.s32 s30, s2;
	s7 =	sor.u32 $0x1C05, s31;
	s5 =	sshll.u32 s5, $0x4  }
0xe: {  	s8 =	sshrl.u32 s26, $0x3;
	s11 =	smax.u32 s11, $0x1;
	s13 =	sadd.s32 s5, s6  }
0xf: {  	s5 =	sadd.s32 $0x18000, s6;
	s10 =	sadd.s32 s8, s6;
	s6 =	simm.s32 $0x4B  }
0x10: {  	s14 =	sshrl.u32 s14, $0x3;
	s6 =	simm.s32 @!p0 $0x5;
	s8 =	sadd.s32 $0x3800, s13  }
0x11: {  	s9 =	sadd.s32 $0xD800, s13;
	s10 =	sadd.s32 $0x42800, s10;
	s12 =	sshll.u32 s6, $0x1  }
0x12: {  	[dreg:$0x4] =	wrdreg s12;
	s12 =	sadd.s32 $0xD820, s13;
	s13 =	sadd.s32 $0x3820, s13  }
.LBB2_1:
0x13: {  	[spmem:s14], [sflag:s7] =	dma.local [hbm:s5], $0x2800  }
0x14: {  	_ =	swait.ge [sflag:s15], $0x2800  }
0x15: {  	[sflag:s15] =	ssyncset.done $0x0  }
0x16: {  	[sflag:s15] =	ssyncadd.s32 $0xFFFFD800  }
0x17: {  	[tilespmem:s3], [sflag:$0x5] =	stream.linear.gather [hbm4b:s8+s3], $0x100, $0x38;
	[tilespmem:$0x1C400] =	vst v63  }
0x18: {  	_ =	swait.ge [sflag:s15], $0x100  }
0x19: {  	[sflag:s15] =	ssyncset.done $0x0  }
0x1a: {  	[sflag:s15] =	ssyncadd.s32 $0xFFFFFF00  }
0x1b: {  	[tilespmem:s16], [sflag:$0x5] =	stream.linear.gather [hbm4b:s9+s3], $0x100, $0x38;
	[tilespmem:$0x1C400] =	vst v63  }
0x1c: {  	_ =	swait.ge [sflag:s15], $0x100  }
0x1d: {  	[sflag:s15] =	ssyncset.done $0x0  }
0x1e: {  	s21 =	smov.u32 s13;
	s22 =	smov.u32 s12;
	[sflag:s15] =	ssyncadd.s32 $0xFFFFFF00  }
0x1f: {  	s23 =	simm.s32 $0x1;
	s24 =	simm.s32 $0x0;
	[bflag:$0x0] =	sbarrier.arrive $0xFFFF  }
0x20: {  	[tilespmem:s18], [sflag:$0x1] =	stream.indirect.gather [hbm4b:s4+s17], $0x80, s3, s17, $0xb8;
	[tilespmem:$0x1C400] =	vst v63  }
.LBB2_2:
0x21: {  	s25 =	sand.u32 $0x2, s24  }
0x22: {  	p0 =	sge.u32 s23, s6;
	s26 =	sxor.u32 $0x2, s25  }
0x23: {  	s28 =	simm.s32 @!p0 $0x0;
	s26 =	sshll.u32 @!p0 s26, $0x7  }
0x24: {  	[tilespmem:s26], [sflag:$0x3] =	stream.linear.gather @!p0 [hbm4b:s21+s28], $0x100, $0x38;
	[tilespmem:$0x1C400] =	vst v63  }
0x25: {  	s25 =	sshll.u32 s25, $0x7;
	s29 =	sor.u32 @!p0 $0x200, s26  }
0x26: {  	[tilespmem:s29], [sflag:$0x4] =	stream.linear.gather @!p0 [hbm4b:s22+s28], $0x100, $0x38;
	[tilespmem:$0x1C400] =	vst v63  }
0x27: {  	s30 =	rddreg [dreg:$0x3];
	s29 =	sor.u32 $0x80, s25  }
0x28: {  	[tilespmem:s30], [sflag:$0x2] =	stream.indirect.gather [hbm4b:s4+s17], $0x80, s29, s17, $0xb8;
	[tilespmem:$0x1C400] =	vst v63  }
0x29: {  	_ =	swait.ge [sflag:s19], $0x4000  }
0x2a: {  	[sflag:s19] =	ssyncset.done $0x0  }
0x2b: {  	s25 =	sor.u32 $0x200, s25;
	[sflag:s19] =	ssyncadd.s32 $0xFFFFC000  }
0x2c: {  	[spmem:s2] =	stream.indirect.scatter.add.f32 [tilespmem:s18], [sflag:$0x5], $0x80, s25, s17, $0xb8;
	[tilespmem:$0x1C400] =	vst v63  }
0x2d: {  	_ =	swait.ge [sflag:s15], $0x4000  }
0x2e: {  	[sflag:s15] =	ssyncset.done $0x0  }
0x2f: {  	s25 =	simm.s32 @p0 $0x2;
	[sflag:s15] =	ssyncadd.s32 $0xFFFFC000  }
0x30: {  	_ =	swait.ge @p0 [sflag:s25], $0x4000  }
0x31: {  	s28 =	simm.s32 @p0 $0x80;
	[sflag:s25] =	ssyncset.done @p0 $0x0  }
0x32: {  	s30 =	simm.s32 @p0 $0x4400;
	[sflag:s25] =	ssyncadd.s32 @p0 $0xFFFFC000;
	s25 =	sor.u32 @p0 $0x200, s29  }
0x33: {  	[spmem:s2] =	stream.indirect.scatter.add.f32 @p0 [tilespmem:s30], [sflag:$0x5], $0x80, s25, s28, $0xb8;
	[tilespmem:$0x1C400] =	vst v63  }
0x34: {  	s25 =	simm.s32 @p0 $0x5  }
0x35: {  	_ =	swait.ge @p0 [sflag:s25], $0x4000  }
0x36: {  	[sflag:s25] =	ssyncset.done @p0 $0x0  }
0x37: {  	[sflag:s25] =	ssyncadd.s32 @p0 $0xFFFFC000;
	s25 =	simm.s32 @!p0 $0x3  }
0x38: {  	_ =	swait.ge @!p0 [sflag:s25], $0x100  }
0x39: {  	[sflag:s25] =	ssyncset.done @!p0 $0x0  }
0x3a: {  	s28 =	simm.s32 @!p0 $0x400;
	[sflag:s25] =	ssyncadd.s32 @!p0 $0xFFFFFF00;
	s25 =	simm.s32 @!p0 $0x80  }
0x3b: {  	[tilespmem:s28], [sflag:$0x1] =	stream.indirect.gather @!p0 [hbm4b:s4+s25], $0x80, s26, s25, $0xb8;
	[tilespmem:$0x1C400] =	vst v63  }
0x3c: {  	s26 =	simm.s32 @!p0 $0x2  }
0x3d: {  	_ =	swait.ge @!p0 [sflag:s26], $0x4000  }
0x3e: {  	[sflag:s26] =	ssyncset.done @!p0 $0x0  }
0x3f: {  	s28 =	simm.s32 @!p0 $0x4400;
	[sflag:s26] =	ssyncadd.s32 @!p0 $0xFFFFC000;
	s26 =	sor.u32 @!p0 $0x200, s29  }
0x40: {  	[spmem:s2] =	stream.indirect.scatter.add.f32 @!p0 [tilespmem:s28], [sflag:$0x5], $0x80, s26, s25, $0xb8;
	[tilespmem:$0x1C400] =	vst v63  }
0x41: {  	s25 =	simm.s32 @!p0 $0x5  }
0x42: {  	_ =	swait.ge @!p0 [sflag:s25], $0x4000  }
0x43: {  	[sflag:s25] =	ssyncset.done @!p0 $0x0  }
0x44: {  	[sflag:s25] =	ssyncadd.s32 @!p0 $0xFFFFC000;
	s25 =	simm.s32 @!p0 $0x4  }
0x45: {  	_ =	swait.ge @!p0 [sflag:s25], $0x100  }
0x46: {  	s24 =	sadd.s32 $0x2, s24;
	s31 =	rddreg [dreg:$0x4];
	[sflag:s25] =	ssyncset.done @!p0 $0x0  }
0x47: {  	[sflag:s25] =	ssyncadd.s32 @!p0 $0xFFFFFF00;
	p0 =	sne.s32 s31, s24  }
.Ltmp0:
0x48: {  	_ = 	snop;
	(pc) =	sbr.rel @p0 .LBB2_2-.Ltmp0, $2  }
0x49: {  	_ =	sdelay $0x2  }
0x4a: {  	s23 =	sadd.s32 $0x1, s23;
	s21 =	sadd.s32 $0x20, s21;
	s22 =	sadd.s32 $0x20, s22  }
0x4b: {  	s20 =	sadd.s32 $0x1, s20  }
0x4c: {  	p0 =	sne.s32 s20, s11  }
.Ltmp1:
0x4d: {  	[bflag:$0x0] =	sbarrier.arrive $0xFFFF;
	(pc) =	sbr.rel @p0 .LBB2_1-.Ltmp1, $4  }
0x4e: {  	[hbm:s10], [sflag:s7] =	dma.local [spmem:s14], $0x2800  }
0x4f: {  	_ =	swait.ge [sflag:s15], $0x2800  }
0x50: {  	[sflag:s15] =	ssyncset.done $0x0  }
0x51: {  	[sflag:s15] =	ssyncadd.s32 $0xFFFFD800  }
0x52: {  	_ =	sfence.sel $0x180000  }
0x53: {  	[bflag:$0x0] =	sbarrier.arrive $0xFFFF  }
0x54: {  	p0 =	sne.s32 s1, $0x0;
	_ =	strace $0x9000004D  }
0x55: {  	s0 =	sadd.s32 @!p0 $0x100000, s0;
	[bflag:$0x2] =	sbarrier.arrive $0xFFFF  }
0x56: {  	[sflag:s0] =	ssyncadd.tile.s32 @!p0 $0x1;
	_ =	shalt  }
.Lfunc_end2:
_tile_overlayer_lowered:
.L_overlay_start_2:
0x57: {  	(tag) =	ssettag $0x2  }
0x58: {  	s0 =	rddreg [dreg:$0x0];
	s2 =	stileid.u32  }
0x59: {  	s1 =	rddreg [dreg:$0x1];
	p0 =	sne.s32 s2, $0x0  }
0x5a: {  	s3 =	rddreg [dreg:$0x2];
	[bflag:$0x3] =	sbarrier.arrive $0xFFFF;
	s2 =	simm.s32 @!p0 $0x1C05  }
0x5b: {  	[timem:s3], [sflag:s2] =	dma.local @!p0 [hbm:s0], s1  }
0x5c: {  	s0 =	simm.s32 @!p0 $0x5  }
0x5d: {  	_ =	swait.ge @!p0 [sflag:s0], s1  }
0x5e: {  	s1 =	ssub.s32 @!p0 $0x0, s1;
	[sflag:s0] =	ssyncset.done @!p0 $0x0  }
0x5f: {  	[sflag:s0] =	ssyncadd.s32 @!p0 s1  }
0x60: {  	[bflag:$0x3] =	sbarrier.arrive $0xFFFF  }
0x61: {  	_ =	shalt  }

// kernel: kernel.19.cloned.1.call-start
scs
__scs_entry_jumppad:
0x0: {  	(pc) =	sbr.rel $0x88, $3  }
0x1: {  	(tag) =	ssettag $0x0;
	lr =	simm.s32 $0x1  }
0x2: {  	[smem:$0x3F94] =	sst lr;
	_ =	strace $0xD0000000  }
0x3: {  	_ = 	snop  }
0x4: {  	_ = 	snop  }
0x5: {  	_ = 	snop  }
0x6: {  	_ = 	snop  }
0x7: {  	_ = 	snop  }
__scs_overlays_trampoline_lowered:
0x8: {  	[smem:$0x3FA3] =	sst s0  }
0x9: {  	[smem:$0x3FA4] =	sst s1  }
0xa: {  	[smem:$0x3FA5] =	sst s2  }
0xb: {  	[smem:$0x3FA6] =	sst s3  }
0xc: {  	[smem:$0x3FA7] =	sst s4  }
0xd: {  	[smem:$0x3FA8] =	sst s5  }
0xe: {  	[smem:$0x3FA9] =	sst s6  }
0xf: {  	[smem:$0x3FAA] =	sst s7  }
0x10: {  	[smem:$0x3FAB] =	sst s8  }
0x11: {  	[smem:$0x3FAC] =	sst s9;
	s0 =	simm.s32 @!p0 $0x0  }
0x12: {  	s1 =	sld [smem:$0x3F92];
	s0 =	simm.s32 @p0 $0x1  }
0x13: {  	[smem:$0x3FAD] =	sst s0;
	s0 =	simm.s32 @!p1 $0x0  }
0x14: {  	s2 =	sld [smem:$0x3F91];
	s0 =	simm.s32 @p1 $0x1  }
0x15: {  	[smem:$0x3FAE] =	sst s0;
	s0 =	simm.s32 @!p2 $0x0  }
0x16: {  	s3 =	sld [smem:$0x3FDB];
	s0 =	simm.s32 @p2 $0x1  }
0x17: {  	s4 =	simm.s32 $0x1BF5;
	[smem:$0x3FB0] =	sst s0  }
0x18: {  	s0 =	sld [smem:$0x3F93];
	_ =	swait.ge [sflag:s4], $0x0  }
0x19: {  	s7 =	sld [smem:$0x3F94]  }
0x1a: {  	s8 =	sadd.s32 $0xFFFFE003, lr  }
0x1b: {  	s9 =	sadd.s32 $0xFFFFFEF7, lr;
	s5 =	simm.s32 $0xFFFFFFFF;
	p2 =	slt.u32 s8, $0xFFFFF086  }
0x1c: {  	p1 =	slt.u32 s9, $0xF7A;
	s5 =	simm.s32 @!p2 $0x0  }
0x1d: {  	s5 =	simm.s32 @p1 $0x1;
	p0 =	seq.s32 s7, s2  }
0x1e: {  	s7 =	smul.u32 @!p0 $0xF7A, s2;
	p2 =	seq.s32 @!p0 s5, $0x0  }
0x1f: {  	s9 =	smul.u32 $0xF7A, s1;
	s8 =	simm.s32 @!p0 $0x1BF5;
	p2 =	por !p2, p0  }
0x20: {  	[sflag:s8] =	ssyncset.s32 @!p0 $0xFFFFF086;
	s6 =	sadd.s32 @!p0 s3, s7;
	s7 =	simm.s32 @!p0 $0x108  }
0x21: {  	s3 =	sadd.s32 s3, s9;
	s6 =	sadd.s32 @!p0 $0x88, s6;
	s7 =	simm.s32 @p2 $0x1082  }
0x22: {  	[simem:s7], [sflag:s8] =	dma.local @!p0 [hbm:s6], $0xF7A  }
0x23: {  	s9 =	sor.u32 $0xD0000000, s2;
	s6 =	simm.s32 $0x108;
	_ =	swait.ge @!p0 [sflag:s8], $0x0  }
0x24: {  	s3 =	sadd.s32 $0x88, s3;
	s6 =	simm.s32 @!p1 $0x1082;
	[sflag:s4] =	ssyncset.s32 $0xFFFFF086  }
0x25: {  	[simem:s6], [sflag:s4] =	dma.local [hbm:s3], $0xF7A  }
0x26: {  	[smem:$0x3F94] =	sst s1;
	(tag) =	ssettag s2;
	_ =	strace s9  }
0x27: {  	s1 =	sld [smem:$0x3FA4]  }
0x28: {  	s2 =	sld [smem:$0x3FA5]  }
0x29: {  	s4 =	sld [smem:$0x3FA7]  }
0x2a: {  	p0 =	seq.s32 s5, $0x0;
	s5 =	sld [smem:$0x3FA8]  }
0x2b: {  	s6 =	sld [smem:$0x3FA9]  }
0x2c: {  	s7 =	sld [smem:$0x3FAA]  }
0x2d: {  	s3 =	simm.s32 $0x108;
	s8 =	sld [smem:$0x3FAB]  }
0x2e: {  	s3 =	simm.s32 @!p0 $0x1082;
	s9 =	sld [smem:$0x3FAC]  }
0x2f: {  	lr =	sadd.s32 s0, s3;
	s0 =	sld [smem:$0x3FA3]  }
0x30: {  	s3 =	sld [smem:$0x3FA6]  }
0x31: {  	[smem:$0x3FAF] =	sst s10  }
0x32: {  	s10 =	sld [smem:$0x3FAD];
	_ =	sdelay $0x3  }
0x33: {  	p0 =	seq.s32 s10, $0x1;
	s10 =	sld [smem:$0x3FAF];
	_ =	sdelay $0x3  }
0x34: {  	[smem:$0x3FAF] =	sst s10  }
0x35: {  	s10 =	sld [smem:$0x3FAE];
	_ =	sdelay $0x3  }
0x36: {  	p1 =	seq.s32 s10, $0x1;
	s10 =	sld [smem:$0x3FAF];
	_ =	sdelay $0x3  }
0x37: {  	[smem:$0x3FAF] =	sst s10  }
0x38: {  	s10 =	sld [smem:$0x3FB0]  }
0x39: {  	_ = 	snop;
	(pc) =	sbr.ind lr, $3  }
0x3a: {  	_ = 	snop  }
0x3b: {  	_ = 	snop  }
0x3c: {  	p2 =	seq.s32 s10, $0x1;
	s10 =	sld [smem:$0x3FAF]  }
0x3d: {  	_ =	shalt  }
0x3e: {  	_ =	shalt  }
0x3f: {  	_ =	shalt  }
0x40: {  	_ =	shalt  }
0x41: {  	_ =	shalt  }
0x42: {  	_ =	shalt  }
0x43: {  	_ =	shalt  }
0x44: {  	_ =	shalt  }
0x45: {  	_ =	shalt  }
0x46: {  	_ =	shalt  }
0x47: {  	_ =	shalt  }
0x48: {  	_ =	shalt  }
0x49: {  	_ =	shalt  }
0x4a: {  	_ =	shalt  }
0x4b: {  	_ =	shalt  }
0x4c: {  	_ =	shalt  }
0x4d: {  	_ =	shalt  }
0x4e: {  	_ =	shalt  }
0x4f: {  	_ =	shalt  }
0x50: {  	_ =	shalt  }
0x51: {  	_ =	shalt  }
0x52: {  	_ =	shalt  }
0x53: {  	_ =	shalt  }
0x54: {  	_ =	shalt  }
0x55: {  	_ =	shalt  }
0x56: {  	_ =	shalt  }
0x57: {  	_ =	shalt  }
0x58: {  	_ =	shalt  }
0x59: {  	_ =	shalt  }
0x5a: {  	_ =	shalt  }
0x5b: {  	_ =	shalt  }
0x5c: {  	_ =	shalt  }
0x5d: {  	_ =	shalt  }
0x5e: {  	_ =	shalt  }
0x5f: {  	_ =	shalt  }
0x60: {  	_ =	shalt  }
0x61: {  	_ =	shalt  }
0x62: {  	_ =	shalt  }
0x63: {  	_ =	shalt  }
0x64: {  	_ =	shalt  }
0x65: {  	_ =	shalt  }
0x66: {  	_ =	shalt  }
0x67: {  	_ =	shalt  }
0x68: {  	_ =	shalt  }
0x69: {  	_ =	shalt  }
0x6a: {  	_ =	shalt  }
0x6b: {  	_ =	shalt  }
0x6c: {  	_ =	shalt  }
0x6d: {  	_ =	shalt  }
0x6e: {  	_ =	shalt  }
0x6f: {  	_ =	shalt  }
0x70: {  	_ =	shalt  }
0x71: {  	_ =	shalt  }
0x72: {  	_ =	shalt  }
0x73: {  	_ =	shalt  }
0x74: {  	_ =	shalt  }
0x75: {  	_ =	shalt  }
0x76: {  	_ =	shalt  }
0x77: {  	_ =	shalt  }
0x78: {  	_ =	shalt  }
0x79: {  	_ =	shalt  }
0x7a: {  	_ =	shalt  }
0x7b: {  	_ =	shalt  }
0x7c: {  	_ =	shalt  }
0x7d: {  	_ =	shalt  }
0x7e: {  	_ =	shalt  }
0x7f: {  	_ =	shalt  }
0x80: {  	_ =	shalt  }
0x81: {  	_ =	shalt  }
0x82: {  	_ =	shalt  }
0x83: {  	_ =	shalt  }
0x84: {  	_ =	shalt  }
0x85: {  	_ =	shalt  }
0x86: {  	_ =	shalt  }
0x87: {  	_ =	shalt  }
.Lfunc_end0:
.L_simem_size_0:
called_computation.3_lowered:
.L_overlay_start_0:
0x88: {  	s2 =	sld [smem:$0x3FD9]  }
0x89: {  	s3 =	sld [smem:$0x3FFE];
	_ =	sdelay $0x1  }
0x8a: {  	s1 =	srdreg.scid  }
0x8b: {  	s0 =	sand.u32 $0x1, s1  }
0x8c: {  	s16 =	sshll.u32 s0, $0xA;
	s2 =	sadd.s32 s3, s2  }
0x8d: {  	s2 =	sadd.s32 s2, s16  }
0x8e: {  	[smem:$0x3FBB] =	sst s2  }
0x8f: {  	_ = 	snop  }
0x90: {  	(tm) =	ssettm $0x1  }
0x91: {  	s17 =	sld [smem:$0x3FFB];
	_ =	sdelay $0x3  }
0x92: {  	_ =	strace s17  }
0x93: {  	s2 =	sld [smem:$0x3FFC];
	_ =	sdelay $0x3  }
0x94: {  	_ =	strace s2  }
0x95: {  	s2 =	sld [smem:$0x3FFD];
	_ =	sdelay $0x3  }
0x96: {  	_ =	strace s2  }
0x97: {  	_ =	strace $0x8FFFFFFF  }
0x98: {  	s18 =	sld [smem:$0x3FDB];
	_ =	sdelay $0x1  }
0x99: {  	s19 =	simm.s32 $_scs_section_size  }
0x9a: {  	s4 =	simm.s32 $_size__tile_overlayer_lowered;
	s5 =	simm.s32 $_tile_overlayer_lowered  }
0x9b: {  	s22 =	simm.s32 $0x1BFF;
	s21 =	sshll.u32 s5, $0x1;
	s2 =	sadd.s32 s19, s18  }
0x9c: {  	s6 =	simm.s32 $0x0;
	s20 =	sshll.u32 s4, $0x1;
	s4 =	sadd.s32 s21, s2  }
0x9d: {  	[timem:s6], [sflag:s22] =	dma.local [hbm:s4], s20  }
0x9e: {  	_ =	swait.ge [sflag:s22], s20  }
0x9f: {  	s3 =	ssub.s32 $0x0, s20;
	[sflag:s22] =	ssyncset.done $0x0  }
0xa0: {  	[sflag:s22] =	ssyncadd.s32 s3;
	_ =	sdelay $0x1  }
0xa1: {  	s23 =	simm.s32 $0x1B8B  }
0xa2: {  	_ =	swait.ge [sflag:s23], $0x1  }
0xa3: {  	[sflag:s23] =	ssyncset.done $0x0  }
0xa4: {  	s25 =	simm.s32 $0x1B8E;
	s24 =	sld [smem:$0x3FFE];
	[sflag:s23] =	ssyncadd.s32 $0xFFFFFFFF  }
0xa5: {  	s26 =	simm.s32 $execute0_lowered;
	[smem:$0x3FD2] =	sst s25  }
0xa6: {  	s4 =	sshll.u32 s26, $0x1;
	_ =	strace $0x8000004F;
	[dreg:$0x1] =	wrdreg $0xFFFFFFFF  }
0xa7: {  	s28 =	simm.s32 $_size_execute0_lowered;
	s2 =	sadd.s32 s2, s4;
	[dreg:$0x0] =	wrdreg $0x0  }
0xa8: {  	s4 =	sshll.u32 s28, $0x1;
	[dreg:$0x2] =	wrdreg s2  }
0xa9: {  	[dreg:$0x3] =	wrdreg s4  }
0xaa: {  	[dreg:$0x4] =	wrdreg $0xC0  }
0xab: {  	_ =	task [dreg:s6], $0x5FFFF  }
0xac: {  	[dreg:$0x1] =	wrdreg $0xFFFFFFFF  }
0xad: {  	[dreg:$0x0] =	wrdreg $0x60  }
0xae: {  	[dreg:$0x2] =	wrdreg s24  }
0xaf: {  	[dreg:$0x3] =	wrdreg $0x84000  }
0xb0: {  	[dreg:$0x4] =	wrdreg $0x9  }
0xb1: {  	_ =	task.clear_ibuf [dreg:s6], $0x5FFFF;
	_ =	strace $0x9000004F  }
0xb2: {  	s29 =	simm.s32 $0x9;
	_ =	strace $0x80000051  }
0xb3: {  	_ =	swait.ge [sflag:s29], $0x1  }
0xb4: {  	[sflag:s29] =	ssyncadd.s32 $0xFFFFFFFF  }
0xb5: {  	_ =	strace $0x90000051  }
0xb6: {  	_ =	sfence  }
0xb7: {  	s30 =	sld [smem:$0x0];
	_ =	sdelay $0x2  }
0xb8: {  	s31 =	sshll.u32 s1, $0xD;
	s1 =	sshrl.u32 s1, $0x2  }
0xb9: {  	s3 =	sand.u32 $0x4000, s31;
	s1 =	sadd.s32 s1, s30  }
0xba: {  	s0 =	sor.u32 s3, s0;
	s1 =	sshll.u32 s1, $0x11  }
0xbb: {  	s0 =	sor.u32 s1, s0  }
0xbc: {  	s0 =	sadd.s32 $0x8F2B, s0  }
0xbd: {  	[sflag:s0] =	ssyncadd.remote.s32 $0x1  }
0xbe: {  	_ =	sfence.sel $0xFFFF  }
0xbf: {  	[dreg:$0x0] =	wrdreg $0xFFFFFFFF;
	(pc) =	sbr.abs _section_cstart, $3  }
0xc0: {  	[dreg:$0x1] =	wrdreg $0xFFFFFFFF  }
0xc1: {  	_ =	task.clear_ibuf [dreg:s6], $0x2FFFF;
	_ =	strace $0x9FFFFFFF  }
0xc2: {  	(tm) =	ssettm $0x7FFFFFFF  }
0xc3: {  	_ =	shalt  }
tec
execute0_lowered:
.L_overlay_start_1:
0x0: {  	(tag) =	ssettag $0x1  }
0x1: {  	s6 =	rddreg [dreg:$0x0]  }
0x2: {  	s2 =	rddreg [dreg:$0x1]  }
0x3: {  	s0 =	rddreg [dreg:$0x2];
	s1 =	stileid.u32;
	s3 =	simm.s32 $0x0  }
0x4: {  	s4 =	srdreg.scid;
	s15 =	simm.s32 $0x5;
	s16 =	simm.s32 $0x200  }
0x5: {  	s17 =	simm.s32 $0x80;
	s18 =	simm.s32 $0x400;
	s5 =	smul.u32 $0xA, s1  }
0x6: {  	s19 =	simm.s32 $0x4400;
	s7 =	sand.u32 $0x1, s4;
	s4 =	smul.u32 $0x96, s1  }
0x7: {  	s20 =	simm.s32 $0x0;
	[smem:$0x7FF] =	sst s3;
	s9 =	smul.u32 $0x14000, s1  }
0x8: {  	s28 =	smul.u32 $0x50000, s1;
	s31 =	sshll.u32 s1, $0x6;
	p0 =	seq.s32 s7, $0x0  }
0x9: {  	s8 =	smul.u32 $0x140000, s7;
	_ =	strace $0x80000050;
	s7 =	ssub.s32 $0x2, s7  }
0xa: {  	[dreg:$0x3] =	wrdreg s19;
	s19 =	simm.s32 $0x1;
	s5 =	sadd.s32 $0x960, s5  }
0xb: {  	s29 =	sshrl.u32 s7, $0x1;
	s30 =	sshrl.u32 s28, $0x2;
	s5 =	smov.u32 @p0 s4  }
0xc: {  	s4 =	sadd.s32 $0x1A800, s6;
	s26 =	sadd.s32 s9, s8;
	s11 =	ssub.s32 s7, s29  }
0xd: {  	s14 =	sadd.s32 s30, s2;
	s7 =	sor.u32 $0x1C05, s31;
	s5 =	sshll.u32 s5, $0x4  }
0xe: {  	s8 =	sshrl.u32 s26, $0x3;
	s11 =	smax.u32 s11, $0x1;
	s13 =	sadd.s32 s5, s6  }
0xf: {  	s5 =	sadd.s32 $0x18000, s6;
	s10 =	sadd.s32 s8, s6;
	s6 =	simm.s32 $0x4B  }
0x10: {  	s14 =	sshrl.u32 s14, $0x3;
	s6 =	simm.s32 @!p0 $0x5;
	s8 =	sadd.s32 $0x3800, s13  }
0x11: {  	s9 =	sadd.s32 $0xD800, s13;
	s10 =	sadd.s32 $0x42800, s10;
	s12 =	sshll.u32 s6, $0x1  }
0x12: {  	[dreg:$0x4] =	wrdreg s12;
	s12 =	sadd.s32 $0xD820, s13;
	s13 =	sadd.s32 $0x3820, s13  }
.LBB2_1:
0x13: {  	[spmem:s14], [sflag:s7] =	dma.local [hbm:s5], $0x2800  }
0x14: {  	_ =	swait.ge [sflag:s15], $0x2800  }
0x15: {  	[sflag:s15] =	ssyncset.done $0x0  }
0x16: {  	[sflag:s15] =	ssyncadd.s32 $0xFFFFD800  }
0x17: {  	[tilespmem:s3], [sflag:$0x5] =	stream.linear.gather [hbm4b:s8+s3], $0x100, $0x38;
	[tilespmem:$0x1C400] =	vst v63  }
0x18: {  	_ =	swait.ge [sflag:s15], $0x100  }
0x19: {  	[sflag:s15] =	ssyncset.done $0x0  }
0x1a: {  	[sflag:s15] =	ssyncadd.s32 $0xFFFFFF00  }
0x1b: {  	[tilespmem:s16], [sflag:$0x5] =	stream.linear.gather [hbm4b:s9+s3], $0x100, $0x38;
	[tilespmem:$0x1C400] =	vst v63  }
0x1c: {  	_ =	swait.ge [sflag:s15], $0x100  }
0x1d: {  	[sflag:s15] =	ssyncset.done $0x0  }
0x1e: {  	s21 =	smov.u32 s13;
	s22 =	smov.u32 s12;
	[sflag:s15] =	ssyncadd.s32 $0xFFFFFF00  }
0x1f: {  	s23 =	simm.s32 $0x1;
	s24 =	simm.s32 $0x0;
	[bflag:$0x0] =	sbarrier.arrive $0xFFFF  }
0x20: {  	[tilespmem:s18], [sflag:$0x1] =	stream.indirect.gather [hbm4b:s4+s17], $0x80, s3, s17, $0xb8;
	[tilespmem:$0x1C400] =	vst v63  }
.LBB2_2:
0x21: {  	s25 =	sand.u32 $0x2, s24  }
0x22: {  	p0 =	sge.u32 s23, s6;
	s26 =	sxor.u32 $0x2, s25  }
0x23: {  	s28 =	simm.s32 @!p0 $0x0;
	s26 =	sshll.u32 @!p0 s26, $0x7  }
0x24: {  	[tilespmem:s26], [sflag:$0x3] =	stream.linear.gather @!p0 [hbm4b:s21+s28], $0x100, $0x38;
	[tilespmem:$0x1C400] =	vst v63  }
0x25: {  	s25 =	sshll.u32 s25, $0x7;
	s29 =	sor.u32 @!p0 $0x200, s26  }
0x26: {  	[tilespmem:s29], [sflag:$0x4] =	stream.linear.gather @!p0 [hbm4b:s22+s28], $0x100, $0x38;
	[tilespmem:$0x1C400] =	vst v63  }
0x27: {  	s30 =	rddreg [dreg:$0x3];
	s29 =	sor.u32 $0x80, s25  }
0x28: {  	[tilespmem:s30], [sflag:$0x2] =	stream.indirect.gather [hbm4b:s4+s17], $0x80, s29, s17, $0xb8;
	[tilespmem:$0x1C400] =	vst v63  }
0x29: {  	_ =	swait.ge [sflag:s19], $0x4000  }
0x2a: {  	[sflag:s19] =	ssyncset.done $0x0  }
0x2b: {  	s25 =	sor.u32 $0x200, s25;
	[sflag:s19] =	ssyncadd.s32 $0xFFFFC000  }
0x2c: {  	[spmem:s2] =	stream.indirect.scatter.add.f32 [tilespmem:s18], [sflag:$0x5], $0x80, s25, s17, $0xb8;
	[tilespmem:$0x1C400] =	vst v63  }
0x2d: {  	_ =	swait.ge [sflag:s15], $0x4000  }
0x2e: {  	[sflag:s15] =	ssyncset.done $0x0  }
0x2f: {  	s25 =	simm.s32 @p0 $0x2;
	[sflag:s15] =	ssyncadd.s32 $0xFFFFC000  }
0x30: {  	_ =	swait.ge @p0 [sflag:s25], $0x4000  }
0x31: {  	s28 =	simm.s32 @p0 $0x80;
	[sflag:s25] =	ssyncset.done @p0 $0x0  }
0x32: {  	s30 =	simm.s32 @p0 $0x4400;
	[sflag:s25] =	ssyncadd.s32 @p0 $0xFFFFC000;
	s25 =	sor.u32 @p0 $0x200, s29  }
0x33: {  	[spmem:s2] =	stream.indirect.scatter.add.f32 @p0 [tilespmem:s30], [sflag:$0x5], $0x80, s25, s28, $0xb8;
	[tilespmem:$0x1C400] =	vst v63  }
0x34: {  	s25 =	simm.s32 @p0 $0x5  }
0x35: {  	_ =	swait.ge @p0 [sflag:s25], $0x4000  }
0x36: {  	[sflag:s25] =	ssyncset.done @p0 $0x0  }
0x37: {  	[sflag:s25] =	ssyncadd.s32 @p0 $0xFFFFC000;
	s25 =	simm.s32 @!p0 $0x3  }
0x38: {  	_ =	swait.ge @!p0 [sflag:s25], $0x100  }
0x39: {  	[sflag:s25] =	ssyncset.done @!p0 $0x0  }
0x3a: {  	s28 =	simm.s32 @!p0 $0x400;
	[sflag:s25] =	ssyncadd.s32 @!p0 $0xFFFFFF00;
	s25 =	simm.s32 @!p0 $0x80  }
0x3b: {  	[tilespmem:s28], [sflag:$0x1] =	stream.indirect.gather @!p0 [hbm4b:s4+s25], $0x80, s26, s25, $0xb8;
	[tilespmem:$0x1C400] =	vst v63  }
0x3c: {  	s26 =	simm.s32 @!p0 $0x2  }
0x3d: {  	_ =	swait.ge @!p0 [sflag:s26], $0x4000  }
0x3e: {  	[sflag:s26] =	ssyncset.done @!p0 $0x0  }
0x3f: {  	s28 =	simm.s32 @!p0 $0x4400;
	[sflag:s26] =	ssyncadd.s32 @!p0 $0xFFFFC000;
	s26 =	sor.u32 @!p0 $0x200, s29  }
0x40: {  	[spmem:s2] =	stream.indirect.scatter.add.f32 @!p0 [tilespmem:s28], [sflag:$0x5], $0x80, s26, s25, $0xb8;
	[tilespmem:$0x1C400] =	vst v63  }
0x41: {  	s25 =	simm.s32 @!p0 $0x5  }
0x42: {  	_ =	swait.ge @!p0 [sflag:s25], $0x4000  }
0x43: {  	[sflag:s25] =	ssyncset.done @!p0 $0x0  }
0x44: {  	[sflag:s25] =	ssyncadd.s32 @!p0 $0xFFFFC000;
	s25 =	simm.s32 @!p0 $0x4  }
0x45: {  	_ =	swait.ge @!p0 [sflag:s25], $0x100  }
0x46: {  	s24 =	sadd.s32 $0x2, s24;
	s31 =	rddreg [dreg:$0x4];
	[sflag:s25] =	ssyncset.done @!p0 $0x0  }
0x47: {  	[sflag:s25] =	ssyncadd.s32 @!p0 $0xFFFFFF00;
	p0 =	sne.s32 s31, s24  }
.Ltmp0:
0x48: {  	_ = 	snop;
	(pc) =	sbr.rel @p0 .LBB2_2-.Ltmp0, $2  }
0x49: {  	_ =	sdelay $0x2  }
0x4a: {  	s23 =	sadd.s32 $0x1, s23;
	s21 =	sadd.s32 $0x20, s21;
	s22 =	sadd.s32 $0x20, s22  }
0x4b: {  	s20 =	sadd.s32 $0x1, s20  }
0x4c: {  	p0 =	sne.s32 s20, s11  }
.Ltmp1:
0x4d: {  	[bflag:$0x0] =	sbarrier.arrive $0xFFFF;
	(pc) =	sbr.rel @p0 .LBB2_1-.Ltmp1, $4  }
0x4e: {  	[hbm:s10], [sflag:s7] =	dma.local [spmem:s14], $0x2800  }
0x4f: {  	_ =	swait.ge [sflag:s15], $0x2800  }
0x50: {  	[sflag:s15] =	ssyncset.done $0x0  }
0x51: {  	[sflag:s15] =	ssyncadd.s32 $0xFFFFD800  }
0x52: {  	_ =	sfence.sel $0x180000  }
0x53: {  	[bflag:$0x0] =	sbarrier.arrive $0xFFFF  }
0x54: {  	p0 =	sne.s32 s1, $0x0;
	_ =	strace $0x90000050  }
0x55: {  	s0 =	sadd.s32 @!p0 $0x100000, s0;
	[bflag:$0x2] =	sbarrier.arrive $0xFFFF  }
0x56: {  	[sflag:s0] =	ssyncadd.tile.s32 @!p0 $0x1;
	_ =	shalt  }
.Lfunc_end2:
_tile_overlayer_lowered:
.L_overlay_start_2:
0x57: {  	(tag) =	ssettag $0x2  }
0x58: {  	s0 =	rddreg [dreg:$0x0];
	s2 =	stileid.u32  }
0x59: {  	s1 =	rddreg [dreg:$0x1];
	p0 =	sne.s32 s2, $0x0  }
0x5a: {  	s3 =	rddreg [dreg:$0x2];
	[bflag:$0x3] =	sbarrier.arrive $0xFFFF;
	s2 =	simm.s32 @!p0 $0x1C05  }
0x5b: {  	[timem:s3], [sflag:s2] =	dma.local @!p0 [hbm:s0], s1  }
0x5c: {  	s0 =	simm.s32 @!p0 $0x5  }
0x5d: {  	_ =	swait.ge @!p0 [sflag:s0], s1  }
0x5e: {  	s1 =	ssub.s32 @!p0 $0x0, s1;
	[sflag:s0] =	ssyncset.done @!p0 $0x0  }
0x5f: {  	[sflag:s0] =	ssyncadd.s32 @!p0 s1  }
0x60: {  	[bflag:$0x3] =	sbarrier.arrive $0xFFFF  }
0x61: {  	_ =	shalt  }

</sc_bundles>
